<compile_context>
chip_gen: v7x
topology: tpu7x:2x2x1
jax: 0.10.2.dev20260603
libtpu: 0.0.44.dev20260713+nightly
codegen_flags: <defaults>
</compile_context>

<pallas_src>
import functools

import jax
import jax.numpy as jnp
from jax import lax
from jax.experimental import pallas as pl
from jax.experimental.pallas import tpu as pltpu
from jax.experimental.pallas import tpu_sc as plsc

B, L = 4096, 200
EMB = 64
ID_DIM = EMB - 8
VOCAB = 201

NC, NS = 2, 16
NW = NC * NS
TOK = B * L
TOK_W = TOK // NW
IW = 128
IDXROWS = 4
CHUNK = IW * IDXROWS
NCHUNK = TOK_W // CHUNK
LANES = 16
GRP = CHUNK // LANES

assert TOK % NW == 0 and TOK_W % CHUNK == 0 and NCHUNK % 2 == 0


def _prep_body(emb_ref, wc_ref, bc_ref, wf_ref, bf_ref, tbl_ref, v_ref):
    wf = wf_ref[...]
    wf1 = wf[:, :ID_DIM]
    wf2 = wf[:, ID_DIM:]
    const = lax.dot_general(bc_ref[...], wf2, (((1,), (1,)), ((), ())),
                            preferred_element_type=jnp.float32) + bf_ref[...]
    tbl = lax.dot_general(emb_ref[...], wf1, (((1,), (1,)), ((), ())),
                          preferred_element_type=jnp.float32)
    tbl_ref[...] = tbl + const
    v_ref[...] = lax.dot_general(wc_ref[...], wf2, (((0,), (1,)), ((), ())),
                                 preferred_element_type=jnp.float32)


_prep = pl.pallas_call(
    _prep_body,
    out_shape=(
        jax.ShapeDtypeStruct((VOCAB, EMB), jnp.float32),
        jax.ShapeDtypeStruct((1, EMB), jnp.float32),
    ),
)


_sc_mesh = plsc.VectorSubcoreMesh(core_axis_name="c", subcore_axis_name="s")


@functools.partial(
    pl.kernel,
    out_type=jax.ShapeDtypeStruct((TOK, 2 * EMB), jnp.float32),
    mesh=_sc_mesh,
    scratch_types=[
        pltpu.VMEM((2, IDXROWS, IW), jnp.int32),
        pltpu.VMEM((2, CHUNK), jnp.float32),
        pltpu.VMEM((2, CHUNK, EMB), jnp.float32),
        pltpu.VMEM_SHARED((VOCAB, EMB), jnp.float32),
        pltpu.VMEM((EMB,), jnp.float32),
        pltpu.SemaphoreType.DMA,
        pltpu.SemaphoreType.DMA,
        pltpu.SemaphoreType.DMA,
        pltpu.SemaphoreType.DMA,
        pltpu.SemaphoreType.DMA,
        pltpu.SemaphoreType.DMA,
        pltpu.SemaphoreType.DMA,
        pltpu.SemaphoreType.DMA,
    ],
    compiler_params=pltpu.CompilerParams(use_tc_tiling_on_sc=False),
)
def _sc_lookup(tbl_hbm, v_hbm, ids2_hbm, cnt_hbm, out_hbm,
               idx_v, cnt_v, rows_v, tbl_v, vv,
               si0, si1, sc0, sc1, sg0, sg1, so0, so1):
    wid = lax.axis_index("s") * NC + lax.axis_index("c")
    base0 = wid * TOK_W
    row0 = wid * (TOK_W // IW)
    sem_i = (si0, si1)
    sem_c = (sc0, sc1)
    sem_g = (sg0, sg1)
    sem_o = (so0, so1)

    pltpu.sync_copy(v_hbm, vv)
    @pl.when(lax.axis_index("s") == 0)
    def _():
        pltpu.sync_copy(tbl_hbm, tbl_v)

    plsc.subcore_barrier()
    vvecs = [vv[pl.ds(j * LANES, LANES)] for j in range(EMB // LANES)]

    def in_copies(k, b):
        return (
            pltpu.make_async_copy(
                ids2_hbm.at[pl.ds(row0 + k * IDXROWS, IDXROWS)],
                idx_v.at[b], sem_i[b]),
            pltpu.make_async_copy(
                cnt_hbm.at[pl.ds(base0 + k * CHUNK, CHUNK)],
                cnt_v.at[b], sem_c[b]),
        )

    def gather_copies(b):
        return [
            pltpu.make_async_copy(
                tbl_v.at[idx_v.at[b, i]],
                rows_v.at[b, pl.ds(i * IW, IW)], sem_g[b])
            for i in range(IDXROWS)
        ]

    def out_copy(k, b):
        return pltpu.make_async_copy(
            rows_v.at[b],
            out_hbm.at[pl.ds(base0 + k * CHUNK, CHUNK), pl.ds(0, EMB)],
            sem_o[b])

    def issue_in(k, b):
        for c in in_copies(k, b):
            c.start()

    def wait_in(k, b):
        for c in in_copies(k, b):
            c.wait()

    def issue_gather(b):
        for c in gather_copies(b):
            c.start()

    def wait_gather(b):
        for c in gather_copies(b):
            c.wait()

    def fma(b):
        def grp_body(g, c):
            cvec = cnt_v[b, pl.ds(g * LANES, LANES)]
            for j in range(LANES):
                t = g * LANES + j
                cj = cvec[j]
                for q in range(EMB // LANES):
                    plsc.addupdate(
                        rows_v.at[b, t, pl.ds(q * LANES, LANES)],
                        cj * vvecs[q])
            return c

        lax.fori_loop(0, GRP, grp_body, 0)

    issue_in(0, 0)
    wait_in(0, 0)
    issue_gather(0)
    issue_in(1, 1)

    def body(m, carry):
        k0 = 2 * m
        k1 = k0 + 1
        k2 = k0 + 2
        k3 = k0 + 3

        wait_gather(0)
        wait_in(k1, 1)

        @pl.when(m > 0)
        def _():
            out_copy(k0 - 1, 1).wait()

        issue_gather(1)
        fma(0)
        out_copy(k0, 0).start()

        @pl.when(k2 < NCHUNK)
        def _():
            issue_in(k2, 0)

        wait_gather(1)

        @pl.when(k2 < NCHUNK)
        def _():
            wait_in(k2, 0)
            out_copy(k0, 0).wait()
            issue_gather(0)

        fma(1)
        out_copy(k1, 1).start()

        @pl.when(k3 < NCHUNK)
        def _():
            issue_in(k3, 1)

        return carry

    lax.fori_loop(0, NCHUNK // 2, body, 0)

    out_copy(NCHUNK - 2, 0).wait()
    out_copy(NCHUNK - 1, 1).wait()


def kernel(relic_ids, counters, emb_table, Wc, bc, Wf, bf):
    ids2 = relic_ids.reshape(TOK // IW, IW).astype(jnp.int32)
    cnt = counters.reshape(TOK).astype(jnp.float32)
    tbl, vrow = _prep(emb_table, Wc, bc.reshape(1, 8), Wf, bf.reshape(1, EMB))
    out = _sc_lookup(tbl, vrow.reshape(EMB), ids2, cnt)
    return out.reshape(B, L, 2 * EMB)[:, :, :EMB]

# --- scband reference (transcript-rebuilt; emitter-appended) ---
"""Pipeline reference for scband-relic-embedding-24352464570231 (READ-ONLY COPY).

The authoritative reference and input builder live on the scoring server;
editing this copy changes nothing except your own understanding.
"""

import jax, jax.numpy as jnp
import numpy as np

B, L = 4096, 200
VOCAB = 201  # max_relics + 1
EMB = 64
ID_DIM = EMB - 8  # 56

def setup_inputs(seed: int = 0) -> dict:
    key = jax.random.key(seed)
    k1, k2, k3, k4, k5 = jax.random.split(key, 5)
    relic_ids = jax.random.randint(k1, (B, L), 0, VOCAB, dtype=jnp.int64 if jax.config.jax_enable_x64 else jnp.int32)
    counters = jax.random.uniform(k2, (B, L), dtype=jnp.float32)
    emb_table = jax.random.normal(k3, (VOCAB, ID_DIM), dtype=jnp.float32) * 0.02
    Wc = jax.random.normal(k4, (8, 1), dtype=jnp.float32) * 0.1
    bc = jnp.zeros((8,), dtype=jnp.float32)
    Wf = jax.random.normal(k5, (EMB, EMB), dtype=jnp.float32) * 0.05
    bf = jnp.zeros((EMB,), dtype=jnp.float32)
    return {"relic_ids": relic_ids, "counters": counters, "emb_table": emb_table,
            "Wc": Wc, "bc": bc, "Wf": Wf, "bf": bf}

def reference(relic_ids, counters, emb_table, Wc, bc, Wf, bf):
    # id_emb = nn.Embedding(max_relics+1, embedding_dim-8)(relic_ids)
    id_emb = jnp.take(emb_table, relic_ids, axis=0)  # [B, L, 56]
    # counter_emb = nn.Linear(1, 8)(counters.unsqueeze(-1).float())
    c = counters[..., None].astype(jnp.float32)       # [B, L, 1]
    counter_emb = c @ Wc.T + bc                       # [B, L, 8]
    # features = cat([id_emb, counter_emb], dim=-1)
    features = jnp.concatenate([id_emb, counter_emb], axis=-1)  # [B, L, 64]
    # return nn.Linear(embedding_dim, embedding_dim)(features)
    return features @ Wf.T + bf                       # [B, L, 64]

if __name__ == "__main__":
    import jax
    _d = setup_inputs()
    print(jax.jit(kernel)(*tuple(_d.values())))

</pallas_src>

<mosaic_0001>
#map = affine_map<(d0, d1) -> (0, 0)>
#map1 = affine_map<(d0, d1) -> (0)>
module attributes {stable_mosaic.version = 14 : i64} {
  func.func @_sc_lookup(%arg0: i32, %arg1: i32, %arg2: memref<201x64xf32, #tpu.memory_space<hbm>>, %arg3: memref<64xf32, #tpu.memory_space<hbm>>, %arg4: memref<6400x128xi32, #tpu.memory_space<hbm>>, %arg5: memref<819200xf32, #tpu.memory_space<hbm>>, %arg6: memref<819200x128xf32, #tpu.memory_space<hbm>>, %arg7: memref<2x4x128xi32, #tpu.memory_space<vmem>>, %arg8: memref<2x512xf32, #tpu.memory_space<vmem>>, %arg9: memref<2x512x64xf32, #tpu.memory_space<vmem>>, %arg10: memref<201x64xf32, #tpu.memory_space<vmem_shared>>, %arg11: memref<64xf32, #tpu.memory_space<vmem>>, %arg12: memref<!tpu.dma_semaphore, #tpu.memory_space<semaphore_mem>>, %arg13: memref<!tpu.dma_semaphore, #tpu.memory_space<semaphore_mem>>, %arg14: memref<!tpu.dma_semaphore, #tpu.memory_space<semaphore_mem>>, %arg15: memref<!tpu.dma_semaphore, #tpu.memory_space<semaphore_mem>>, %arg16: memref<!tpu.dma_semaphore, #tpu.memory_space<semaphore_mem>>, %arg17: memref<!tpu.dma_semaphore, #tpu.memory_space<semaphore_mem>>, %arg18: memref<!tpu.dma_semaphore, #tpu.memory_space<semaphore_mem>>, %arg19: memref<!tpu.dma_semaphore, #tpu.memory_space<semaphore_mem>>) attributes {dimension_semantics = [#tpu.dimension_semantics<core_parallel>, #tpu.dimension_semantics<subcore_parallel>], iteration_bounds = array<i64: 2, 16>, scalar_prefetch = 0 : i64, scratch_operands = 13 : i64, tpu.core_type = #tpu.core_type<sc_vector_subcore>, window_params = [{transform_indices = #map}, {transform_indices = #map1}, {transform_indices = #map}, {transform_indices = #map1}, {transform_indices = #map}]} {
    %mul3A = arith.constant 2 : i32
    %mul3A_0 = arith.muli %arg1, %mul3A : i32
    %add3A = arith.addi %mul3A_0, %arg0 : i32
    %mul3A_1 = arith.constant 25600 : i32
    %mul3A_2 = arith.muli %add3A, %mul3A_1 : i32
    %mul3A_3 = arith.constant 200 : i32
    %mul3A_4 = arith.muli %add3A, %mul3A_3 : i32
    "tpu.region"() ({
      %run_scoped3A = tpu.sem_alloc : memref<!tpu.dma_semaphore, #tpu.memory_space<semaphore_mem>>
      tpu.enqueue_dma source(%arg3 : memref<64xf32, #tpu.memory_space<hbm>>) target(%arg11 : memref<64xf32, #tpu.memory_space<vmem>>) target_semaphore(%run_scoped3A : memref<!tpu.dma_semaphore, #tpu.memory_space<semaphore_mem>>)
      tpu.wait_dma2 semaphore(%run_scoped3A : memref<!tpu.dma_semaphore, #tpu.memory_space<semaphore_mem>>) src(%arg3 : memref<64xf32, #tpu.memory_space<hbm>>) dst(%arg11 : memref<64xf32, #tpu.memory_space<vmem>>)
      tpu.yield
    }) : () -> ()
    %eq3A = arith.constant 0 : i32
    %eq3A_5 = arith.cmpi eq, %arg1, %eq3A : i32
    %convert_element_type3A = arith.extui %eq3A_5 : i1 to i32
    %cond3A = arith.constant 0 : i32
    %cond3A_6 = arith.cmpi ne, %convert_element_type3A, %cond3A : i32
    scf.if %cond3A_6 {
      "tpu.region"() ({
        %run_scoped3A = tpu.sem_alloc : memref<!tpu.dma_semaphore, #tpu.memory_space<semaphore_mem>>
        tpu.enqueue_dma source(%arg2 : memref<201x64xf32, #tpu.memory_space<hbm>>) target(%arg10 : memref<201x64xf32, #tpu.memory_space<vmem_shared>>) target_semaphore(%run_scoped3A : memref<!tpu.dma_semaphore, #tpu.memory_space<semaphore_mem>>)
        tpu.wait_dma2 semaphore(%run_scoped3A : memref<!tpu.dma_semaphore, #tpu.memory_space<semaphore_mem>>) src(%arg2 : memref<201x64xf32, #tpu.memory_space<hbm>>) dst(%arg10 : memref<201x64xf32, #tpu.memory_space<vmem_shared>>)
        tpu.yield
      }) : () -> ()
    } else {
    }
    %barrier3A = arith.constant 0 : index
    tpu.barrier barrier_id(%barrier3A)
    %get3A = arith.constant 0 : index
    %get3A_7 = tpu.vector_load %arg11[%get3A] {strides = array<i32>} : memref<64xf32, #tpu.memory_space<vmem>>, vector<16xf32>,
    %get3A_8 = vector.shape_cast %get3A_7 : vector<16xf32> to vector<16xf32>
    %get3A_9 = arith.constant 16 : index
    %get3A_10 = tpu.vector_load %arg11[%get3A_9] {strides = array<i32>} : memref<64xf32, #tpu.memory_space<vmem>>, vector<16xf32>,
    %get3A_11 = vector.shape_cast %get3A_10 : vector<16xf32> to vector<16xf32>
    %get3A_12 = arith.constant 32 : index
    %get3A_13 = tpu.vector_load %arg11[%get3A_12] {strides = array<i32>} : memref<64xf32, #tpu.memory_space<vmem>>, vector<16xf32>,
    %get3A_14 = vector.shape_cast %get3A_13 : vector<16xf32> to vector<16xf32>
    %get3A_15 = arith.constant 48 : index
    %get3A_16 = tpu.vector_load %arg11[%get3A_15] {strides = array<i32>} : memref<64xf32, #tpu.memory_space<vmem>>, vector<16xf32>,
    %get3A_17 = vector.shape_cast %get3A_16 : vector<16xf32> to vector<16xf32>
    %add3A_18 = arith.constant 0 : i32
    %add3A_19 = arith.addi %mul3A_4, %add3A_18 : i32
    %add3A_20 = arith.constant 0 : i32
    %add3A_21 = arith.addi %mul3A_2, %add3A_20 : i32
    %dma_start3A = arith.constant 0 : i32
    %dma_start3A_22 = arith.constant 0 : i32
    %dma_start3A_23 = arith.constant 0 : i32
    %dma_start3A_24 = tpu.memref_slice %arg7[%dma_start3A, %dma_start3A_22, %dma_start3A_23] : memref<2x4x128xi32, #tpu.memory_space<vmem>> -> memref<1x4x128xi32, #tpu.memory_space<vmem>>
    %dma_start3A_25 = tpu.memref_squeeze %dma_start3A_24 : memref<1x4x128xi32, #tpu.memory_space<vmem>> -> memref<4x128xi32, #tpu.memory_space<vmem>>
    %dma_start3A_26 = arith.constant 0 : i32
    %dma_start3A_27 = tpu.memref_slice %arg4[%add3A_19, %dma_start3A_26] : memref<6400x128xi32, #tpu.memory_space<hbm>> -> memref<4x128xi32, #tpu.memory_space<hbm>>
    %dma_start3A_28 = arith.constant 0 : i32
    %dma_start3A_29 = arith.constant 0 : i32
    %dma_start3A_30 = tpu.memref_slice %arg7[%dma_start3A, %dma_start3A_28, %dma_start3A_29] : memref<2x4x128xi32, #tpu.memory_space<vmem>> -> memref<1x4x128xi32, #tpu.memory_space<vmem>>
    %dma_start3A_31 = tpu.memref_squeeze %dma_start3A_30 : memref<1x4x128xi32, #tpu.memory_space<vmem>> -> memref<4x128xi32, #tpu.memory_space<vmem>>
    %dma_start3A_32 = arith.constant 0 : i32
    %dma_start3A_33 = tpu.memref_slice %arg4[%add3A_19, %dma_start3A_32] : memref<6400x128xi32, #tpu.memory_space<hbm>> -> memref<4x128xi32, #tpu.memory_space<hbm>>
    tpu.enqueue_dma source(%dma_start3A_33 : memref<4x128xi32, #tpu.memory_space<hbm>>) target(%dma_start3A_31 : memref<4x128xi32, #tpu.memory_space<vmem>>) target_semaphore(%arg12 : memref<!tpu.dma_semaphore, #tpu.memory_space<semaphore_mem>>)
    %dma_start3A_34 = arith.constant 0 : i32
    %dma_start3A_35 = arith.constant 0 : i32
    %dma_start3A_36 = tpu.memref_slice %arg8[%dma_start3A_34, %dma_start3A_35] : memref<2x512xf32, #tpu.memory_space<vmem>> -> memref<1x512xf32, #tpu.memory_space<vmem>>
    %dma_start3A_37 = tpu.memref_squeeze %dma_start3A_36 : memref<1x512xf32, #tpu.memory_space<vmem>> -> memref<512xf32, #tpu.memory_space<vmem>>
    %dma_start3A_38 = tpu.memref_slice %arg5[%add3A_21] : memref<819200xf32, #tpu.memory_space<hbm>> -> memref<512xf32, #tpu.memory_space<hbm>>
    %dma_start3A_39 = arith.constant 0 : i32
    %dma_start3A_40 = tpu.memref_slice %arg8[%dma_start3A_34, %dma_start3A_39] : memref<2x512xf32, #tpu.memory_space<vmem>> -> memref<1x512xf32, #tpu.memory_space<vmem>>
    %dma_start3A_41 = tpu.memref_squeeze %dma_start3A_40 : memref<1x512xf32, #tpu.memory_space<vmem>> -> memref<512xf32, #tpu.memory_space<vmem>>
    %dma_start3A_42 = tpu.memref_slice %arg5[%add3A_21] : memref<819200xf32, #tpu.memory_space<hbm>> -> memref<512xf32, #tpu.memory_space<hbm>>
    tpu.enqueue_dma source(%dma_start3A_42 : memref<512xf32, #tpu.memory_space<hbm>>) target(%dma_start3A_41 : memref<512xf32, #tpu.memory_space<vmem>>) target_semaphore(%arg14 : memref<!tpu.dma_semaphore, #tpu.memory_space<semaphore_mem>>)
    %add3A_43 = arith.constant 0 : i32
    %add3A_44 = arith.addi %mul3A_4, %add3A_43 : i32
    %add3A_45 = arith.constant 0 : i32
    %add3A_46 = arith.addi %mul3A_2, %add3A_45 : i32
    %dma_wait3A = arith.constant 0 : i32
    %dma_wait3A_47 = arith.constant 0 : i32
    %dma_wait3A_48 = arith.constant 0 : i32
    %dma_wait3A_49 = tpu.memref_slice %arg7[%dma_wait3A, %dma_wait3A_47, %dma_wait3A_48] : memref<2x4x128xi32, #tpu.memory_space<vmem>> -> memref<1x4x128xi32, #tpu.memory_space<vmem>>
    %dma_wait3A_50 = tpu.memref_squeeze %dma_wait3A_49 : memref<1x4x128xi32, #tpu.memory_space<vmem>> -> memref<4x128xi32, #tpu.memory_space<vmem>>
    %dma_wait3A_51 = arith.constant 0 : i32
    %dma_wait3A_52 = tpu.memref_slice %arg4[%add3A_44, %dma_wait3A_51] : memref<6400x128xi32, #tpu.memory_space<hbm>> -> memref<4x128xi32, #tpu.memory_space<hbm>>
    %dma_wait3A_53 = arith.constant 0 : i32
    %dma_wait3A_54 = arith.constant 0 : i32
    %dma_wait3A_55 = tpu.memref_slice %arg7[%dma_wait3A, %dma_wait3A_53, %dma_wait3A_54] : memref<2x4x128xi32, #tpu.memory_space<vmem>> -> memref<1x4x128xi32, #tpu.memory_space<vmem>>
    %dma_wait3A_56 = tpu.memref_squeeze %dma_wait3A_55 : memref<1x4x128xi32, #tpu.memory_space<vmem>> -> memref<4x128xi32, #tpu.memory_space<vmem>>
    %dma_wait3A_57 = arith.constant 0 : i32
    %dma_wait3A_58 = tpu.memref_slice %arg4[%add3A_44, %dma_wait3A_57] : memref<6400x128xi32, #tpu.memory_space<hbm>> -> memref<4x128xi32, #tpu.memory_space<hbm>>
    tpu.wait_dma2 semaphore(%arg12 : memref<!tpu.dma_semaphore, #tpu.memory_space<semaphore_mem>>) src(%dma_wait3A_58 : memref<4x128xi32, #tpu.memory_space<hbm>>) dst(%dma_wait3A_56 : memref<4x128xi32, #tpu.memory_space<vmem>>)
    %dma_wait3A_59 = arith.constant 0 : i32
    %dma_wait3A_60 = arith.constant 0 : i32
    %dma_wait3A_61 = tpu.memref_slice %arg8[%dma_wait3A_59, %dma_wait3A_60] : memref<2x512xf32, #tpu.memory_space<vmem>> -> memref<1x512xf32, #tpu.memory_space<vmem>>
    %dma_wait3A_62 = tpu.memref_squeeze %dma_wait3A_61 : memref<1x512xf32, #tpu.memory_space<vmem>> -> memref<512xf32, #tpu.memory_space<vmem>>
    %dma_wait3A_63 = tpu.memref_slice %arg5[%add3A_46] : memref<819200xf32, #tpu.memory_space<hbm>> -> memref<512xf32, #tpu.memory_space<hbm>>
    %dma_wait3A_64 = arith.constant 0 : i32
    %dma_wait3A_65 = tpu.memref_slice %arg8[%dma_wait3A_59, %dma_wait3A_64] : memref<2x512xf32, #tpu.memory_space<vmem>> -> memref<1x512xf32, #tpu.memory_space<vmem>>
    %dma_wait3A_66 = tpu.memref_squeeze %dma_wait3A_65 : memref<1x512xf32, #tpu.memory_space<vmem>> -> memref<512xf32, #tpu.memory_space<vmem>>
    %dma_wait3A_67 = tpu.memref_slice %arg5[%add3A_46] : memref<819200xf32, #tpu.memory_space<hbm>> -> memref<512xf32, #tpu.memory_space<hbm>>
    tpu.wait_dma2 semaphore(%arg14 : memref<!tpu.dma_semaphore, #tpu.memory_space<semaphore_mem>>) src(%dma_wait3A_67 : memref<512xf32, #tpu.memory_space<hbm>>) dst(%dma_wait3A_66 : memref<512xf32, #tpu.memory_space<vmem>>)
    %dma_start3A_68 = arith.constant 0 : i32
    %dma_start3A_69 = arith.constant 0 : i32
    %dma_start3A_70 = arith.constant 0 : i32
    %dma_start3A_71 = arith.constant 0 : i32
    %dma_start3A_72 = arith.constant 0 : i32
    %dma_start3A_73 = tpu.memref_slice %arg9[%dma_start3A_70, %dma_start3A_71, %dma_start3A_72] : memref<2x512x64xf32, #tpu.memory_space<vmem>> -> memref<1x128x64xf32, #tpu.memory_space<vmem>>
    %dma_start3A_74 = tpu.memref_squeeze %dma_start3A_73 : memref<1x128x64xf32, #tpu.memory_space<vmem>> -> memref<128x64xf32, #tpu.memory_space<vmem>>
    %dma_start3A_75 = arith.constant 0 : i32
    %dma_start3A_76 = tpu.memref_slice %arg7[%dma_start3A_68, %dma_start3A_69, %dma_start3A_75] : memref<2x4x128xi32, #tpu.memory_space<vmem>> -> memref<1x1x128xi32, #tpu.memory_space<vmem>>
    %dma_start3A_77 = tpu.memref_squeeze %dma_start3A_76 : memref<1x1x128xi32, #tpu.memory_space<vmem>> -> memref<128xi32, #tpu.memory_space<vmem>>
    %dma_start3A_78 = arith.constant 0 : i32
    %dma_start3A_79 = arith.constant 0 : i32
    %dma_start3A_80 = tpu.memref_slice %arg10[%dma_start3A_78, %dma_start3A_79] : memref<201x64xf32, #tpu.memory_space<vmem_shared>> -> memref<201x64xf32, #tpu.memory_space<vmem_shared>>
    tpu.enqueue_indirect_dma source(%dma_start3A_80 : memref<201x64xf32, #tpu.memory_space<vmem_shared>>) target(%dma_start3A_74 : memref<128x64xf32, #tpu.memory_space<vmem>>) offsets(%dma_start3A_77 : memref<128xi32, #tpu.memory_space<vmem>>) semaphore(%arg16 : memref<!tpu.dma_semaphore, #tpu.memory_space<semaphore_mem>>)
    %dma_start3A_81 = arith.constant 0 : i32
    %dma_start3A_82 = arith.constant 1 : i32
    %dma_start3A_83 = arith.constant 0 : i32
    %dma_start3A_84 = arith.constant 128 : i32
    %dma_start3A_85 = arith.constant 0 : i32
    %dma_start3A_86 = tpu.memref_slice %arg9[%dma_start3A_83, %dma_start3A_84, %dma_start3A_85] : memref<2x512x64xf32, #tpu.memory_space<vmem>> -> memref<1x128x64xf32, #tpu.memory_space<vmem>>
    %dma_start3A_87 = tpu.memref_squeeze %dma_start3A_86 : memref<1x128x64xf32, #tpu.memory_space<vmem>> -> memref<128x64xf32, #tpu.memory_space<vmem>>
    %dma_start3A_88 = arith.constant 0 : i32
    %dma_start3A_89 = tpu.memref_slice %arg7[%dma_start3A_81, %dma_start3A_82, %dma_start3A_88] : memref<2x4x128xi32, #tpu.memory_space<vmem>> -> memref<1x1x128xi32, #tpu.memory_space<vmem>>
    %dma_start3A_90 = tpu.memref_squeeze %dma_start3A_89 : memref<1x1x128xi32, #tpu.memory_space<vmem>> -> memref<128xi32, #tpu.memory_space<vmem>>
    %dma_start3A_91 = arith.constant 0 : i32
    %dma_start3A_92 = arith.constant 0 : i32
    %dma_start3A_93 = tpu.memref_slice %arg10[%dma_start3A_91, %dma_start3A_92] : memref<201x64xf32, #tpu.memory_space<vmem_shared>> -> memref<201x64xf32, #tpu.memory_space<vmem_shared>>
    tpu.enqueue_indirect_dma source(%dma_start3A_93 : memref<201x64xf32, #tpu.memory_space<vmem_shared>>) target(%dma_start3A_87 : memref<128x64xf32, #tpu.memory_space<vmem>>) offsets(%dma_start3A_90 : memref<128xi32, #tpu.memory_space<vmem>>) semaphore(%arg16 : memref<!tpu.dma_semaphore, #tpu.memory_space<semaphore_mem>>)
    %dma_start3A_94 = arith.constant 0 : i32
    %dma_start3A_95 = arith.constant 2 : i32
    %dma_start3A_96 = arith.constant 0 : i32
    %dma_start3A_97 = arith.constant 256 : i32
    %dma_start3A_98 = arith.constant 0 : i32
    %dma_start3A_99 = tpu.memref_slice %arg9[%dma_start3A_96, %dma_start3A_97, %dma_start3A_98] : memref<2x512x64xf32, #tpu.memory_space<vmem>> -> memref<1x128x64xf32, #tpu.memory_space<vmem>>
    %dma_start3A_100 = tpu.memref_squeeze %dma_start3A_99 : memref<1x128x64xf32, #tpu.memory_space<vmem>> -> memref<128x64xf32, #tpu.memory_space<vmem>>
    %dma_start3A_101 = arith.constant 0 : i32
    %dma_start3A_102 = tpu.memref_slice %arg7[%dma_start3A_94, %dma_start3A_95, %dma_start3A_101] : memref<2x4x128xi32, #tpu.memory_space<vmem>> -> memref<1x1x128xi32, #tpu.memory_space<vmem>>
    %dma_start3A_103 = tpu.memref_squeeze %dma_start3A_102 : memref<1x1x128xi32, #tpu.memory_space<vmem>> -> memref<128xi32, #tpu.memory_space<vmem>>
    %dma_start3A_104 = arith.constant 0 : i32
    %dma_start3A_105 = arith.constant 0 : i32
    %dma_start3A_106 = tpu.memref_slice %arg10[%dma_start3A_104, %dma_start3A_105] : memref<201x64xf32, #tpu.memory_space<vmem_shared>> -> memref<201x64xf32, #tpu.memory_space<vmem_shared>>
    tpu.enqueue_indirect_dma source(%dma_start3A_106 : memref<201x64xf32, #tpu.memory_space<vmem_shared>>) target(%dma_start3A_100 : memref<128x64xf32, #tpu.memory_space<vmem>>) offsets(%dma_start3A_103 : memref<128xi32, #tpu.memory_space<vmem>>) semaphore(%arg16 : memref<!tpu.dma_semaphore, #tpu.memory_space<semaphore_mem>>)
    %dma_start3A_107 = arith.constant 0 : i32
    %dma_start3A_108 = arith.constant 3 : i32
    %dma_start3A_109 = arith.constant 0 : i32
    %dma_start3A_110 = arith.constant 384 : i32
    %dma_start3A_111 = arith.constant 0 : i32
    %dma_start3A_112 = tpu.memref_slice %arg9[%dma_start3A_109, %dma_start3A_110, %dma_start3A_111] : memref<2x512x64xf32, #tpu.memory_space<vmem>> -> memref<1x128x64xf32, #tpu.memory_space<vmem>>
    %dma_start3A_113 = tpu.memref_squeeze %dma_start3A_112 : memref<1x128x64xf32, #tpu.memory_space<vmem>> -> memref<128x64xf32, #tpu.memory_space<vmem>>
    %dma_start3A_114 = arith.constant 0 : i32
    %dma_start3A_115 = tpu.memref_slice %arg7[%dma_start3A_107, %dma_start3A_108, %dma_start3A_114] : memref<2x4x128xi32, #tpu.memory_space<vmem>> -> memref<1x1x128xi32, #tpu.memory_space<vmem>>
    %dma_start3A_116 = tpu.memref_squeeze %dma_start3A_115 : memref<1x1x128xi32, #tpu.memory_space<vmem>> -> memref<128xi32, #tpu.memory_space<vmem>>
    %dma_start3A_117 = arith.constant 0 : i32
    %dma_start3A_118 = arith.constant 0 : i32
    %dma_start3A_119 = tpu.memref_slice %arg10[%dma_start3A_117, %dma_start3A_118] : memref<201x64xf32, #tpu.memory_space<vmem_shared>> -> memref<201x64xf32, #tpu.memory_space<vmem_shared>>
    tpu.enqueue_indirect_dma source(%dma_start3A_119 : memref<201x64xf32, #tpu.memory_space<vmem_shared>>) target(%dma_start3A_113 : memref<128x64xf32, #tpu.memory_space<vmem>>) offsets(%dma_start3A_116 : memref<128xi32, #tpu.memory_space<vmem>>) semaphore(%arg16 : memref<!tpu.dma_semaphore, #tpu.memory_space<semaphore_mem>>)
    %add3A_120 = arith.constant 4 : i32
    %add3A_121 = arith.addi %mul3A_4, %add3A_120 : i32
    %add3A_122 = arith.constant 512 : i32
    %add3A_123 = arith.addi %mul3A_2, %add3A_122 : i32
    %dma_start3A_124 = arith.constant 1 : i32
    %dma_start3A_125 = arith.constant 0 : i32
    %dma_start3A_126 = arith.constant 0 : i32
    %dma_start3A_127 = tpu.memref_slice %arg7[%dma_start3A_124, %dma_start3A_125, %dma_start3A_126] : memref<2x4x128xi32, #tpu.memory_space<vmem>> -> memref<1x4x128xi32, #tpu.memory_space<vmem>>
    %dma_start3A_128 = tpu.memref_squeeze %dma_start3A_127 : memref<1x4x128xi32, #tpu.memory_space<vmem>> -> memref<4x128xi32, #tpu.memory_space<vmem>>
    %dma_start3A_129 = arith.constant 0 : i32
    %dma_start3A_130 = tpu.memref_slice %arg4[%add3A_121, %dma_start3A_129] : memref<6400x128xi32, #tpu.memory_space<hbm>> -> memref<4x128xi32, #tpu.memory_space<hbm>>
    %dma_start3A_131 = arith.constant 0 : i32
    %dma_start3A_132 = arith.constant 0 : i32
    %dma_start3A_133 = tpu.memref_slice %arg7[%dma_start3A_124, %dma_start3A_131, %dma_start3A_132] : memref<2x4x128xi32, #tpu.memory_space<vmem>> -> memref<1x4x128xi32, #tpu.memory_space<vmem>>
    %dma_start3A_134 = tpu.memref_squeeze %dma_start3A_133 : memref<1x4x128xi32, #tpu.memory_space<vmem>> -> memref<4x128xi32, #tpu.memory_space<vmem>>
    %dma_start3A_135 = arith.constant 0 : i32
    %dma_start3A_136 = tpu.memref_slice %arg4[%add3A_121, %dma_start3A_135] : memref<6400x128xi32, #tpu.memory_space<hbm>> -> memref<4x128xi32, #tpu.memory_space<hbm>>
    tpu.enqueue_dma source(%dma_start3A_136 : memref<4x128xi32, #tpu.memory_space<hbm>>) target(%dma_start3A_134 : memref<4x128xi32, #tpu.memory_space<vmem>>) target_semaphore(%arg13 : memref<!tpu.dma_semaphore, #tpu.memory_space<semaphore_mem>>)
    %dma_start3A_137 = arith.constant 1 : i32
    %dma_start3A_138 = arith.constant 0 : i32
    %dma_start3A_139 = tpu.memref_slice %arg8[%dma_start3A_137, %dma_start3A_138] : memref<2x512xf32, #tpu.memory_space<vmem>> -> memref<1x512xf32, #tpu.memory_space<vmem>>
    %dma_start3A_140 = tpu.memref_squeeze %dma_start3A_139 : memref<1x512xf32, #tpu.memory_space<vmem>> -> memref<512xf32, #tpu.memory_space<vmem>>
    %dma_start3A_141 = tpu.memref_slice %arg5[%add3A_123] : memref<819200xf32, #tpu.memory_space<hbm>> -> memref<512xf32, #tpu.memory_space<hbm>>
    %dma_start3A_142 = arith.constant 0 : i32
    %dma_start3A_143 = tpu.memref_slice %arg8[%dma_start3A_137, %dma_start3A_142] : memref<2x512xf32, #tpu.memory_space<vmem>> -> memref<1x512xf32, #tpu.memory_space<vmem>>
    %dma_start3A_144 = tpu.memref_squeeze %dma_start3A_143 : memref<1x512xf32, #tpu.memory_space<vmem>> -> memref<512xf32, #tpu.memory_space<vmem>>
    %dma_start3A_145 = tpu.memref_slice %arg5[%add3A_123] : memref<819200xf32, #tpu.memory_space<hbm>> -> memref<512xf32, #tpu.memory_space<hbm>>
    tpu.enqueue_dma source(%dma_start3A_145 : memref<512xf32, #tpu.memory_space<hbm>>) target(%dma_start3A_144 : memref<512xf32, #tpu.memory_space<vmem>>) target_semaphore(%arg15 : memref<!tpu.dma_semaphore, #tpu.memory_space<semaphore_mem>>)
    %scan3A = arith.constant 0 : i32
    %scan3A_146 = arith.constant 0 : i32
    %scan3A_147 = arith.constant 25 : i32
    %scan3A_148 = arith.addi %scan3A_146, %scan3A_147 : i32
    %scan3A_149 = arith.constant 1 : i32
    scf.for %scan3A_181 = %scan3A_146 to %scan3A_148 step %scan3A_149  : i32 {
      %mul3A_182 = arith.constant 2 : i32
      %mul3A_183 = arith.muli %mul3A_182, %scan3A_181 : i32
      %add3A_184 = arith.constant 1 : i32
      %add3A_185 = arith.addi %mul3A_183, %add3A_184 : i32
      %add3A_186 = arith.constant 2 : i32
      %add3A_187 = arith.addi %mul3A_183, %add3A_186 : i32
      %add3A_188 = arith.constant 3 : i32
      %add3A_189 = arith.addi %mul3A_183, %add3A_188 : i32
      %dma_wait3A_190 = arith.constant 0 : i32
      %dma_wait3A_191 = arith.constant 0 : i32
      %dma_wait3A_192 = arith.constant 0 : i32
      %dma_wait3A_193 = arith.constant 0 : i32
      %dma_wait3A_194 = arith.constant 0 : i32
      %dma_wait3A_195 = tpu.memref_slice %arg9[%dma_wait3A_192, %dma_wait3A_193, %dma_wait3A_194] : memref<2x512x64xf32, #tpu.memory_space<vmem>> -> memref<1x128x64xf32, #tpu.memory_space<vmem>>
      %dma_wait3A_196 = tpu.memref_squeeze %dma_wait3A_195 : memref<1x128x64xf32, #tpu.memory_space<vmem>> -> memref<128x64xf32, #tpu.memory_space<vmem>>
      %dma_wait3A_197 = arith.constant 0 : i32
      %dma_wait3A_198 = tpu.memref_slice %arg7[%dma_wait3A_190, %dma_wait3A_191, %dma_wait3A_197] : memref<2x4x128xi32, #tpu.memory_space<vmem>> -> memref<1x1x128xi32, #tpu.memory_space<vmem>>
      %dma_wait3A_199 = tpu.memref_squeeze %dma_wait3A_198 : memref<1x1x128xi32, #tpu.memory_space<vmem>> -> memref<128xi32, #tpu.memory_space<vmem>>
      %dma_wait3A_200 = arith.constant 0 : i32
      %dma_wait3A_201 = arith.constant 0 : i32
      %dma_wait3A_202 = tpu.memref_slice %arg10[%dma_wait3A_200, %dma_wait3A_201] : memref<201x64xf32, #tpu.memory_space<vmem_shared>> -> memref<201x64xf32, #tpu.memory_space<vmem_shared>>
      tpu.wait_indirect_dma semaphore(%arg16 : memref<!tpu.dma_semaphore, #tpu.memory_space<semaphore_mem>>) src(%dma_wait3A_202 : memref<201x64xf32, #tpu.memory_space<vmem_shared>>) dst(%dma_wait3A_196 : memref<128x64xf32, #tpu.memory_space<vmem>>)
      %dma_wait3A_203 = arith.constant 0 : i32
      %dma_wait3A_204 = arith.constant 1 : i32
      %dma_wait3A_205 = arith.constant 0 : i32
      %dma_wait3A_206 = arith.constant 128 : i32
      %dma_wait3A_207 = arith.constant 0 : i32
      %dma_wait3A_208 = tpu.memref_slice %arg9[%dma_wait3A_205, %dma_wait3A_206, %dma_wait3A_207] : memref<2x512x64xf32, #tpu.memory_space<vmem>> -> memref<1x128x64xf32, #tpu.memory_space<vmem>>
      %dma_wait3A_209 = tpu.memref_squeeze %dma_wait3A_208 : memref<1x128x64xf32, #tpu.memory_space<vmem>> -> memref<128x64xf32, #tpu.memory_space<vmem>>
      %dma_wait3A_210 = arith.constant 0 : i32
      %dma_wait3A_211 = tpu.memref_slice %arg7[%dma_wait3A_203, %dma_wait3A_204, %dma_wait3A_210] : memref<2x4x128xi32, #tpu.memory_space<vmem>> -> memref<1x1x128xi32, #tpu.memory_space<vmem>>
      %dma_wait3A_212 = tpu.memref_squeeze %dma_wait3A_211 : memref<1x1x128xi32, #tpu.memory_space<vmem>> -> memref<128xi32, #tpu.memory_space<vmem>>
      %dma_wait3A_213 = arith.constant 0 : i32
      %dma_wait3A_214 = arith.constant 0 : i32
      %dma_wait3A_215 = tpu.memref_slice %arg10[%dma_wait3A_213, %dma_wait3A_214] : memref<201x64xf32, #tpu.memory_space<vmem_shared>> -> memref<201x64xf32, #tpu.memory_space<vmem_shared>>
      tpu.wait_indirect_dma semaphore(%arg16 : memref<!tpu.dma_semaphore, #tpu.memory_space<semaphore_mem>>) src(%dma_wait3A_215 : memref<201x64xf32, #tpu.memory_space<vmem_shared>>) dst(%dma_wait3A_209 : memref<128x64xf32, #tpu.memory_space<vmem>>)
      %dma_wait3A_216 = arith.constant 0 : i32
      %dma_wait3A_217 = arith.constant 2 : i32
      %dma_wait3A_218 = arith.constant 0 : i32
      %dma_wait3A_219 = arith.constant 256 : i32
      %dma_wait3A_220 = arith.constant 0 : i32
      %dma_wait3A_221 = tpu.memref_slice %arg9[%dma_wait3A_218, %dma_wait3A_219, %dma_wait3A_220] : memref<2x512x64xf32, #tpu.memory_space<vmem>> -> memref<1x128x64xf32, #tpu.memory_space<vmem>>
      %dma_wait3A_222 = tpu.memref_squeeze %dma_wait3A_221 : memref<1x128x64xf32, #tpu.memory_space<vmem>> -> memref<128x64xf32, #tpu.memory_space<vmem>>
      %dma_wait3A_223 = arith.constant 0 : i32
      %dma_wait3A_224 = tpu.memref_slice %arg7[%dma_wait3A_216, %dma_wait3A_217, %dma_wait3A_223] : memref<2x4x128xi32, #tpu.memory_space<vmem>> -> memref<1x1x128xi32, #tpu.memory_space<vmem>>
      %dma_wait3A_225 = tpu.memref_squeeze %dma_wait3A_224 : memref<1x1x128xi32, #tpu.memory_space<vmem>> -> memref<128xi32, #tpu.memory_space<vmem>>
      %dma_wait3A_226 = arith.constant 0 : i32
      %dma_wait3A_227 = arith.constant 0 : i32
      %dma_wait3A_228 = tpu.memref_slice %arg10[%dma_wait3A_226, %dma_wait3A_227] : memref<201x64xf32, #tpu.memory_space<vmem_shared>> -> memref<201x64xf32, #tpu.memory_space<vmem_shared>>
      tpu.wait_indirect_dma semaphore(%arg16 : memref<!tpu.dma_semaphore, #tpu.memory_space<semaphore_mem>>) src(%dma_wait3A_228 : memref<201x64xf32, #tpu.memory_space<vmem_shared>>) dst(%dma_wait3A_222 : memref<128x64xf32, #tpu.memory_space<vmem>>)
      %dma_wait3A_229 = arith.constant 0 : i32
      %dma_wait3A_230 = arith.constant 3 : i32
      %dma_wait3A_231 = arith.constant 0 : i32
      %dma_wait3A_232 = arith.constant 384 : i32
      %dma_wait3A_233 = arith.constant 0 : i32
      %dma_wait3A_234 = tpu.memref_slice %arg9[%dma_wait3A_231, %dma_wait3A_232, %dma_wait3A_233] : memref<2x512x64xf32, #tpu.memory_space<vmem>> -> memref<1x128x64xf32, #tpu.memory_space<vmem>>
      %dma_wait3A_235 = tpu.memref_squeeze %dma_wait3A_234 : memref<1x128x64xf32, #tpu.memory_space<vmem>> -> memref<128x64xf32, #tpu.memory_space<vmem>>
      %dma_wait3A_236 = arith.constant 0 : i32
      %dma_wait3A_237 = tpu.memref_slice %arg7[%dma_wait3A_229, %dma_wait3A_230, %dma_wait3A_236] : memref<2x4x128xi32, #tpu.memory_space<vmem>> -> memref<1x1x128xi32, #tpu.memory_space<vmem>>
      %dma_wait3A_238 = tpu.memref_squeeze %dma_wait3A_237 : memref<1x1x128xi32, #tpu.memory_space<vmem>> -> memref<128xi32, #tpu.memory_space<vmem>>
      %dma_wait3A_239 = arith.constant 0 : i32
      %dma_wait3A_240 = arith.constant 0 : i32
      %dma_wait3A_241 = tpu.memref_slice %arg10[%dma_wait3A_239, %dma_wait3A_240] : memref<201x64xf32, #tpu.memory_space<vmem_shared>> -> memref<201x64xf32, #tpu.memory_space<vmem_shared>>
      tpu.wait_indirect_dma semaphore(%arg16 : memref<!tpu.dma_semaphore, #tpu.memory_space<semaphore_mem>>) src(%dma_wait3A_241 : memref<201x64xf32, #tpu.memory_space<vmem_shared>>) dst(%dma_wait3A_235 : memref<128x64xf32, #tpu.memory_space<vmem>>)
      %mul3A_242 = arith.constant 4 : i32
      %mul3A_243 = arith.muli %add3A_185, %mul3A_242 : i32
      %add3A_244 = arith.addi %mul3A_4, %mul3A_243 : i32
      %mul3A_245 = arith.constant 512 : i32
      %mul3A_246 = arith.muli %add3A_185, %mul3A_245 : i32
      %add3A_247 = arith.addi %mul3A_2, %mul3A_246 : i32
      %dma_wait3A_248 = arith.constant 1 : i32
      %dma_wait3A_249 = arith.constant 0 : i32
      %dma_wait3A_250 = arith.constant 0 : i32
      %dma_wait3A_251 = tpu.memref_slice %arg7[%dma_wait3A_248, %dma_wait3A_249, %dma_wait3A_250] : memref<2x4x128xi32, #tpu.memory_space<vmem>> -> memref<1x4x128xi32, #tpu.memory_space<vmem>>
      %dma_wait3A_252 = tpu.memref_squeeze %dma_wait3A_251 : memref<1x4x128xi32, #tpu.memory_space<vmem>> -> memref<4x128xi32, #tpu.memory_space<vmem>>
      %dma_wait3A_253 = arith.constant 0 : i32
      %dma_wait3A_254 = tpu.memref_slice %arg4[%add3A_244, %dma_wait3A_253] : memref<6400x128xi32, #tpu.memory_space<hbm>> -> memref<4x128xi32, #tpu.memory_space<hbm>>
      %dma_wait3A_255 = arith.constant 0 : i32
      %dma_wait3A_256 = arith.constant 0 : i32
      %dma_wait3A_257 = tpu.memref_slice %arg7[%dma_wait3A_248, %dma_wait3A_255, %dma_wait3A_256] : memref<2x4x128xi32, #tpu.memory_space<vmem>> -> memref<1x4x128xi32, #tpu.memory_space<vmem>>
      %dma_wait3A_258 = tpu.memref_squeeze %dma_wait3A_257 : memref<1x4x128xi32, #tpu.memory_space<vmem>> -> memref<4x128xi32, #tpu.memory_space<vmem>>
      %dma_wait3A_259 = arith.constant 0 : i32
      %dma_wait3A_260 = tpu.memref_slice %arg4[%add3A_244, %dma_wait3A_259] : memref<6400x128xi32, #tpu.memory_space<hbm>> -> memref<4x128xi32, #tpu.memory_space<hbm>>
      tpu.wait_dma2 semaphore(%arg13 : memref<!tpu.dma_semaphore, #tpu.memory_space<semaphore_mem>>) src(%dma_wait3A_260 : memref<4x128xi32, #tpu.memory_space<hbm>>) dst(%dma_wait3A_258 : memref<4x128xi32, #tpu.memory_space<vmem>>)
      %dma_wait3A_261 = arith.constant 1 : i32
      %dma_wait3A_262 = arith.constant 0 : i32
      %dma_wait3A_263 = tpu.memref_slice %arg8[%dma_wait3A_261, %dma_wait3A_262] : memref<2x512xf32, #tpu.memory_space<vmem>> -> memref<1x512xf32, #tpu.memory_space<vmem>>
      %dma_wait3A_264 = tpu.memref_squeeze %dma_wait3A_263 : memref<1x512xf32, #tpu.memory_space<vmem>> -> memref<512xf32, #tpu.memory_space<vmem>>
      %dma_wait3A_265 = tpu.memref_slice %arg5[%add3A_247] : memref<819200xf32, #tpu.memory_space<hbm>> -> memref<512xf32, #tpu.memory_space<hbm>>
      %dma_wait3A_266 = arith.constant 0 : i32
      %dma_wait3A_267 = tpu.memref_slice %arg8[%dma_wait3A_261, %dma_wait3A_266] : memref<2x512xf32, #tpu.memory_space<vmem>> -> memref<1x512xf32, #tpu.memory_space<vmem>>
      %dma_wait3A_268 = tpu.memref_squeeze %dma_wait3A_267 : memref<1x512xf32, #tpu.memory_space<vmem>> -> memref<512xf32, #tpu.memory_space<vmem>>
      %dma_wait3A_269 = tpu.memref_slice %arg5[%add3A_247] : memref<819200xf32, #tpu.memory_space<hbm>> -> memref<512xf32, #tpu.memory_space<hbm>>
      tpu.wait_dma2 semaphore(%arg15 : memref<!tpu.dma_semaphore, #tpu.memory_space<semaphore_mem>>) src(%dma_wait3A_269 : memref<512xf32, #tpu.memory_space<hbm>>) dst(%dma_wait3A_268 : memref<512xf32, #tpu.memory_space<vmem>>)
      %gt3A = arith.constant 0 : i32
      %gt3A_270 = arith.cmpi sgt, %scan3A_181, %gt3A : i32
      %convert_element_type3A_271 = arith.extui %gt3A_270 : i1 to i32
      %cond3A_272 = arith.constant 0 : i32
      %cond3A_273 = arith.cmpi ne, %convert_element_type3A_271, %cond3A_272 : i32
      scf.if %cond3A_273 {
        %sub3A = arith.constant 1 : i32
        %sub3A_436 = arith.subi %mul3A_183, %sub3A : i32
        %mul3A_437 = arith.constant 512 : i32
        %mul3A_438 = arith.muli %sub3A_436, %mul3A_437 : i32
        %add3A_439 = arith.addi %mul3A_2, %mul3A_438 : i32
        %dma_wait3A_440 = arith.constant 1 : i32
        %dma_wait3A_441 = arith.constant 0 : i32
        %dma_wait3A_442 = arith.constant 0 : i32
        %dma_wait3A_443 = tpu.memref_slice %arg9[%dma_wait3A_440, %dma_wait3A_441, %dma_wait3A_442] : memref<2x512x64xf32, #tpu.memory_space<vmem>> -> memref<1x512x64xf32, #tpu.memory_space<vmem>>
        %dma_wait3A_444 = tpu.memref_squeeze %dma_wait3A_443 : memref<1x512x64xf32, #tpu.memory_space<vmem>> -> memref<512x64xf32, #tpu.memory_space<vmem>>
        %dma_wait3A_445 = arith.constant 0 : i32
        %dma_wait3A_446 = tpu.memref_slice %arg6[%add3A_439, %dma_wait3A_445] : memref<819200x128xf32, #tpu.memory_space<hbm>> -> memref<512x64xf32, #tpu.memory_space<hbm>>
        %dma_wait3A_447 = arith.constant 0 : i32
        %dma_wait3A_448 = tpu.memref_slice %arg6[%add3A_439, %dma_wait3A_447] : memref<819200x128xf32, #tpu.memory_space<hbm>> -> memref<512x64xf32, #tpu.memory_space<hbm>>
        %dma_wait3A_449 = arith.constant 0 : i32
        %dma_wait3A_450 = arith.constant 0 : i32
        %dma_wait3A_451 = tpu.memref_slice %arg9[%dma_wait3A_440, %dma_wait3A_449, %dma_wait3A_450] : memref<2x512x64xf32, #tpu.memory_space<vmem>> -> memref<1x512x64xf32, #tpu.memory_space<vmem>>
        %dma_wait3A_452 = tpu.memref_squeeze %dma_wait3A_451 : memref<1x512x64xf32, #tpu.memory_space<vmem>> -> memref<512x64xf32, #tpu.memory_space<vmem>>
        tpu.wait_dma2 semaphore(%arg19 : memref<!tpu.dma_semaphore, #tpu.memory_space<semaphore_mem>>) src(%dma_wait3A_452 : memref<512x64xf32, #tpu.memory_space<vmem>>) dst(%dma_wait3A_448 : memref<512x64xf32, #tpu.memory_space<hbm>>)
      } else {
      }
      %dma_start3A_274 = arith.constant 1 : i32
      %dma_start3A_275 = arith.constant 0 : i32
      %dma_start3A_276 = arith.constant 1 : i32
      %dma_start3A_277 = arith.constant 0 : i32
      %dma_start3A_278 = arith.constant 0 : i32
      %dma_start3A_279 = tpu.memref_slice %arg9[%dma_start3A_276, %dma_start3A_277, %dma_start3A_278] : memref<2x512x64xf32, #tpu.memory_space<vmem>> -> memref<1x128x64xf32, #tpu.memory_space<vmem>>
      %dma_start3A_280 = tpu.memref_squeeze %dma_start3A_279 : memref<1x128x64xf32, #tpu.memory_space<vmem>> -> memref<128x64xf32, #tpu.memory_space<vmem>>
      %dma_start3A_281 = arith.constant 0 : i32
      %dma_start3A_282 = tpu.memref_slice %arg7[%dma_start3A_274, %dma_start3A_275, %dma_start3A_281] : memref<2x4x128xi32, #tpu.memory_space<vmem>> -> memref<1x1x128xi32, #tpu.memory_space<vmem>>
      %dma_start3A_283 = tpu.memref_squeeze %dma_start3A_282 : memref<1x1x128xi32, #tpu.memory_space<vmem>> -> memref<128xi32, #tpu.memory_space<vmem>>
      %dma_start3A_284 = arith.constant 0 : i32
      %dma_start3A_285 = arith.constant 0 : i32
      %dma_start3A_286 = tpu.memref_slice %arg10[%dma_start3A_284, %dma_start3A_285] : memref<201x64xf32, #tpu.memory_space<vmem_shared>> -> memref<201x64xf32, #tpu.memory_space<vmem_shared>>
      tpu.enqueue_indirect_dma source(%dma_start3A_286 : memref<201x64xf32, #tpu.memory_space<vmem_shared>>) target(%dma_start3A_280 : memref<128x64xf32, #tpu.memory_space<vmem>>) offsets(%dma_start3A_283 : memref<128xi32, #tpu.memory_space<vmem>>) semaphore(%arg17 : memref<!tpu.dma_semaphore, #tpu.memory_space<semaphore_mem>>)
      %dma_start3A_287 = arith.constant 1 : i32
      %dma_start3A_288 = arith.constant 1 : i32
      %dma_start3A_289 = arith.constant 1 : i32
      %dma_start3A_290 = arith.constant 128 : i32
      %dma_start3A_291 = arith.constant 0 : i32
      %dma_start3A_292 = tpu.memref_slice %arg9[%dma_start3A_289, %dma_start3A_290, %dma_start3A_291] : memref<2x512x64xf32, #tpu.memory_space<vmem>> -> memref<1x128x64xf32, #tpu.memory_space<vmem>>
      %dma_start3A_293 = tpu.memref_squeeze %dma_start3A_292 : memref<1x128x64xf32, #tpu.memory_space<vmem>> -> memref<128x64xf32, #tpu.memory_space<vmem>>
      %dma_start3A_294 = arith.constant 0 : i32
      %dma_start3A_295 = tpu.memref_slice %arg7[%dma_start3A_287, %dma_start3A_288, %dma_start3A_294] : memref<2x4x128xi32, #tpu.memory_space<vmem>> -> memref<1x1x128xi32, #tpu.memory_space<vmem>>
      %dma_start3A_296 = tpu.memref_squeeze %dma_start3A_295 : memref<1x1x128xi32, #tpu.memory_space<vmem>> -> memref<128xi32, #tpu.memory_space<vmem>>
      %dma_start3A_297 = arith.constant 0 : i32
      %dma_start3A_298 = arith.constant 0 : i32
      %dma_start3A_299 = tpu.memref_slice %arg10[%dma_start3A_297, %dma_start3A_298] : memref<201x64xf32, #tpu.memory_space<vmem_shared>> -> memref<201x64xf32, #tpu.memory_space<vmem_shared>>
      tpu.enqueue_indirect_dma source(%dma_start3A_299 : memref<201x64xf32, #tpu.memory_space<vmem_shared>>) target(%dma_start3A_293 : memref<128x64xf32, #tpu.memory_space<vmem>>) offsets(%dma_start3A_296 : memref<128xi32, #tpu.memory_space<vmem>>) semaphore(%arg17 : memref<!tpu.dma_semaphore, #tpu.memory_space<semaphore_mem>>)
      %dma_start3A_300 = arith.constant 1 : i32
      %dma_start3A_301 = arith.constant 2 : i32
      %dma_start3A_302 = arith.constant 1 : i32
      %dma_start3A_303 = arith.constant 256 : i32
      %dma_start3A_304 = arith.constant 0 : i32
      %dma_start3A_305 = tpu.memref_slice %arg9[%dma_start3A_302, %dma_start3A_303, %dma_start3A_304] : memref<2x512x64xf32, #tpu.memory_space<vmem>> -> memref<1x128x64xf32, #tpu.memory_space<vmem>>
      %dma_start3A_306 = tpu.memref_squeeze %dma_start3A_305 : memref<1x128x64xf32, #tpu.memory_space<vmem>> -> memref<128x64xf32, #tpu.memory_space<vmem>>
      %dma_start3A_307 = arith.constant 0 : i32
      %dma_start3A_308 = tpu.memref_slice %arg7[%dma_start3A_300, %dma_start3A_301, %dma_start3A_307] : memref<2x4x128xi32, #tpu.memory_space<vmem>> -> memref<1x1x128xi32, #tpu.memory_space<vmem>>
      %dma_start3A_309 = tpu.memref_squeeze %dma_start3A_308 : memref<1x1x128xi32, #tpu.memory_space<vmem>> -> memref<128xi32, #tpu.memory_space<vmem>>
      %dma_start3A_310 = arith.constant 0 : i32
      %dma_start3A_311 = arith.constant 0 : i32
      %dma_start3A_312 = tpu.memref_slice %arg10[%dma_start3A_310, %dma_start3A_311] : memref<201x64xf32, #tpu.memory_space<vmem_shared>> -> memref<201x64xf32, #tpu.memory_space<vmem_shared>>
      tpu.enqueue_indirect_dma source(%dma_start3A_312 : memref<201x64xf32, #tpu.memory_space<vmem_shared>>) target(%dma_start3A_306 : memref<128x64xf32, #tpu.memory_space<vmem>>) offsets(%dma_start3A_309 : memref<128xi32, #tpu.memory_space<vmem>>) semaphore(%arg17 : memref<!tpu.dma_semaphore, #tpu.memory_space<semaphore_mem>>)
      %dma_start3A_313 = arith.constant 1 : i32
      %dma_start3A_314 = arith.constant 3 : i32
      %dma_start3A_315 = arith.constant 1 : i32
      %dma_start3A_316 = arith.constant 384 : i32
      %dma_start3A_317 = arith.constant 0 : i32
      %dma_start3A_318 = tpu.memref_slice %arg9[%dma_start3A_315, %dma_start3A_316, %dma_start3A_317] : memref<2x512x64xf32, #tpu.memory_space<vmem>> -> memref<1x128x64xf32, #tpu.memory_space<vmem>>
      %dma_start3A_319 = tpu.memref_squeeze %dma_start3A_318 : memref<1x128x64xf32, #tpu.memory_space<vmem>> -> memref<128x64xf32, #tpu.memory_space<vmem>>
      %dma_start3A_320 = arith.constant 0 : i32
      %dma_start3A_321 = tpu.memref_slice %arg7[%dma_start3A_313, %dma_start3A_314, %dma_start3A_320] : memref<2x4x128xi32, #tpu.memory_space<vmem>> -> memref<1x1x128xi32, #tpu.memory_space<vmem>>
      %dma_start3A_322 = tpu.memref_squeeze %dma_start3A_321 : memref<1x1x128xi32, #tpu.memory_space<vmem>> -> memref<128xi32, #tpu.memory_space<vmem>>
      %dma_start3A_323 = arith.constant 0 : i32
      %dma_start3A_324 = arith.constant 0 : i32
      %dma_start3A_325 = tpu.memref_slice %arg10[%dma_start3A_323, %dma_start3A_324] : memref<201x64xf32, #tpu.memory_space<vmem_shared>> -> memref<201x64xf32, #tpu.memory_space<vmem_shared>>
      tpu.enqueue_indirect_dma source(%dma_start3A_325 : memref<201x64xf32, #tpu.memory_space<vmem_shared>>) target(%dma_start3A_319 : memref<128x64xf32, #tpu.memory_space<vmem>>) offsets(%dma_start3A_322 : memref<128xi32, #tpu.memory_space<vmem>>) semaphore(%arg17 : memref<!tpu.dma_semaphore, #tpu.memory_space<semaphore_mem>>)
      %scan3A_326 = arith.constant 0 : i32
      %scan3A_327 = arith.constant 0 : i32
      %scan3A_328 = arith.constant 32 : i32
      %scan3A_329 = arith.addi %scan3A_327, %scan3A_328 : i32
      %scan3A_330 = arith.constant 1 : i32
      scf.for %scan3A_436 = %scan3A_327 to %scan3A_329 step %scan3A_330  : i32 {
        %mul3A_437 = arith.constant 16 : i32
        %mul3A_438 = arith.muli %scan3A_436, %mul3A_437 : i32
        %get3A_439 = arith.constant 0 : i32
        %get3A_440 = arith.index_cast %get3A_439 : i32 to index
        %get3A_441 = arith.index_cast %mul3A_438 : i32 to index
        %get3A_442 = tpu.vector_load %arg8[%get3A_440, %get3A_441] {strides = array<i32>} : memref<2x512xf32, #tpu.memory_space<vmem>>, vector<1x16xf32>,
        %get3A_443 = vector.shape_cast %get3A_442 : vector<1x16xf32> to vector<16xf32>
        %mul3A_444 = arith.constant 16 : i32
        %mul3A_445 = arith.muli %scan3A_436, %mul3A_444 : i32
        %add3A_446 = arith.constant 0 : i32
        %add3A_447 = arith.addi %mul3A_445, %add3A_446 : i32
        %slice3A = vector.extract_strided_slice %get3A_443 {offsets = [0], sizes = [1], strides = [1]} : vector<16xf32> to vector<1xf32>
        %squeeze3A = vector.extract %slice3A[0] : f32 from vector<1xf32>
        %mul3A_448 = vector.broadcast %squeeze3A : f32 to vector<16xf32>
        %mul3A_449 = arith.mulf %mul3A_448, %get3A_8 : vector<16xf32>
        %swap3A = arith.constant 0 : i32
        %swap3A_450 = arith.index_cast %swap3A : i32 to index
        %swap3A_451 = arith.index_cast %add3A_447 : i32 to index
        %swap3A_452 = arith.constant 0 : index
        %swap3A_453 = tpu.vector_load %arg9[%swap3A_450, %swap3A_451, %swap3A_452] {strides = array<i32>} : memref<2x512x64xf32, #tpu.memory_space<vmem>>, vector<1x1x16xf32>,
        %swap3A_454 = vector.shape_cast %swap3A_453 : vector<1x1x16xf32> to vector<16xf32>
        %swap3A_455 = vector.shape_cast %mul3A_449 : vector<16xf32> to vector<1x1x16xf32>
        tpu.vector_store %arg9[%swap3A_450, %swap3A_451, %swap3A_452], %swap3A_455 {add = true, strides = array<i32>} : memref<2x512x64xf32, #tpu.memory_space<vmem>>, vector<1x1x16xf32>,
        %mul3A_456 = vector.broadcast %squeeze3A : f32 to vector<16xf32>
        %mul3A_457 = arith.mulf %mul3A_456, %get3A_11 : vector<16xf32>
        %swap3A_458 = arith.constant 0 : i32
        %swap3A_459 = arith.index_cast %swap3A_458 : i32 to index
        %swap3A_460 = arith.index_cast %add3A_447 : i32 to index
        %swap3A_461 = arith.constant 16 : index
        %swap3A_462 = tpu.vector_load %arg9[%swap3A_459, %swap3A_460, %swap3A_461] {strides = array<i32>} : memref<2x512x64xf32, #tpu.memory_space<vmem>>, vector<1x1x16xf32>,
        %swap3A_463 = vector.shape_cast %swap3A_462 : vector<1x1x16xf32> to vector<16xf32>
        %swap3A_464 = vector.shape_cast %mul3A_457 : vector<16xf32> to vector<1x1x16xf32>
        tpu.vector_store %arg9[%swap3A_459, %swap3A_460, %swap3A_461], %swap3A_464 {add = true, strides = array<i32>} : memref<2x512x64xf32, #tpu.memory_space<vmem>>, vector<1x1x16xf32>,
        %mul3A_465 = vector.broadcast %squeeze3A : f32 to vector<16xf32>
        %mul3A_466 = arith.mulf %mul3A_465, %get3A_14 : vector<16xf32>
        %swap3A_467 = arith.constant 0 : i32
        %swap3A_468 = arith.index_cast %swap3A_467 : i32 to index
        %swap3A_469 = arith.index_cast %add3A_447 : i32 to index
        %swap3A_470 = arith.constant 32 : index
        %swap3A_471 = tpu.vector_load %arg9[%swap3A_468, %swap3A_469, %swap3A_470] {strides = array<i32>} : memref<2x512x64xf32, #tpu.memory_space<vmem>>, vector<1x1x16xf32>,
        %swap3A_472 = vector.shape_cast %swap3A_471 : vector<1x1x16xf32> to vector<16xf32>
        %swap3A_473 = vector.shape_cast %mul3A_466 : vector<16xf32> to vector<1x1x16xf32>
        tpu.vector_store %arg9[%swap3A_468, %swap3A_469, %swap3A_470], %swap3A_473 {add = true, strides = array<i32>} : memref<2x512x64xf32, #tpu.memory_space<vmem>>, vector<1x1x16xf32>,
        %mul3A_474 = vector.broadcast %squeeze3A : f32 to vector<16xf32>
        %mul3A_475 = arith.mulf %mul3A_474, %get3A_17 : vector<16xf32>
        %swap3A_476 = arith.constant 0 : i32
        %swap3A_477 = arith.index_cast %swap3A_476 : i32 to index
        %swap3A_478 = arith.index_cast %add3A_447 : i32 to index
        %swap3A_479 = arith.constant 48 : index
        %swap3A_480 = tpu.vector_load %arg9[%swap3A_477, %swap3A_478, %swap3A_479] {strides = array<i32>} : memref<2x512x64xf32, #tpu.memory_space<vmem>>, vector<1x1x16xf32>,
        %swap3A_481 = vector.shape_cast %swap3A_480 : vector<1x1x16xf32> to vector<16xf32>
        %swap3A_482 = vector.shape_cast %mul3A_475 : vector<16xf32> to vector<1x1x16xf32>
        tpu.vector_store %arg9[%swap3A_477, %swap3A_478, %swap3A_479], %swap3A_482 {add = true, strides = array<i32>} : memref<2x512x64xf32, #tpu.memory_space<vmem>>, vector<1x1x16xf32>,
        %mul3A_483 = arith.constant 16 : i32
        %mul3A_484 = arith.muli %scan3A_436, %mul3A_483 : i32
        %add3A_485 = arith.constant 1 : i32
        %add3A_486 = arith.addi %mul3A_484, %add3A_485 : i32
        %slice3A_487 = vector.extract_strided_slice %get3A_443 {offsets = [1], sizes = [1], strides = [1]} : vector<16xf32> to vector<1xf32>
        %squeeze3A_488 = vector.extract %slice3A_487[0] : f32 from vector<1xf32>
        %mul3A_489 = vector.broadcast %squeeze3A_488 : f32 to vector<16xf32>
        %mul3A_490 = arith.mulf %mul3A_489, %get3A_8 : vector<16xf32>
        %swap3A_491 = arith.constant 0 : i32
        %swap3A_492 = arith.index_cast %swap3A_491 : i32 to index
        %swap3A_493 = arith.index_cast %add3A_486 : i32 to index
        %swap3A_494 = arith.constant 0 : index
        %swap3A_495 = tpu.vector_load %arg9[%swap3A_492, %swap3A_493, %swap3A_494] {strides = array<i32>} : memref<2x512x64xf32, #tpu.memory_space<vmem>>, vector<1x1x16xf32>,
        %swap3A_496 = vector.shape_cast %swap3A_495 : vector<1x1x16xf32> to vector<16xf32>
        %swap3A_497 = vector.shape_cast %mul3A_490 : vector<16xf32> to vector<1x1x16xf32>
        tpu.vector_store %arg9[%swap3A_492, %swap3A_493, %swap3A_494], %swap3A_497 {add = true, strides = array<i32>} : memref<2x512x64xf32, #tpu.memory_space<vmem>>, vector<1x1x16xf32>,
        %mul3A_498 = vector.broadcast %squeeze3A_488 : f32 to vector<16xf32>
        %mul3A_499 = arith.mulf %mul3A_498, %get3A_11 : vector<16xf32>
        %swap3A_500 = arith.constant 0 : i32
        %swap3A_501 = arith.index_cast %swap3A_500 : i32 to index
        %swap3A_502 = arith.index_cast %add3A_486 : i32 to index
        %swap3A_503 = arith.constant 16 : index
        %swap3A_504 = tpu.vector_load %arg9[%swap3A_501, %swap3A_502, %swap3A_503] {strides = array<i32>} : memref<2x512x64xf32, #tpu.memory_space<vmem>>, vector<1x1x16xf32>,
        %swap3A_505 = vector.shape_cast %swap3A_504 : vector<1x1x16xf32> to vector<16xf32>
        %swap3A_506 = vector.shape_cast %mul3A_499 : vector<16xf32> to vector<1x1x16xf32>
        tpu.vector_store %arg9[%swap3A_501, %swap3A_502, %swap3A_503], %swap3A_506 {add = true, strides = array<i32>} : memref<2x512x64xf32, #tpu.memory_space<vmem>>, vector<1x1x16xf32>,
        %mul3A_507 = vector.broadcast %squeeze3A_488 : f32 to vector<16xf32>
        %mul3A_508 = arith.mulf %mul3A_507, %get3A_14 : vector<16xf32>
        %swap3A_509 = arith.constant 0 : i32
        %swap3A_510 = arith.index_cast %swap3A_509 : i32 to index
        %swap3A_511 = arith.index_cast %add3A_486 : i32 to index
        %swap3A_512 = arith.constant 32 : index
        %swap3A_513 = tpu.vector_load %arg9[%swap3A_510, %swap3A_511, %swap3A_512] {strides = array<i32>} : memref<2x512x64xf32, #tpu.memory_space<vmem>>, vector<1x1x16xf32>,
        %swap3A_514 = vector.shape_cast %swap3A_513 : vector<1x1x16xf32> to vector<16xf32>
        %swap3A_515 = vector.shape_cast %mul3A_508 : vector<16xf32> to vector<1x1x16xf32>
        tpu.vector_store %arg9[%swap3A_510, %swap3A_511, %swap3A_512], %swap3A_515 {add = true, strides = array<i32>} : memref<2x512x64xf32, #tpu.memory_space<vmem>>, vector<1x1x16xf32>,
        %mul3A_516 = vector.broadcast %squeeze3A_488 : f32 to vector<16xf32>
        %mul3A_517 = arith.mulf %mul3A_516, %get3A_17 : vector<16xf32>
        %swap3A_518 = arith.constant 0 : i32
        %swap3A_519 = arith.index_cast %swap3A_518 : i32 to index
        %swap3A_520 = arith.index_cast %add3A_486 : i32 to index
        %swap3A_521 = arith.constant 48 : index
        %swap3A_522 = tpu.vector_load %arg9[%swap3A_519, %swap3A_520, %swap3A_521] {strides = array<i32>} : memref<2x512x64xf32, #tpu.memory_space<vmem>>, vector<1x1x16xf32>,
        %swap3A_523 = vector.shape_cast %swap3A_522 : vector<1x1x16xf32> to vector<16xf32>
        %swap3A_524 = vector.shape_cast %mul3A_517 : vector<16xf32> to vector<1x1x16xf32>
        tpu.vector_store %arg9[%swap3A_519, %swap3A_520, %swap3A_521], %swap3A_524 {add = true, strides = array<i32>} : memref<2x512x64xf32, #tpu.memory_space<vmem>>, vector<1x1x16xf32>,
        %mul3A_525 = arith.constant 16 : i32
        %mul3A_526 = arith.muli %scan3A_436, %mul3A_525 : i32
        %add3A_527 = arith.constant 2 : i32
        %add3A_528 = arith.addi %mul3A_526, %add3A_527 : i32
        %slice3A_529 = vector.extract_strided_slice %get3A_443 {offsets = [2], sizes = [1], strides = [1]} : vector<16xf32> to vector<1xf32>
        %squeeze3A_530 = vector.extract %slice3A_529[0] : f32 from vector<1xf32>
        %mul3A_531 = vector.broadcast %squeeze3A_530 : f32 to vector<16xf32>
        %mul3A_532 = arith.mulf %mul3A_531, %get3A_8 : vector<16xf32>
        %swap3A_533 = arith.constant 0 : i32
        %swap3A_534 = arith.index_cast %swap3A_533 : i32 to index
        %swap3A_535 = arith.index_cast %add3A_528 : i32 to index
        %swap3A_536 = arith.constant 0 : index
        %swap3A_537 = tpu.vector_load %arg9[%swap3A_534, %swap3A_535, %swap3A_536] {strides = array<i32>} : memref<2x512x64xf32, #tpu.memory_space<vmem>>, vector<1x1x16xf32>,
        %swap3A_538 = vector.shape_cast %swap3A_537 : vector<1x1x16xf32> to vector<16xf32>
        %swap3A_539 = vector.shape_cast %mul3A_532 : vector<16xf32> to vector<1x1x16xf32>
        tpu.vector_store %arg9[%swap3A_534, %swap3A_535, %swap3A_536], %swap3A_539 {add = true, strides = array<i32>} : memref<2x512x64xf32, #tpu.memory_space<vmem>>, vector<1x1x16xf32>,
        %mul3A_540 = vector.broadcast %squeeze3A_530 : f32 to vector<16xf32>
        %mul3A_541 = arith.mulf %mul3A_540, %get3A_11 : vector<16xf32>
        %swap3A_542 = arith.constant 0 : i32
        %swap3A_543 = arith.index_cast %swap3A_542 : i32 to index
        %swap3A_544 = arith.index_cast %add3A_528 : i32 to index
        %swap3A_545 = arith.constant 16 : index
        %swap3A_546 = tpu.vector_load %arg9[%swap3A_543, %swap3A_544, %swap3A_545] {strides = array<i32>} : memref<2x512x64xf32, #tpu.memory_space<vmem>>, vector<1x1x16xf32>,
        %swap3A_547 = vector.shape_cast %swap3A_546 : vector<1x1x16xf32> to vector<16xf32>
        %swap3A_548 = vector.shape_cast %mul3A_541 : vector<16xf32> to vector<1x1x16xf32>
        tpu.vector_store %arg9[%swap3A_543, %swap3A_544, %swap3A_545], %swap3A_548 {add = true, strides = array<i32>} : memref<2x512x64xf32, #tpu.memory_space<vmem>>, vector<1x1x16xf32>,
        %mul3A_549 = vector.broadcast %squeeze3A_530 : f32 to vector<16xf32>
        %mul3A_550 = arith.mulf %mul3A_549, %get3A_14 : vector<16xf32>
        %swap3A_551 = arith.constant 0 : i32
        %swap3A_552 = arith.index_cast %swap3A_551 : i32 to index
        %swap3A_553 = arith.index_cast %add3A_528 : i32 to index
        %swap3A_554 = arith.constant 32 : index
        %swap3A_555 = tpu.vector_load %arg9[%swap3A_552, %swap3A_553, %swap3A_554] {strides = array<i32>} : memref<2x512x64xf32, #tpu.memory_space<vmem>>, vector<1x1x16xf32>,
        %swap3A_556 = vector.shape_cast %swap3A_555 : vector<1x1x16xf32> to vector<16xf32>
        %swap3A_557 = vector.shape_cast %mul3A_550 : vector<16xf32> to vector<1x1x16xf32>
        tpu.vector_store %arg9[%swap3A_552, %swap3A_553, %swap3A_554], %swap3A_557 {add = true, strides = array<i32>} : memref<2x512x64xf32, #tpu.memory_space<vmem>>, vector<1x1x16xf32>,
        %mul3A_558 = vector.broadcast %squeeze3A_530 : f32 to vector<16xf32>
        %mul3A_559 = arith.mulf %mul3A_558, %get3A_17 : vector<16xf32>
        %swap3A_560 = arith.constant 0 : i32
        %swap3A_561 = arith.index_cast %swap3A_560 : i32 to index
        %swap3A_562 = arith.index_cast %add3A_528 : i32 to index
        %swap3A_563 = arith.constant 48 : index
        %swap3A_564 = tpu.vector_load %arg9[%swap3A_561, %swap3A_562, %swap3A_563] {strides = array<i32>} : memref<2x512x64xf32, #tpu.memory_space<vmem>>, vector<1x1x16xf32>,
        %swap3A_565 = vector.shape_cast %swap3A_564 : vector<1x1x16xf32> to vector<16xf32>
        %swap3A_566 = vector.shape_cast %mul3A_559 : vector<16xf32> to vector<1x1x16xf32>
        tpu.vector_store %arg9[%swap3A_561, %swap3A_562, %swap3A_563], %swap3A_566 {add = true, strides = array<i32>} : memref<2x512x64xf32, #tpu.memory_space<vmem>>, vector<1x1x16xf32>,
        %mul3A_567 = arith.constant 16 : i32
        %mul3A_568 = arith.muli %scan3A_436, %mul3A_567 : i32
        %add3A_569 = arith.constant 3 : i32
        %add3A_570 = arith.addi %mul3A_568, %add3A_569 : i32
        %slice3A_571 = vector.extract_strided_slice %get3A_443 {offsets = [3], sizes = [1], strides = [1]} : vector<16xf32> to vector<1xf32>
        %squeeze3A_572 = vector.extract %slice3A_571[0] : f32 from vector<1xf32>
        %mul3A_573 = vector.broadcast %squeeze3A_572 : f32 to vector<16xf32>
        %mul3A_574 = arith.mulf %mul3A_573, %get3A_8 : vector<16xf32>
        %swap3A_575 = arith.constant 0 : i32
        %swap3A_576 = arith.index_cast %swap3A_575 : i32 to index
        %swap3A_577 = arith.index_cast %add3A_570 : i32 to index
        %swap3A_578 = arith.constant 0 : index
        %swap3A_579 = tpu.vector_load %arg9[%swap3A_576, %swap3A_577, %swap3A_578] {strides = array<i32>} : memref<2x512x64xf32, #tpu.memory_space<vmem>>, vector<1x1x16xf32>,
        %swap3A_580 = vector.shape_cast %swap3A_579 : vector<1x1x16xf32> to vector<16xf32>
        %swap3A_581 = vector.shape_cast %mul3A_574 : vector<16xf32> to vector<1x1x16xf32>
        tpu.vector_store %arg9[%swap3A_576, %swap3A_577, %swap3A_578], %swap3A_581 {add = true, strides = array<i32>} : memref<2x512x64xf32, #tpu.memory_space<vmem>>, vector<1x1x16xf32>,
        %mul3A_582 = vector.broadcast %squeeze3A_572 : f32 to vector<16xf32>
        %mul3A_583 = arith.mulf %mul3A_582, %get3A_11 : vector<16xf32>
        %swap3A_584 = arith.constant 0 : i32
        %swap3A_585 = arith.index_cast %swap3A_584 : i32 to index
        %swap3A_586 = arith.index_cast %add3A_570 : i32 to index
        %swap3A_587 = arith.constant 16 : index
        %swap3A_588 = tpu.vector_load %arg9[%swap3A_585, %swap3A_586, %swap3A_587] {strides = array<i32>} : memref<2x512x64xf32, #tpu.memory_space<vmem>>, vector<1x1x16xf32>,
        %swap3A_589 = vector.shape_cast %swap3A_588 : vector<1x1x16xf32> to vector<16xf32>
        %swap3A_590 = vector.shape_cast %mul3A_583 : vector<16xf32> to vector<1x1x16xf32>
        tpu.vector_store %arg9[%swap3A_585, %swap3A_586, %swap3A_587], %swap3A_590 {add = true, strides = array<i32>} : memref<2x512x64xf32, #tpu.memory_space<vmem>>, vector<1x1x16xf32>,
        %mul3A_591 = vector.broadcast %squeeze3A_572 : f32 to vector<16xf32>
        %mul3A_592 = arith.mulf %mul3A_591, %get3A_14 : vector<16xf32>
        %swap3A_593 = arith.constant 0 : i32
        %swap3A_594 = arith.index_cast %swap3A_593 : i32 to index
        %swap3A_595 = arith.index_cast %add3A_570 : i32 to index
        %swap3A_596 = arith.constant 32 : index
        %swap3A_597 = tpu.vector_load %arg9[%swap3A_594, %swap3A_595, %swap3A_596] {strides = array<i32>} : memref<2x512x64xf32, #tpu.memory_space<vmem>>, vector<1x1x16xf32>,
        %swap3A_598 = vector.shape_cast %swap3A_597 : vector<1x1x16xf32> to vector<16xf32>
        %swap3A_599 = vector.shape_cast %mul3A_592 : vector<16xf32> to vector<1x1x16xf32>
        tpu.vector_store %arg9[%swap3A_594, %swap3A_595, %swap3A_596], %swap3A_599 {add = true, strides = array<i32>} : memref<2x512x64xf32, #tpu.memory_space<vmem>>, vector<1x1x16xf32>,
        %mul3A_600 = vector.broadcast %squeeze3A_572 : f32 to vector<16xf32>
        %mul3A_601 = arith.mulf %mul3A_600, %get3A_17 : vector<16xf32>
        %swap3A_602 = arith.constant 0 : i32
        %swap3A_603 = arith.index_cast %swap3A_602 : i32 to index
        %swap3A_604 = arith.index_cast %add3A_570 : i32 to index
        %swap3A_605 = arith.constant 48 : index
        %swap3A_606 = tpu.vector_load %arg9[%swap3A_603, %swap3A_604, %swap3A_605] {strides = array<i32>} : memref<2x512x64xf32, #tpu.memory_space<vmem>>, vector<1x1x16xf32>,
        %swap3A_607 = vector.shape_cast %swap3A_606 : vector<1x1x16xf32> to vector<16xf32>
        %swap3A_608 = vector.shape_cast %mul3A_601 : vector<16xf32> to vector<1x1x16xf32>
        tpu.vector_store %arg9[%swap3A_603, %swap3A_604, %swap3A_605], %swap3A_608 {add = true, strides = array<i32>} : memref<2x512x64xf32, #tpu.memory_space<vmem>>, vector<1x1x16xf32>,
        %mul3A_609 = arith.constant 16 : i32
        %mul3A_610 = arith.muli %scan3A_436, %mul3A_609 : i32
        %add3A_611 = arith.constant 4 : i32
        %add3A_612 = arith.addi %mul3A_610, %add3A_611 : i32
        %slice3A_613 = vector.extract_strided_slice %get3A_443 {offsets = [4], sizes = [1], strides = [1]} : vector<16xf32> to vector<1xf32>
        %squeeze3A_614 = vector.extract %slice3A_613[0] : f32 from vector<1xf32>
        %mul3A_615 = vector.broadcast %squeeze3A_614 : f32 to vector<16xf32>
        %mul3A_616 = arith.mulf %mul3A_615, %get3A_8 : vector<16xf32>
        %swap3A_617 = arith.constant 0 : i32
        %swap3A_618 = arith.index_cast %swap3A_617 : i32 to index
        %swap3A_619 = arith.index_cast %add3A_612 : i32 to index
        %swap3A_620 = arith.constant 0 : index
        %swap3A_621 = tpu.vector_load %arg9[%swap3A_618, %swap3A_619, %swap3A_620] {strides = array<i32>} : memref<2x512x64xf32, #tpu.memory_space<vmem>>, vector<1x1x16xf32>,
        %swap3A_622 = vector.shape_cast %swap3A_621 : vector<1x1x16xf32> to vector<16xf32>
        %swap3A_623 = vector.shape_cast %mul3A_616 : vector<16xf32> to vector<1x1x16xf32>
        tpu.vector_store %arg9[%swap3A_618, %swap3A_619, %swap3A_620], %swap3A_623 {add = true, strides = array<i32>} : memref<2x512x64xf32, #tpu.memory_space<vmem>>, vector<1x1x16xf32>,
        %mul3A_624 = vector.broadcast %squeeze3A_614 : f32 to vector<16xf32>
        %mul3A_625 = arith.mulf %mul3A_624, %get3A_11 : vector<16xf32>
        %swap3A_626 = arith.constant 0 : i32
        %swap3A_627 = arith.index_cast %swap3A_626 : i32 to index
        %swap3A_628 = arith.index_cast %add3A_612 : i32 to index
        %swap3A_629 = arith.constant 16 : index
        %swap3A_630 = tpu.vector_load %arg9[%swap3A_627, %swap3A_628, %swap3A_629] {strides = array<i32>} : memref<2x512x64xf32, #tpu.memory_space<vmem>>, vector<1x1x16xf32>,
        %swap3A_631 = vector.shape_cast %swap3A_630 : vector<1x1x16xf32> to vector<16xf32>
        %swap3A_632 = vector.shape_cast %mul3A_625 : vector<16xf32> to vector<1x1x16xf32>
        tpu.vector_store %arg9[%swap3A_627, %swap3A_628, %swap3A_629], %swap3A_632 {add = true, strides = array<i32>} : memref<2x512x64xf32, #tpu.memory_space<vmem>>, vector<1x1x16xf32>,
        %mul3A_633 = vector.broadcast %squeeze3A_614 : f32 to vector<16xf32>
        %mul3A_634 = arith.mulf %mul3A_633, %get3A_14 : vector<16xf32>
        %swap3A_635 = arith.constant 0 : i32
        %swap3A_636 = arith.index_cast %swap3A_635 : i32 to index
        %swap3A_637 = arith.index_cast %add3A_612 : i32 to index
        %swap3A_638 = arith.constant 32 : index
        %swap3A_639 = tpu.vector_load %arg9[%swap3A_636, %swap3A_637, %swap3A_638] {strides = array<i32>} : memref<2x512x64xf32, #tpu.memory_space<vmem>>, vector<1x1x16xf32>,
        %swap3A_640 = vector.shape_cast %swap3A_639 : vector<1x1x16xf32> to vector<16xf32>
        %swap3A_641 = vector.shape_cast %mul3A_634 : vector<16xf32> to vector<1x1x16xf32>
        tpu.vector_store %arg9[%swap3A_636, %swap3A_637, %swap3A_638], %swap3A_641 {add = true, strides = array<i32>} : memref<2x512x64xf32, #tpu.memory_space<vmem>>, vector<1x1x16xf32>,
        %mul3A_642 = vector.broadcast %squeeze3A_614 : f32 to vector<16xf32>
        %mul3A_643 = arith.mulf %mul3A_642, %get3A_17 : vector<16xf32>
        %swap3A_644 = arith.constant 0 : i32
        %swap3A_645 = arith.index_cast %swap3A_644 : i32 to index
        %swap3A_646 = arith.index_cast %add3A_612 : i32 to index
        %swap3A_647 = arith.constant 48 : index
        %swap3A_648 = tpu.vector_load %arg9[%swap3A_645, %swap3A_646, %swap3A_647] {strides = array<i32>} : memref<2x512x64xf32, #tpu.memory_space<vmem>>, vector<1x1x16xf32>,
        %swap3A_649 = vector.shape_cast %swap3A_648 : vector<1x1x16xf32> to vector<16xf32>
        %swap3A_650 = vector.shape_cast %mul3A_643 : vector<16xf32> to vector<1x1x16xf32>
        tpu.vector_store %arg9[%swap3A_645, %swap3A_646, %swap3A_647], %swap3A_650 {add = true, strides = array<i32>} : memref<2x512x64xf32, #tpu.memory_space<vmem>>, vector<1x1x16xf32>,
        %mul3A_651 = arith.constant 16 : i32
        %mul3A_652 = arith.muli %scan3A_436, %mul3A_651 : i32
        %add3A_653 = arith.constant 5 : i32
        %add3A_654 = arith.addi %mul3A_652, %add3A_653 : i32
        %slice3A_655 = vector.extract_strided_slice %get3A_443 {offsets = [5], sizes = [1], strides = [1]} : vector<16xf32> to vector<1xf32>
        %squeeze3A_656 = vector.extract %slice3A_655[0] : f32 from vector<1xf32>
        %mul3A_657 = vector.broadcast %squeeze3A_656 : f32 to vector<16xf32>
        %mul3A_658 = arith.mulf %mul3A_657, %get3A_8 : vector<16xf32>
        %swap3A_659 = arith.constant 0 : i32
        %swap3A_660 = arith.index_cast %swap3A_659 : i32 to index
        %swap3A_661 = arith.index_cast %add3A_654 : i32 to index
        %swap3A_662 = arith.constant 0 : index
        %swap3A_663 = tpu.vector_load %arg9[%swap3A_660, %swap3A_661, %swap3A_662] {strides = array<i32>} : memref<2x512x64xf32, #tpu.memory_space<vmem>>, vector<1x1x16xf32>,
        %swap3A_664 = vector.shape_cast %swap3A_663 : vector<1x1x16xf32> to vector<16xf32>
        %swap3A_665 = vector.shape_cast %mul3A_658 : vector<16xf32> to vector<1x1x16xf32>
        tpu.vector_store %arg9[%swap3A_660, %swap3A_661, %swap3A_662], %swap3A_665 {add = true, strides = array<i32>} : memref<2x512x64xf32, #tpu.memory_space<vmem>>, vector<1x1x16xf32>,
        %mul3A_666 = vector.broadcast %squeeze3A_656 : f32 to vector<16xf32>
        %mul3A_667 = arith.mulf %mul3A_666, %get3A_11 : vector<16xf32>
        %swap3A_668 = arith.constant 0 : i32
        %swap3A_669 = arith.index_cast %swap3A_668 : i32 to index
        %swap3A_670 = arith.index_cast %add3A_654 : i32 to index
        %swap3A_671 = arith.constant 16 : index
        %swap3A_672 = tpu.vector_load %arg9[%swap3A_669, %swap3A_670, %swap3A_671] {strides = array<i32>} : memref<2x512x64xf32, #tpu.memory_space<vmem>>, vector<1x1x16xf32>,
        %swap3A_673 = vector.shape_cast %swap3A_672 : vector<1x1x16xf32> to vector<16xf32>
        %swap3A_674 = vector.shape_cast %mul3A_667 : vector<16xf32> to vector<1x1x16xf32>
        tpu.vector_store %arg9[%swap3A_669, %swap3A_670, %swap3A_671], %swap3A_674 {add = true, strides = array<i32>} : memref<2x512x64xf32, #tpu.memory_space<vmem>>, vector<1x1x16xf32>,
        %mul3A_675 = vector.broadcast %squeeze3A_656 : f32 to vector<16xf32>
        %mul3A_676 = arith.mulf %mul3A_675, %get3A_14 : vector<16xf32>
        %swap3A_677 = arith.constant 0 : i32
        %swap3A_678 = arith.index_cast %swap3A_677 : i32 to index
        %swap3A_679 = arith.index_cast %add3A_654 : i32 to index
        %swap3A_680 = arith.constant 32 : index
        %swap3A_681 = tpu.vector_load %arg9[%swap3A_678, %swap3A_679, %swap3A_680] {strides = array<i32>} : memref<2x512x64xf32, #tpu.memory_space<vmem>>, vector<1x1x16xf32>,
        %swap3A_682 = vector.shape_cast %swap3A_681 : vector<1x1x16xf32> to vector<16xf32>
        %swap3A_683 = vector.shape_cast %mul3A_676 : vector<16xf32> to vector<1x1x16xf32>
        tpu.vector_store %arg9[%swap3A_678, %swap3A_679, %swap3A_680], %swap3A_683 {add = true, strides = array<i32>} : memref<2x512x64xf32, #tpu.memory_space<vmem>>, vector<1x1x16xf32>,
        %mul3A_684 = vector.broadcast %squeeze3A_656 : f32 to vector<16xf32>
        %mul3A_685 = arith.mulf %mul3A_684, %get3A_17 : vector<16xf32>
        %swap3A_686 = arith.constant 0 : i32
        %swap3A_687 = arith.index_cast %swap3A_686 : i32 to index
        %swap3A_688 = arith.index_cast %add3A_654 : i32 to index
        %swap3A_689 = arith.constant 48 : index
        %swap3A_690 = tpu.vector_load %arg9[%swap3A_687, %swap3A_688, %swap3A_689] {strides = array<i32>} : memref<2x512x64xf32, #tpu.memory_space<vmem>>, vector<1x1x16xf32>,
        %swap3A_691 = vector.shape_cast %swap3A_690 : vector<1x1x16xf32> to vector<16xf32>
        %swap3A_692 = vector.shape_cast %mul3A_685 : vector<16xf32> to vector<1x1x16xf32>
        tpu.vector_store %arg9[%swap3A_687, %swap3A_688, %swap3A_689], %swap3A_692 {add = true, strides = array<i32>} : memref<2x512x64xf32, #tpu.memory_space<vmem>>, vector<1x1x16xf32>,
        %mul3A_693 = arith.constant 16 : i32
        %mul3A_694 = arith.muli %scan3A_436, %mul3A_693 : i32
        %add3A_695 = arith.constant 6 : i32
        %add3A_696 = arith.addi %mul3A_694, %add3A_695 : i32
        %slice3A_697 = vector.extract_strided_slice %get3A_443 {offsets = [6], sizes = [1], strides = [1]} : vector<16xf32> to vector<1xf32>
        %squeeze3A_698 = vector.extract %slice3A_697[0] : f32 from vector<1xf32>
        %mul3A_699 = vector.broadcast %squeeze3A_698 : f32 to vector<16xf32>
        %mul3A_700 = arith.mulf %mul3A_699, %get3A_8 : vector<16xf32>
        %swap3A_701 = arith.constant 0 : i32
        %swap3A_702 = arith.index_cast %swap3A_701 : i32 to index
        %swap3A_703 = arith.index_cast %add3A_696 : i32 to index
        %swap3A_704 = arith.constant 0 : index
        %swap3A_705 = tpu.vector_load %arg9[%swap3A_702, %swap3A_703, %swap3A_704] {strides = array<i32>} : memref<2x512x64xf32, #tpu.memory_space<vmem>>, vector<1x1x16xf32>,
        %swap3A_706 = vector.shape_cast %swap3A_705 : vector<1x1x16xf32> to vector<16xf32>
        %swap3A_707 = vector.shape_cast %mul3A_700 : vector<16xf32> to vector<1x1x16xf32>
        tpu.vector_store %arg9[%swap3A_702, %swap3A_703, %swap3A_704], %swap3A_707 {add = true, strides = array<i32>} : memref<2x512x64xf32, #tpu.memory_space<vmem>>, vector<1x1x16xf32>,
        %mul3A_708 = vector.broadcast %squeeze3A_698 : f32 to vector<16xf32>
        %mul3A_709 = arith.mulf %mul3A_708, %get3A_11 : vector<16xf32>
        %swap3A_710 = arith.constant 0 : i32
        %swap3A_711 = arith.index_cast %swap3A_710 : i32 to index
        %swap3A_712 = arith.index_cast %add3A_696 : i32 to index
        %swap3A_713 = arith.constant 16 : index
        %swap3A_714 = tpu.vector_load %arg9[%swap3A_711, %swap3A_712, %swap3A_713] {strides = array<i32>} : memref<2x512x64xf32, #tpu.memory_space<vmem>>, vector<1x1x16xf32>,
        %swap3A_715 = vector.shape_cast %swap3A_714 : vector<1x1x16xf32> to vector<16xf32>
        %swap3A_716 = vector.shape_cast %mul3A_709 : vector<16xf32> to vector<1x1x16xf32>
        tpu.vector_store %arg9[%swap3A_711, %swap3A_712, %swap3A_713], %swap3A_716 {add = true, strides = array<i32>} : memref<2x512x64xf32, #tpu.memory_space<vmem>>, vector<1x1x16xf32>,
        %mul3A_717 = vector.broadcast %squeeze3A_698 : f32 to vector<16xf32>
        %mul3A_718 = arith.mulf %mul3A_717, %get3A_14 : vector<16xf32>
        %swap3A_719 = arith.constant 0 : i32
        %swap3A_720 = arith.index_cast %swap3A_719 : i32 to index
        %swap3A_721 = arith.index_cast %add3A_696 : i32 to index
        %swap3A_722 = arith.constant 32 : index
        %swap3A_723 = tpu.vector_load %arg9[%swap3A_720, %swap3A_721, %swap3A_722] {strides = array<i32>} : memref<2x512x64xf32, #tpu.memory_space<vmem>>, vector<1x1x16xf32>,
        %swap3A_724 = vector.shape_cast %swap3A_723 : vector<1x1x16xf32> to vector<16xf32>
        %swap3A_725 = vector.shape_cast %mul3A_718 : vector<16xf32> to vector<1x1x16xf32>
        tpu.vector_store %arg9[%swap3A_720, %swap3A_721, %swap3A_722], %swap3A_725 {add = true, strides = array<i32>} : memref<2x512x64xf32, #tpu.memory_space<vmem>>, vector<1x1x16xf32>,
        %mul3A_726 = vector.broadcast %squeeze3A_698 : f32 to vector<16xf32>
        %mul3A_727 = arith.mulf %mul3A_726, %get3A_17 : vector<16xf32>
        %swap3A_728 = arith.constant 0 : i32
        %swap3A_729 = arith.index_cast %swap3A_728 : i32 to index
        %swap3A_730 = arith.index_cast %add3A_696 : i32 to index
        %swap3A_731 = arith.constant 48 : index
        %swap3A_732 = tpu.vector_load %arg9[%swap3A_729, %swap3A_730, %swap3A_731] {strides = array<i32>} : memref<2x512x64xf32, #tpu.memory_space<vmem>>, vector<1x1x16xf32>,
        %swap3A_733 = vector.shape_cast %swap3A_732 : vector<1x1x16xf32> to vector<16xf32>
        %swap3A_734 = vector.shape_cast %mul3A_727 : vector<16xf32> to vector<1x1x16xf32>
        tpu.vector_store %arg9[%swap3A_729, %swap3A_730, %swap3A_731], %swap3A_734 {add = true, strides = array<i32>} : memref<2x512x64xf32, #tpu.memory_space<vmem>>, vector<1x1x16xf32>,
        %mul3A_735 = arith.constant 16 : i32
        %mul3A_736 = arith.muli %scan3A_436, %mul3A_735 : i32
        %add3A_737 = arith.constant 7 : i32
        %add3A_738 = arith.addi %mul3A_736, %add3A_737 : i32
        %slice3A_739 = vector.extract_strided_slice %get3A_443 {offsets = [7], sizes = [1], strides = [1]} : vector<16xf32> to vector<1xf32>
        %squeeze3A_740 = vector.extract %slice3A_739[0] : f32 from vector<1xf32>
        %mul3A_741 = vector.broadcast %squeeze3A_740 : f32 to vector<16xf32>
        %mul3A_742 = arith.mulf %mul3A_741, %get3A_8 : vector<16xf32>
        %swap3A_743 = arith.constant 0 : i32
        %swap3A_744 = arith.index_cast %swap3A_743 : i32 to index
        %swap3A_745 = arith.index_cast %add3A_738 : i32 to index
        %swap3A_746 = arith.constant 0 : index
        %swap3A_747 = tpu.vector_load %arg9[%swap3A_744, %swap3A_745, %swap3A_746] {strides = array<i32>} : memref<2x512x64xf32, #tpu.memory_space<vmem>>, vector<1x1x16xf32>,
        %swap3A_748 = vector.shape_cast %swap3A_747 : vector<1x1x16xf32> to vector<16xf32>
        %swap3A_749 = vector.shape_cast %mul3A_742 : vector<16xf32> to vector<1x1x16xf32>
        tpu.vector_store %arg9[%swap3A_744, %swap3A_745, %swap3A_746], %swap3A_749 {add = true, strides = array<i32>} : memref<2x512x64xf32, #tpu.memory_space<vmem>>, vector<1x1x16xf32>,
        %mul3A_750 = vector.broadcast %squeeze3A_740 : f32 to vector<16xf32>
        %mul3A_751 = arith.mulf %mul3A_750, %get3A_11 : vector<16xf32>
        %swap3A_752 = arith.constant 0 : i32
        %swap3A_753 = arith.index_cast %swap3A_752 : i32 to index
        %swap3A_754 = arith.index_cast %add3A_738 : i32 to index
        %swap3A_755 = arith.constant 16 : index
        %swap3A_756 = tpu.vector_load %arg9[%swap3A_753, %swap3A_754, %swap3A_755] {strides = array<i32>} : memref<2x512x64xf32, #tpu.memory_space<vmem>>, vector<1x1x16xf32>,
        %swap3A_757 = vector.shape_cast %swap3A_756 : vector<1x1x16xf32> to vector<16xf32>
        %swap3A_758 = vector.shape_cast %mul3A_751 : vector<16xf32> to vector<1x1x16xf32>
        tpu.vector_store %arg9[%swap3A_753, %swap3A_754, %swap3A_755], %swap3A_758 {add = true, strides = array<i32>} : memref<2x512x64xf32, #tpu.memory_space<vmem>>, vector<1x1x16xf32>,
        %mul3A_759 = vector.broadcast %squeeze3A_740 : f32 to vector<16xf32>
        %mul3A_760 = arith.mulf %mul3A_759, %get3A_14 : vector<16xf32>
        %swap3A_761 = arith.constant 0 : i32
        %swap3A_762 = arith.index_cast %swap3A_761 : i32 to index
        %swap3A_763 = arith.index_cast %add3A_738 : i32 to index
        %swap3A_764 = arith.constant 32 : index
        %swap3A_765 = tpu.vector_load %arg9[%swap3A_762, %swap3A_763, %swap3A_764] {strides = array<i32>} : memref<2x512x64xf32, #tpu.memory_space<vmem>>, vector<1x1x16xf32>,
        %swap3A_766 = vector.shape_cast %swap3A_765 : vector<1x1x16xf32> to vector<16xf32>
        %swap3A_767 = vector.shape_cast %mul3A_760 : vector<16xf32> to vector<1x1x16xf32>
        tpu.vector_store %arg9[%swap3A_762, %swap3A_763, %swap3A_764], %swap3A_767 {add = true, strides = array<i32>} : memref<2x512x64xf32, #tpu.memory_space<vmem>>, vector<1x1x16xf32>,
        %mul3A_768 = vector.broadcast %squeeze3A_740 : f32 to vector<16xf32>
        %mul3A_769 = arith.mulf %mul3A_768, %get3A_17 : vector<16xf32>
        %swap3A_770 = arith.constant 0 : i32
        %swap3A_771 = arith.index_cast %swap3A_770 : i32 to index
        %swap3A_772 = arith.index_cast %add3A_738 : i32 to index
        %swap3A_773 = arith.constant 48 : index
        %swap3A_774 = tpu.vector_load %arg9[%swap3A_771, %swap3A_772, %swap3A_773] {strides = array<i32>} : memref<2x512x64xf32, #tpu.memory_space<vmem>>, vector<1x1x16xf32>,
        %swap3A_775 = vector.shape_cast %swap3A_774 : vector<1x1x16xf32> to vector<16xf32>
        %swap3A_776 = vector.shape_cast %mul3A_769 : vector<16xf32> to vector<1x1x16xf32>
        tpu.vector_store %arg9[%swap3A_771, %swap3A_772, %swap3A_773], %swap3A_776 {add = true, strides = array<i32>} : memref<2x512x64xf32, #tpu.memory_space<vmem>>, vector<1x1x16xf32>,
        %mul3A_777 = arith.constant 16 : i32
        %mul3A_778 = arith.muli %scan3A_436, %mul3A_777 : i32
        %add3A_779 = arith.constant 8 : i32
        %add3A_780 = arith.addi %mul3A_778, %add3A_779 : i32
        %slice3A_781 = vector.extract_strided_slice %get3A_443 {offsets = [8], sizes = [1], strides = [1]} : vector<16xf32> to vector<1xf32>
        %squeeze3A_782 = vector.extract %slice3A_781[0] : f32 from vector<1xf32>
        %mul3A_783 = vector.broadcast %squeeze3A_782 : f32 to vector<16xf32>
        %mul3A_784 = arith.mulf %mul3A_783, %get3A_8 : vector<16xf32>
        %swap3A_785 = arith.constant 0 : i32
        %swap3A_786 = arith.index_cast %swap3A_785 : i32 to index
        %swap3A_787 = arith.index_cast %add3A_780 : i32 to index
        %swap3A_788 = arith.constant 0 : index
        %swap3A_789 = tpu.vector_load %arg9[%swap3A_786, %swap3A_787, %swap3A_788] {strides = array<i32>} : memref<2x512x64xf32, #tpu.memory_space<vmem>>, vector<1x1x16xf32>,
        %swap3A_790 = vector.shape_cast %swap3A_789 : vector<1x1x16xf32> to vector<16xf32>
        %swap3A_791 = vector.shape_cast %mul3A_784 : vector<16xf32> to vector<1x1x16xf32>
        tpu.vector_store %arg9[%swap3A_786, %swap3A_787, %swap3A_788], %swap3A_791 {add = true, strides = array<i32>} : memref<2x512x64xf32, #tpu.memory_space<vmem>>, vector<1x1x16xf32>,
        %mul3A_792 = vector.broadcast %squeeze3A_782 : f32 to vector<16xf32>
        %mul3A_793 = arith.mulf %mul3A_792, %get3A_11 : vector<16xf32>
        %swap3A_794 = arith.constant 0 : i32
        %swap3A_795 = arith.index_cast %swap3A_794 : i32 to index
        %swap3A_796 = arith.index_cast %add3A_780 : i32 to index
        %swap3A_797 = arith.constant 16 : index
        %swap3A_798 = tpu.vector_load %arg9[%swap3A_795, %swap3A_796, %swap3A_797] {strides = array<i32>} : memref<2x512x64xf32, #tpu.memory_space<vmem>>, vector<1x1x16xf32>,
        %swap3A_799 = vector.shape_cast %swap3A_798 : vector<1x1x16xf32> to vector<16xf32>
        %swap3A_800 = vector.shape_cast %mul3A_793 : vector<16xf32> to vector<1x1x16xf32>
        tpu.vector_store %arg9[%swap3A_795, %swap3A_796, %swap3A_797], %swap3A_800 {add = true, strides = array<i32>} : memref<2x512x64xf32, #tpu.memory_space<vmem>>, vector<1x1x16xf32>,
        %mul3A_801 = vector.broadcast %squeeze3A_782 : f32 to vector<16xf32>
        %mul3A_802 = arith.mulf %mul3A_801, %get3A_14 : vector<16xf32>
        %swap3A_803 = arith.constant 0 : i32
        %swap3A_804 = arith.index_cast %swap3A_803 : i32 to index
        %swap3A_805 = arith.index_cast %add3A_780 : i32 to index
        %swap3A_806 = arith.constant 32 : index
        %swap3A_807 = tpu.vector_load %arg9[%swap3A_804, %swap3A_805, %swap3A_806] {strides = array<i32>} : memref<2x512x64xf32, #tpu.memory_space<vmem>>, vector<1x1x16xf32>,
        %swap3A_808 = vector.shape_cast %swap3A_807 : vector<1x1x16xf32> to vector<16xf32>
        %swap3A_809 = vector.shape_cast %mul3A_802 : vector<16xf32> to vector<1x1x16xf32>
        tpu.vector_store %arg9[%swap3A_804, %swap3A_805, %swap3A_806], %swap3A_809 {add = true, strides = array<i32>} : memref<2x512x64xf32, #tpu.memory_space<vmem>>, vector<1x1x16xf32>,
        %mul3A_810 = vector.broadcast %squeeze3A_782 : f32 to vector<16xf32>
        %mul3A_811 = arith.mulf %mul3A_810, %get3A_17 : vector<16xf32>
        %swap3A_812 = arith.constant 0 : i32
        %swap3A_813 = arith.index_cast %swap3A_812 : i32 to index
        %swap3A_814 = arith.index_cast %add3A_780 : i32 to index
        %swap3A_815 = arith.constant 48 : index
        %swap3A_816 = tpu.vector_load %arg9[%swap3A_813, %swap3A_814, %swap3A_815] {strides = array<i32>} : memref<2x512x64xf32, #tpu.memory_space<vmem>>, vector<1x1x16xf32>,
        %swap3A_817 = vector.shape_cast %swap3A_816 : vector<1x1x16xf32> to vector<16xf32>
        %swap3A_818 = vector.shape_cast %mul3A_811 : vector<16xf32> to vector<1x1x16xf32>
        tpu.vector_store %arg9[%swap3A_813, %swap3A_814, %swap3A_815], %swap3A_818 {add = true, strides = array<i32>} : memref<2x512x64xf32, #tpu.memory_space<vmem>>, vector<1x1x16xf32>,
        %mul3A_819 = arith.constant 16 : i32
        %mul3A_820 = arith.muli %scan3A_436, %mul3A_819 : i32
        %add3A_821 = arith.constant 9 : i32
        %add3A_822 = arith.addi %mul3A_820, %add3A_821 : i32
        %slice3A_823 = vector.extract_strided_slice %get3A_443 {offsets = [9], sizes = [1], strides = [1]} : vector<16xf32> to vector<1xf32>
        %squeeze3A_824 = vector.extract %slice3A_823[0] : f32 from vector<1xf32>
        %mul3A_825 = vector.broadcast %squeeze3A_824 : f32 to vector<16xf32>
        %mul3A_826 = arith.mulf %mul3A_825, %get3A_8 : vector<16xf32>
        %swap3A_827 = arith.constant 0 : i32
        %swap3A_828 = arith.index_cast %swap3A_827 : i32 to index
        %swap3A_829 = arith.index_cast %add3A_822 : i32 to index
        %swap3A_830 = arith.constant 0 : index
        %swap3A_831 = tpu.vector_load %arg9[%swap3A_828, %swap3A_829, %swap3A_830] {strides = array<i32>} : memref<2x512x64xf32, #tpu.memory_space<vmem>>, vector<1x1x16xf32>,
        %swap3A_832 = vector.shape_cast %swap3A_831 : vector<1x1x16xf32> to vector<16xf32>
        %swap3A_833 = vector.shape_cast %mul3A_826 : vector<16xf32> to vector<1x1x16xf32>
        tpu.vector_store %arg9[%swap3A_828, %swap3A_829, %swap3A_830], %swap3A_833 {add = true, strides = array<i32>} : memref<2x512x64xf32, #tpu.memory_space<vmem>>, vector<1x1x16xf32>,
        %mul3A_834 = vector.broadcast %squeeze3A_824 : f32 to vector<16xf32>
        %mul3A_835 = arith.mulf %mul3A_834, %get3A_11 : vector<16xf32>
        %swap3A_836 = arith.constant 0 : i32
        %swap3A_837 = arith.index_cast %swap3A_836 : i32 to index
        %swap3A_838 = arith.index_cast %add3A_822 : i32 to index
        %swap3A_839 = arith.constant 16 : index
        %swap3A_840 = tpu.vector_load %arg9[%swap3A_837, %swap3A_838, %swap3A_839] {strides = array<i32>} : memref<2x512x64xf32, #tpu.memory_space<vmem>>, vector<1x1x16xf32>,
        %swap3A_841 = vector.shape_cast %swap3A_840 : vector<1x1x16xf32> to vector<16xf32>
        %swap3A_842 = vector.shape_cast %mul3A_835 : vector<16xf32> to vector<1x1x16xf32>
        tpu.vector_store %arg9[%swap3A_837, %swap3A_838, %swap3A_839], %swap3A_842 {add = true, strides = array<i32>} : memref<2x512x64xf32, #tpu.memory_space<vmem>>, vector<1x1x16xf32>,
        %mul3A_843 = vector.broadcast %squeeze3A_824 : f32 to vector<16xf32>
        %mul3A_844 = arith.mulf %mul3A_843, %get3A_14 : vector<16xf32>
        %swap3A_845 = arith.constant 0 : i32
        %swap3A_846 = arith.index_cast %swap3A_845 : i32 to index
        %swap3A_847 = arith.index_cast %add3A_822 : i32 to index
        %swap3A_848 = arith.constant 32 : index
        %swap3A_849 = tpu.vector_load %arg9[%swap3A_846, %swap3A_847, %swap3A_848] {strides = array<i32>} : memref<2x512x64xf32, #tpu.memory_space<vmem>>, vector<1x1x16xf32>,
        %swap3A_850 = vector.shape_cast %swap3A_849 : vector<1x1x16xf32> to vector<16xf32>
        %swap3A_851 = vector.shape_cast %mul3A_844 : vector<16xf32> to vector<1x1x16xf32>
        tpu.vector_store %arg9[%swap3A_846, %swap3A_847, %swap3A_848], %swap3A_851 {add = true, strides = array<i32>} : memref<2x512x64xf32, #tpu.memory_space<vmem>>, vector<1x1x16xf32>,
        %mul3A_852 = vector.broadcast %squeeze3A_824 : f32 to vector<16xf32>
        %mul3A_853 = arith.mulf %mul3A_852, %get3A_17 : vector<16xf32>
        %swap3A_854 = arith.constant 0 : i32
        %swap3A_855 = arith.index_cast %swap3A_854 : i32 to index
        %swap3A_856 = arith.index_cast %add3A_822 : i32 to index
        %swap3A_857 = arith.constant 48 : index
        %swap3A_858 = tpu.vector_load %arg9[%swap3A_855, %swap3A_856, %swap3A_857] {strides = array<i32>} : memref<2x512x64xf32, #tpu.memory_space<vmem>>, vector<1x1x16xf32>,
        %swap3A_859 = vector.shape_cast %swap3A_858 : vector<1x1x16xf32> to vector<16xf32>
        %swap3A_860 = vector.shape_cast %mul3A_853 : vector<16xf32> to vector<1x1x16xf32>
        tpu.vector_store %arg9[%swap3A_855, %swap3A_856, %swap3A_857], %swap3A_860 {add = true, strides = array<i32>} : memref<2x512x64xf32, #tpu.memory_space<vmem>>, vector<1x1x16xf32>,
        %mul3A_861 = arith.constant 16 : i32
        %mul3A_862 = arith.muli %scan3A_436, %mul3A_861 : i32
        %add3A_863 = arith.constant 10 : i32
        %add3A_864 = arith.addi %mul3A_862, %add3A_863 : i32
        %slice3A_865 = vector.extract_strided_slice %get3A_443 {offsets = [10], sizes = [1], strides = [1]} : vector<16xf32> to vector<1xf32>
        %squeeze3A_866 = vector.extract %slice3A_865[0] : f32 from vector<1xf32>
        %mul3A_867 = vector.broadcast %squeeze3A_866 : f32 to vector<16xf32>
        %mul3A_868 = arith.mulf %mul3A_867, %get3A_8 : vector<16xf32>
        %swap3A_869 = arith.constant 0 : i32
        %swap3A_870 = arith.index_cast %swap3A_869 : i32 to index
        %swap3A_871 = arith.index_cast %add3A_864 : i32 to index
        %swap3A_872 = arith.constant 0 : index
        %swap3A_873 = tpu.vector_load %arg9[%swap3A_870, %swap3A_871, %swap3A_872] {strides = array<i32>} : memref<2x512x64xf32, #tpu.memory_space<vmem>>, vector<1x1x16xf32>,
        %swap3A_874 = vector.shape_cast %swap3A_873 : vector<1x1x16xf32> to vector<16xf32>
        %swap3A_875 = vector.shape_cast %mul3A_868 : vector<16xf32> to vector<1x1x16xf32>
        tpu.vector_store %arg9[%swap3A_870, %swap3A_871, %swap3A_872], %swap3A_875 {add = true, strides = array<i32>} : memref<2x512x64xf32, #tpu.memory_space<vmem>>, vector<1x1x16xf32>,
        %mul3A_876 = vector.broadcast %squeeze3A_866 : f32 to vector<16xf32>
        %mul3A_877 = arith.mulf %mul3A_876, %get3A_11 : vector<16xf32>
        %swap3A_878 = arith.constant 0 : i32
        %swap3A_879 = arith.index_cast %swap3A_878 : i32 to index
        %swap3A_880 = arith.index_cast %add3A_864 : i32 to index
        %swap3A_881 = arith.constant 16 : index
        %swap3A_882 = tpu.vector_load %arg9[%swap3A_879, %swap3A_880, %swap3A_881] {strides = array<i32>} : memref<2x512x64xf32, #tpu.memory_space<vmem>>, vector<1x1x16xf32>,
        %swap3A_883 = vector.shape_cast %swap3A_882 : vector<1x1x16xf32> to vector<16xf32>
        %swap3A_884 = vector.shape_cast %mul3A_877 : vector<16xf32> to vector<1x1x16xf32>
        tpu.vector_store %arg9[%swap3A_879, %swap3A_880, %swap3A_881], %swap3A_884 {add = true, strides = array<i32>} : memref<2x512x64xf32, #tpu.memory_space<vmem>>, vector<1x1x16xf32>,
        %mul3A_885 = vector.broadcast %squeeze3A_866 : f32 to vector<16xf32>
        %mul3A_886 = arith.mulf %mul3A_885, %get3A_14 : vector<16xf32>
        %swap3A_887 = arith.constant 0 : i32
        %swap3A_888 = arith.index_cast %swap3A_887 : i32 to index
        %swap3A_889 = arith.index_cast %add3A_864 : i32 to index
        %swap3A_890 = arith.constant 32 : index
        %swap3A_891 = tpu.vector_load %arg9[%swap3A_888, %swap3A_889, %swap3A_890] {strides = array<i32>} : memref<2x512x64xf32, #tpu.memory_space<vmem>>, vector<1x1x16xf32>,
        %swap3A_892 = vector.shape_cast %swap3A_891 : vector<1x1x16xf32> to vector<16xf32>
        %swap3A_893 = vector.shape_cast %mul3A_886 : vector<16xf32> to vector<1x1x16xf32>
        tpu.vector_store %arg9[%swap3A_888, %swap3A_889, %swap3A_890], %swap3A_893 {add = true, strides = array<i32>} : memref<2x512x64xf32, #tpu.memory_space<vmem>>, vector<1x1x16xf32>,
        %mul3A_894 = vector.broadcast %squeeze3A_866 : f32 to vector<16xf32>
        %mul3A_895 = arith.mulf %mul3A_894, %get3A_17 : vector<16xf32>
        %swap3A_896 = arith.constant 0 : i32
        %swap3A_897 = arith.index_cast %swap3A_896 : i32 to index
        %swap3A_898 = arith.index_cast %add3A_864 : i32 to index
        %swap3A_899 = arith.constant 48 : index
        %swap3A_900 = tpu.vector_load %arg9[%swap3A_897, %swap3A_898, %swap3A_899] {strides = array<i32>} : memref<2x512x64xf32, #tpu.memory_space<vmem>>, vector<1x1x16xf32>,
        %swap3A_901 = vector.shape_cast %swap3A_900 : vector<1x1x16xf32> to vector<16xf32>
        %swap3A_902 = vector.shape_cast %mul3A_895 : vector<16xf32> to vector<1x1x16xf32>
        tpu.vector_store %arg9[%swap3A_897, %swap3A_898, %swap3A_899], %swap3A_902 {add = true, strides = array<i32>} : memref<2x512x64xf32, #tpu.memory_space<vmem>>, vector<1x1x16xf32>,
        %mul3A_903 = arith.constant 16 : i32
        %mul3A_904 = arith.muli %scan3A_436, %mul3A_903 : i32
        %add3A_905 = arith.constant 11 : i32
        %add3A_906 = arith.addi %mul3A_904, %add3A_905 : i32
        %slice3A_907 = vector.extract_strided_slice %get3A_443 {offsets = [11], sizes = [1], strides = [1]} : vector<16xf32> to vector<1xf32>
        %squeeze3A_908 = vector.extract %slice3A_907[0] : f32 from vector<1xf32>
        %mul3A_909 = vector.broadcast %squeeze3A_908 : f32 to vector<16xf32>
        %mul3A_910 = arith.mulf %mul3A_909, %get3A_8 : vector<16xf32>
        %swap3A_911 = arith.constant 0 : i32
        %swap3A_912 = arith.index_cast %swap3A_911 : i32 to index
        %swap3A_913 = arith.index_cast %add3A_906 : i32 to index
        %swap3A_914 = arith.constant 0 : index
        %swap3A_915 = tpu.vector_load %arg9[%swap3A_912, %swap3A_913, %swap3A_914] {strides = array<i32>} : memref<2x512x64xf32, #tpu.memory_space<vmem>>, vector<1x1x16xf32>,
        %swap3A_916 = vector.shape_cast %swap3A_915 : vector<1x1x16xf32> to vector<16xf32>
        %swap3A_917 = vector.shape_cast %mul3A_910 : vector<16xf32> to vector<1x1x16xf32>
        tpu.vector_store %arg9[%swap3A_912, %swap3A_913, %swap3A_914], %swap3A_917 {add = true, strides = array<i32>} : memref<2x512x64xf32, #tpu.memory_space<vmem>>, vector<1x1x16xf32>,
        %mul3A_918 = vector.broadcast %squeeze3A_908 : f32 to vector<16xf32>
        %mul3A_919 = arith.mulf %mul3A_918, %get3A_11 : vector<16xf32>
        %swap3A_920 = arith.constant 0 : i32
        %swap3A_921 = arith.index_cast %swap3A_920 : i32 to index
        %swap3A_922 = arith.index_cast %add3A_906 : i32 to index
        %swap3A_923 = arith.constant 16 : index
        %swap3A_924 = tpu.vector_load %arg9[%swap3A_921, %swap3A_922, %swap3A_923] {strides = array<i32>} : memref<2x512x64xf32, #tpu.memory_space<vmem>>, vector<1x1x16xf32>,
        %swap3A_925 = vector.shape_cast %swap3A_924 : vector<1x1x16xf32> to vector<16xf32>
        %swap3A_926 = vector.shape_cast %mul3A_919 : vector<16xf32> to vector<1x1x16xf32>
        tpu.vector_store %arg9[%swap3A_921, %swap3A_922, %swap3A_923], %swap3A_926 {add = true, strides = array<i32>} : memref<2x512x64xf32, #tpu.memory_space<vmem>>, vector<1x1x16xf32>,
        %mul3A_927 = vector.broadcast %squeeze3A_908 : f32 to vector<16xf32>
        %mul3A_928 = arith.mulf %mul3A_927, %get3A_14 : vector<16xf32>
        %swap3A_929 = arith.constant 0 : i32
        %swap3A_930 = arith.index_cast %swap3A_929 : i32 to index
        %swap3A_931 = arith.index_cast %add3A_906 : i32 to index
        %swap3A_932 = arith.constant 32 : index
        %swap3A_933 = tpu.vector_load %arg9[%swap3A_930, %swap3A_931, %swap3A_932] {strides = array<i32>} : memref<2x512x64xf32, #tpu.memory_space<vmem>>, vector<1x1x16xf32>,
        %swap3A_934 = vector.shape_cast %swap3A_933 : vector<1x1x16xf32> to vector<16xf32>
        %swap3A_935 = vector.shape_cast %mul3A_928 : vector<16xf32> to vector<1x1x16xf32>
        tpu.vector_store %arg9[%swap3A_930, %swap3A_931, %swap3A_932], %swap3A_935 {add = true, strides = array<i32>} : memref<2x512x64xf32, #tpu.memory_space<vmem>>, vector<1x1x16xf32>,
        %mul3A_936 = vector.broadcast %squeeze3A_908 : f32 to vector<16xf32>
        %mul3A_937 = arith.mulf %mul3A_936, %get3A_17 : vector<16xf32>
        %swap3A_938 = arith.constant 0 : i32
        %swap3A_939 = arith.index_cast %swap3A_938 : i32 to index
        %swap3A_940 = arith.index_cast %add3A_906 : i32 to index
        %swap3A_941 = arith.constant 48 : index
        %swap3A_942 = tpu.vector_load %arg9[%swap3A_939, %swap3A_940, %swap3A_941] {strides = array<i32>} : memref<2x512x64xf32, #tpu.memory_space<vmem>>, vector<1x1x16xf32>,
        %swap3A_943 = vector.shape_cast %swap3A_942 : vector<1x1x16xf32> to vector<16xf32>
        %swap3A_944 = vector.shape_cast %mul3A_937 : vector<16xf32> to vector<1x1x16xf32>
        tpu.vector_store %arg9[%swap3A_939, %swap3A_940, %swap3A_941], %swap3A_944 {add = true, strides = array<i32>} : memref<2x512x64xf32, #tpu.memory_space<vmem>>, vector<1x1x16xf32>,
        %mul3A_945 = arith.constant 16 : i32
        %mul3A_946 = arith.muli %scan3A_436, %mul3A_945 : i32
        %add3A_947 = arith.constant 12 : i32
        %add3A_948 = arith.addi %mul3A_946, %add3A_947 : i32
        %slice3A_949 = vector.extract_strided_slice %get3A_443 {offsets = [12], sizes = [1], strides = [1]} : vector<16xf32> to vector<1xf32>
        %squeeze3A_950 = vector.extract %slice3A_949[0] : f32 from vector<1xf32>
        %mul3A_951 = vector.broadcast %squeeze3A_950 : f32 to vector<16xf32>
        %mul3A_952 = arith.mulf %mul3A_951, %get3A_8 : vector<16xf32>
        %swap3A_953 = arith.constant 0 : i32
        %swap3A_954 = arith.index_cast %swap3A_953 : i32 to index
        %swap3A_955 = arith.index_cast %add3A_948 : i32 to index
        %swap3A_956 = arith.constant 0 : index
        %swap3A_957 = tpu.vector_load %arg9[%swap3A_954, %swap3A_955, %swap3A_956] {strides = array<i32>} : memref<2x512x64xf32, #tpu.memory_space<vmem>>, vector<1x1x16xf32>,
        %swap3A_958 = vector.shape_cast %swap3A_957 : vector<1x1x16xf32> to vector<16xf32>
        %swap3A_959 = vector.shape_cast %mul3A_952 : vector<16xf32> to vector<1x1x16xf32>
        tpu.vector_store %arg9[%swap3A_954, %swap3A_955, %swap3A_956], %swap3A_959 {add = true, strides = array<i32>} : memref<2x512x64xf32, #tpu.memory_space<vmem>>, vector<1x1x16xf32>,
        %mul3A_960 = vector.broadcast %squeeze3A_950 : f32 to vector<16xf32>
        %mul3A_961 = arith.mulf %mul3A_960, %get3A_11 : vector<16xf32>
        %swap3A_962 = arith.constant 0 : i32
        %swap3A_963 = arith.index_cast %swap3A_962 : i32 to index
        %swap3A_964 = arith.index_cast %add3A_948 : i32 to index
        %swap3A_965 = arith.constant 16 : index
        %swap3A_966 = tpu.vector_load %arg9[%swap3A_963, %swap3A_964, %swap3A_965] {strides = array<i32>} : memref<2x512x64xf32, #tpu.memory_space<vmem>>, vector<1x1x16xf32>,
        %swap3A_967 = vector.shape_cast %swap3A_966 : vector<1x1x16xf32> to vector<16xf32>
        %swap3A_968 = vector.shape_cast %mul3A_961 : vector<16xf32> to vector<1x1x16xf32>
        tpu.vector_store %arg9[%swap3A_963, %swap3A_964, %swap3A_965], %swap3A_968 {add = true, strides = array<i32>} : memref<2x512x64xf32, #tpu.memory_space<vmem>>, vector<1x1x16xf32>,
        %mul3A_969 = vector.broadcast %squeeze3A_950 : f32 to vector<16xf32>
        %mul3A_970 = arith.mulf %mul3A_969, %get3A_14 : vector<16xf32>
        %swap3A_971 = arith.constant 0 : i32
        %swap3A_972 = arith.index_cast %swap3A_971 : i32 to index
        %swap3A_973 = arith.index_cast %add3A_948 : i32 to index
        %swap3A_974 = arith.constant 32 : index
        %swap3A_975 = tpu.vector_load %arg9[%swap3A_972, %swap3A_973, %swap3A_974] {strides = array<i32>} : memref<2x512x64xf32, #tpu.memory_space<vmem>>, vector<1x1x16xf32>,
        %swap3A_976 = vector.shape_cast %swap3A_975 : vector<1x1x16xf32> to vector<16xf32>
        %swap3A_977 = vector.shape_cast %mul3A_970 : vector<16xf32> to vector<1x1x16xf32>
        tpu.vector_store %arg9[%swap3A_972, %swap3A_973, %swap3A_974], %swap3A_977 {add = true, strides = array<i32>} : memref<2x512x64xf32, #tpu.memory_space<vmem>>, vector<1x1x16xf32>,
        %mul3A_978 = vector.broadcast %squeeze3A_950 : f32 to vector<16xf32>
        %mul3A_979 = arith.mulf %mul3A_978, %get3A_17 : vector<16xf32>
        %swap3A_980 = arith.constant 0 : i32
        %swap3A_981 = arith.index_cast %swap3A_980 : i32 to index
        %swap3A_982 = arith.index_cast %add3A_948 : i32 to index
        %swap3A_983 = arith.constant 48 : index
        %swap3A_984 = tpu.vector_load %arg9[%swap3A_981, %swap3A_982, %swap3A_983] {strides = array<i32>} : memref<2x512x64xf32, #tpu.memory_space<vmem>>, vector<1x1x16xf32>,
        %swap3A_985 = vector.shape_cast %swap3A_984 : vector<1x1x16xf32> to vector<16xf32>
        %swap3A_986 = vector.shape_cast %mul3A_979 : vector<16xf32> to vector<1x1x16xf32>
        tpu.vector_store %arg9[%swap3A_981, %swap3A_982, %swap3A_983], %swap3A_986 {add = true, strides = array<i32>} : memref<2x512x64xf32, #tpu.memory_space<vmem>>, vector<1x1x16xf32>,
        %mul3A_987 = arith.constant 16 : i32
        %mul3A_988 = arith.muli %scan3A_436, %mul3A_987 : i32
        %add3A_989 = arith.constant 13 : i32
        %add3A_990 = arith.addi %mul3A_988, %add3A_989 : i32
        %slice3A_991 = vector.extract_strided_slice %get3A_443 {offsets = [13], sizes = [1], strides = [1]} : vector<16xf32> to vector<1xf32>
        %squeeze3A_992 = vector.extract %slice3A_991[0] : f32 from vector<1xf32>
        %mul3A_993 = vector.broadcast %squeeze3A_992 : f32 to vector<16xf32>
        %mul3A_994 = arith.mulf %mul3A_993, %get3A_8 : vector<16xf32>
        %swap3A_995 = arith.constant 0 : i32
        %swap3A_996 = arith.index_cast %swap3A_995 : i32 to index
        %swap3A_997 = arith.index_cast %add3A_990 : i32 to index
        %swap3A_998 = arith.constant 0 : index
        %swap3A_999 = tpu.vector_load %arg9[%swap3A_996, %swap3A_997, %swap3A_998] {strides = array<i32>} : memref<2x512x64xf32, #tpu.memory_space<vmem>>, vector<1x1x16xf32>,
        %swap3A_1000 = vector.shape_cast %swap3A_999 : vector<1x1x16xf32> to vector<16xf32>
        %swap3A_1001 = vector.shape_cast %mul3A_994 : vector<16xf32> to vector<1x1x16xf32>
        tpu.vector_store %arg9[%swap3A_996, %swap3A_997, %swap3A_998], %swap3A_1001 {add = true, strides = array<i32>} : memref<2x512x64xf32, #tpu.memory_space<vmem>>, vector<1x1x16xf32>,
        %mul3A_1002 = vector.broadcast %squeeze3A_992 : f32 to vector<16xf32>
        %mul3A_1003 = arith.mulf %mul3A_1002, %get3A_11 : vector<16xf32>
        %swap3A_1004 = arith.constant 0 : i32
        %swap3A_1005 = arith.index_cast %swap3A_1004 : i32 to index
        %swap3A_1006 = arith.index_cast %add3A_990 : i32 to index
        %swap3A_1007 = arith.constant 16 : index
        %swap3A_1008 = tpu.vector_load %arg9[%swap3A_1005, %swap3A_1006, %swap3A_1007] {strides = array<i32>} : memref<2x512x64xf32, #tpu.memory_space<vmem>>, vector<1x1x16xf32>,
        %swap3A_1009 = vector.shape_cast %swap3A_1008 : vector<1x1x16xf32> to vector<16xf32>
        %swap3A_1010 = vector.shape_cast %mul3A_1003 : vector<16xf32> to vector<1x1x16xf32>
        tpu.vector_store %arg9[%swap3A_1005, %swap3A_1006, %swap3A_1007], %swap3A_1010 {add = true, strides = array<i32>} : memref<2x512x64xf32, #tpu.memory_space<vmem>>, vector<1x1x16xf32>,
        %mul3A_1011 = vector.broadcast %squeeze3A_992 : f32 to vector<16xf32>
        %mul3A_1012 = arith.mulf %mul3A_1011, %get3A_14 : vector<16xf32>
        %swap3A_1013 = arith.constant 0 : i32
        %swap3A_1014 = arith.index_cast %swap3A_1013 : i32 to index
        %swap3A_1015 = arith.index_cast %add3A_990 : i32 to index
        %swap3A_1016 = arith.constant 32 : index
        %swap3A_1017 = tpu.vector_load %arg9[%swap3A_1014, %swap3A_1015, %swap3A_1016] {strides = array<i32>} : memref<2x512x64xf32, #tpu.memory_space<vmem>>, vector<1x1x16xf32>,
        %swap3A_1018 = vector.shape_cast %swap3A_1017 : vector<1x1x16xf32> to vector<16xf32>
        %swap3A_1019 = vector.shape_cast %mul3A_1012 : vector<16xf32> to vector<1x1x16xf32>
        tpu.vector_store %arg9[%swap3A_1014, %swap3A_1015, %swap3A_1016], %swap3A_1019 {add = true, strides = array<i32>} : memref<2x512x64xf32, #tpu.memory_space<vmem>>, vector<1x1x16xf32>,
        %mul3A_1020 = vector.broadcast %squeeze3A_992 : f32 to vector<16xf32>
        %mul3A_1021 = arith.mulf %mul3A_1020, %get3A_17 : vector<16xf32>
        %swap3A_1022 = arith.constant 0 : i32
        %swap3A_1023 = arith.index_cast %swap3A_1022 : i32 to index
        %swap3A_1024 = arith.index_cast %add3A_990 : i32 to index
        %swap3A_1025 = arith.constant 48 : index
        %swap3A_1026 = tpu.vector_load %arg9[%swap3A_1023, %swap3A_1024, %swap3A_1025] {strides = array<i32>} : memref<2x512x64xf32, #tpu.memory_space<vmem>>, vector<1x1x16xf32>,
        %swap3A_1027 = vector.shape_cast %swap3A_1026 : vector<1x1x16xf32> to vector<16xf32>
        %swap3A_1028 = vector.shape_cast %mul3A_1021 : vector<16xf32> to vector<1x1x16xf32>
        tpu.vector_store %arg9[%swap3A_1023, %swap3A_1024, %swap3A_1025], %swap3A_1028 {add = true, strides = array<i32>} : memref<2x512x64xf32, #tpu.memory_space<vmem>>, vector<1x1x16xf32>,
        %mul3A_1029 = arith.constant 16 : i32
        %mul3A_1030 = arith.muli %scan3A_436, %mul3A_1029 : i32
        %add3A_1031 = arith.constant 14 : i32
        %add3A_1032 = arith.addi %mul3A_1030, %add3A_1031 : i32
        %slice3A_1033 = vector.extract_strided_slice %get3A_443 {offsets = [14], sizes = [1], strides = [1]} : vector<16xf32> to vector<1xf32>
        %squeeze3A_1034 = vector.extract %slice3A_1033[0] : f32 from vector<1xf32>
        %mul3A_1035 = vector.broadcast %squeeze3A_1034 : f32 to vector<16xf32>
        %mul3A_1036 = arith.mulf %mul3A_1035, %get3A_8 : vector<16xf32>
        %swap3A_1037 = arith.constant 0 : i32
        %swap3A_1038 = arith.index_cast %swap3A_1037 : i32 to index
        %swap3A_1039 = arith.index_cast %add3A_1032 : i32 to index
        %swap3A_1040 = arith.constant 0 : index
        %swap3A_1041 = tpu.vector_load %arg9[%swap3A_1038, %swap3A_1039, %swap3A_1040] {strides = array<i32>} : memref<2x512x64xf32, #tpu.memory_space<vmem>>, vector<1x1x16xf32>,
        %swap3A_1042 = vector.shape_cast %swap3A_1041 : vector<1x1x16xf32> to vector<16xf32>
        %swap3A_1043 = vector.shape_cast %mul3A_1036 : vector<16xf32> to vector<1x1x16xf32>
        tpu.vector_store %arg9[%swap3A_1038, %swap3A_1039, %swap3A_1040], %swap3A_1043 {add = true, strides = array<i32>} : memref<2x512x64xf32, #tpu.memory_space<vmem>>, vector<1x1x16xf32>,
        %mul3A_1044 = vector.broadcast %squeeze3A_1034 : f32 to vector<16xf32>
        %mul3A_1045 = arith.mulf %mul3A_1044, %get3A_11 : vector<16xf32>
        %swap3A_1046 = arith.constant 0 : i32
        %swap3A_1047 = arith.index_cast %swap3A_1046 : i32 to index
        %swap3A_1048 = arith.index_cast %add3A_1032 : i32 to index
        %swap3A_1049 = arith.constant 16 : index
        %swap3A_1050 = tpu.vector_load %arg9[%swap3A_1047, %swap3A_1048, %swap3A_1049] {strides = array<i32>} : memref<2x512x64xf32, #tpu.memory_space<vmem>>, vector<1x1x16xf32>,
        %swap3A_1051 = vector.shape_cast %swap3A_1050 : vector<1x1x16xf32> to vector<16xf32>
        %swap3A_1052 = vector.shape_cast %mul3A_1045 : vector<16xf32> to vector<1x1x16xf32>
        tpu.vector_store %arg9[%swap3A_1047, %swap3A_1048, %swap3A_1049], %swap3A_1052 {add = true, strides = array<i32>} : memref<2x512x64xf32, #tpu.memory_space<vmem>>, vector<1x1x16xf32>,
        %mul3A_1053 = vector.broadcast %squeeze3A_1034 : f32 to vector<16xf32>
        %mul3A_1054 = arith.mulf %mul3A_1053, %get3A_14 : vector<16xf32>
        %swap3A_1055 = arith.constant 0 : i32
        %swap3A_1056 = arith.index_cast %swap3A_1055 : i32 to index
        %swap3A_1057 = arith.index_cast %add3A_1032 : i32 to index
        %swap3A_1058 = arith.constant 32 : index
        %swap3A_1059 = tpu.vector_load %arg9[%swap3A_1056, %swap3A_1057, %swap3A_1058] {strides = array<i32>} : memref<2x512x64xf32, #tpu.memory_space<vmem>>, vector<1x1x16xf32>,
        %swap3A_1060 = vector.shape_cast %swap3A_1059 : vector<1x1x16xf32> to vector<16xf32>
        %swap3A_1061 = vector.shape_cast %mul3A_1054 : vector<16xf32> to vector<1x1x16xf32>
        tpu.vector_store %arg9[%swap3A_1056, %swap3A_1057, %swap3A_1058], %swap3A_1061 {add = true, strides = array<i32>} : memref<2x512x64xf32, #tpu.memory_space<vmem>>, vector<1x1x16xf32>,
        %mul3A_1062 = vector.broadcast %squeeze3A_1034 : f32 to vector<16xf32>
        %mul3A_1063 = arith.mulf %mul3A_1062, %get3A_17 : vector<16xf32>
        %swap3A_1064 = arith.constant 0 : i32
        %swap3A_1065 = arith.index_cast %swap3A_1064 : i32 to index
        %swap3A_1066 = arith.index_cast %add3A_1032 : i32 to index
        %swap3A_1067 = arith.constant 48 : index
        %swap3A_1068 = tpu.vector_load %arg9[%swap3A_1065, %swap3A_1066, %swap3A_1067] {strides = array<i32>} : memref<2x512x64xf32, #tpu.memory_space<vmem>>, vector<1x1x16xf32>,
        %swap3A_1069 = vector.shape_cast %swap3A_1068 : vector<1x1x16xf32> to vector<16xf32>
        %swap3A_1070 = vector.shape_cast %mul3A_1063 : vector<16xf32> to vector<1x1x16xf32>
        tpu.vector_store %arg9[%swap3A_1065, %swap3A_1066, %swap3A_1067], %swap3A_1070 {add = true, strides = array<i32>} : memref<2x512x64xf32, #tpu.memory_space<vmem>>, vector<1x1x16xf32>,
        %mul3A_1071 = arith.constant 16 : i32
        %mul3A_1072 = arith.muli %scan3A_436, %mul3A_1071 : i32
        %add3A_1073 = arith.constant 15 : i32
        %add3A_1074 = arith.addi %mul3A_1072, %add3A_1073 : i32
        %slice3A_1075 = vector.extract_strided_slice %get3A_443 {offsets = [15], sizes = [1], strides = [1]} : vector<16xf32> to vector<1xf32>
        %squeeze3A_1076 = vector.extract %slice3A_1075[0] : f32 from vector<1xf32>
        %mul3A_1077 = vector.broadcast %squeeze3A_1076 : f32 to vector<16xf32>
        %mul3A_1078 = arith.mulf %mul3A_1077, %get3A_8 : vector<16xf32>
        %swap3A_1079 = arith.constant 0 : i32
        %swap3A_1080 = arith.index_cast %swap3A_1079 : i32 to index
        %swap3A_1081 = arith.index_cast %add3A_1074 : i32 to index
        %swap3A_1082 = arith.constant 0 : index
        %swap3A_1083 = tpu.vector_load %arg9[%swap3A_1080, %swap3A_1081, %swap3A_1082] {strides = array<i32>} : memref<2x512x64xf32, #tpu.memory_space<vmem>>, vector<1x1x16xf32>,
        %swap3A_1084 = vector.shape_cast %swap3A_1083 : vector<1x1x16xf32> to vector<16xf32>
        %swap3A_1085 = vector.shape_cast %mul3A_1078 : vector<16xf32> to vector<1x1x16xf32>
        tpu.vector_store %arg9[%swap3A_1080, %swap3A_1081, %swap3A_1082], %swap3A_1085 {add = true, strides = array<i32>} : memref<2x512x64xf32, #tpu.memory_space<vmem>>, vector<1x1x16xf32>,
        %mul3A_1086 = vector.broadcast %squeeze3A_1076 : f32 to vector<16xf32>
        %mul3A_1087 = arith.mulf %mul3A_1086, %get3A_11 : vector<16xf32>
        %swap3A_1088 = arith.constant 0 : i32
        %swap3A_1089 = arith.index_cast %swap3A_1088 : i32 to index
        %swap3A_1090 = arith.index_cast %add3A_1074 : i32 to index
        %swap3A_1091 = arith.constant 16 : index
        %swap3A_1092 = tpu.vector_load %arg9[%swap3A_1089, %swap3A_1090, %swap3A_1091] {strides = array<i32>} : memref<2x512x64xf32, #tpu.memory_space<vmem>>, vector<1x1x16xf32>,
        %swap3A_1093 = vector.shape_cast %swap3A_1092 : vector<1x1x16xf32> to vector<16xf32>
        %swap3A_1094 = vector.shape_cast %mul3A_1087 : vector<16xf32> to vector<1x1x16xf32>
        tpu.vector_store %arg9[%swap3A_1089, %swap3A_1090, %swap3A_1091], %swap3A_1094 {add = true, strides = array<i32>} : memref<2x512x64xf32, #tpu.memory_space<vmem>>, vector<1x1x16xf32>,
        %mul3A_1095 = vector.broadcast %squeeze3A_1076 : f32 to vector<16xf32>
        %mul3A_1096 = arith.mulf %mul3A_1095, %get3A_14 : vector<16xf32>
        %swap3A_1097 = arith.constant 0 : i32
        %swap3A_1098 = arith.index_cast %swap3A_1097 : i32 to index
        %swap3A_1099 = arith.index_cast %add3A_1074 : i32 to index
        %swap3A_1100 = arith.constant 32 : index
        %swap3A_1101 = tpu.vector_load %arg9[%swap3A_1098, %swap3A_1099, %swap3A_1100] {strides = array<i32>} : memref<2x512x64xf32, #tpu.memory_space<vmem>>, vector<1x1x16xf32>,
        %swap3A_1102 = vector.shape_cast %swap3A_1101 : vector<1x1x16xf32> to vector<16xf32>
        %swap3A_1103 = vector.shape_cast %mul3A_1096 : vector<16xf32> to vector<1x1x16xf32>
        tpu.vector_store %arg9[%swap3A_1098, %swap3A_1099, %swap3A_1100], %swap3A_1103 {add = true, strides = array<i32>} : memref<2x512x64xf32, #tpu.memory_space<vmem>>, vector<1x1x16xf32>,
        %mul3A_1104 = vector.broadcast %squeeze3A_1076 : f32 to vector<16xf32>
        %mul3A_1105 = arith.mulf %mul3A_1104, %get3A_17 : vector<16xf32>
        %swap3A_1106 = arith.constant 0 : i32
        %swap3A_1107 = arith.index_cast %swap3A_1106 : i32 to index
        %swap3A_1108 = arith.index_cast %add3A_1074 : i32 to index
        %swap3A_1109 = arith.constant 48 : index
        %swap3A_1110 = tpu.vector_load %arg9[%swap3A_1107, %swap3A_1108, %swap3A_1109] {strides = array<i32>} : memref<2x512x64xf32, #tpu.memory_space<vmem>>, vector<1x1x16xf32>,
        %swap3A_1111 = vector.shape_cast %swap3A_1110 : vector<1x1x16xf32> to vector<16xf32>
        %swap3A_1112 = vector.shape_cast %mul3A_1105 : vector<16xf32> to vector<1x1x16xf32>
        tpu.vector_store %arg9[%swap3A_1107, %swap3A_1108, %swap3A_1109], %swap3A_1112 {add = true, strides = array<i32>} : memref<2x512x64xf32, #tpu.memory_space<vmem>>, vector<1x1x16xf32>,
      }
      %scan3A_331 = arith.constant 32 : i32
      %mul3A_332 = arith.constant 512 : i32
      %mul3A_333 = arith.muli %mul3A_183, %mul3A_332 : i32
      %add3A_334 = arith.addi %mul3A_2, %mul3A_333 : i32
      %dma_start3A_335 = arith.constant 0 : i32
      %dma_start3A_336 = arith.constant 0 : i32
      %dma_start3A_337 = arith.constant 0 : i32
      %dma_start3A_338 = tpu.memref_slice %arg9[%dma_start3A_335, %dma_start3A_336, %dma_start3A_337] : memref<2x512x64xf32, #tpu.memory_space<vmem>> -> memref<1x512x64xf32, #tpu.memory_space<vmem>>
      %dma_start3A_339 = tpu.memref_squeeze %dma_start3A_338 : memref<1x512x64xf32, #tpu.memory_space<vmem>> -> memref<512x64xf32, #tpu.memory_space<vmem>>
      %dma_start3A_340 = arith.constant 0 : i32
      %dma_start3A_341 = tpu.memref_slice %arg6[%add3A_334, %dma_start3A_340] : memref<819200x128xf32, #tpu.memory_space<hbm>> -> memref<512x64xf32, #tpu.memory_space<hbm>>
      %dma_start3A_342 = arith.constant 0 : i32
      %dma_start3A_343 = tpu.memref_slice %arg6[%add3A_334, %dma_start3A_342] : memref<819200x128xf32, #tpu.memory_space<hbm>> -> memref<512x64xf32, #tpu.memory_space<hbm>>
      %dma_start3A_344 = arith.constant 0 : i32
      %dma_start3A_345 = arith.constant 0 : i32
      %dma_start3A_346 = tpu.memref_slice %arg9[%dma_start3A_335, %dma_start3A_344, %dma_start3A_345] : memref<2x512x64xf32, #tpu.memory_space<vmem>> -> memref<1x512x64xf32, #tpu.memory_space<vmem>>
      %dma_start3A_347 = tpu.memref_squeeze %dma_start3A_346 : memref<1x512x64xf32, #tpu.memory_space<vmem>> -> memref<512x64xf32, #tpu.memory_space<vmem>>
      tpu.enqueue_dma source(%dma_start3A_347 : memref<512x64xf32, #tpu.memory_space<vmem>>) target(%dma_start3A_343 : memref<512x64xf32, #tpu.memory_space<hbm>>) target_semaphore(%arg18 : memref<!tpu.dma_semaphore, #tpu.memory_space<semaphore_mem>>)
      %lt3A = arith.constant 50 : i32
      %lt3A_348 = arith.cmpi slt, %add3A_187, %lt3A : i32
      %convert_element_type3A_349 = arith.extui %lt3A_348 : i1 to i32
      %cond3A_350 = arith.constant 0 : i32
      %cond3A_351 = arith.cmpi ne, %convert_element_type3A_349, %cond3A_350 : i32
      scf.if %cond3A_351 {
        %mul3A_436 = arith.constant 4 : i32
        %mul3A_437 = arith.muli %add3A_187, %mul3A_436 : i32
        %add3A_438 = arith.addi %mul3A_4, %mul3A_437 : i32
        %mul3A_439 = arith.constant 512 : i32
        %mul3A_440 = arith.muli %add3A_187, %mul3A_439 : i32
        %add3A_441 = arith.addi %mul3A_2, %mul3A_440 : i32
        %dma_start3A_442 = arith.constant 0 : i32
        %dma_start3A_443 = arith.constant 0 : i32
        %dma_start3A_444 = arith.constant 0 : i32
        %dma_start3A_445 = tpu.memref_slice %arg7[%dma_start3A_442, %dma_start3A_443, %dma_start3A_444] : memref<2x4x128xi32, #tpu.memory_space<vmem>> -> memref<1x4x128xi32, #tpu.memory_space<vmem>>
        %dma_start3A_446 = tpu.memref_squeeze %dma_start3A_445 : memref<1x4x128xi32, #tpu.memory_space<vmem>> -> memref<4x128xi32, #tpu.memory_space<vmem>>
        %dma_start3A_447 = arith.constant 0 : i32
        %dma_start3A_448 = tpu.memref_slice %arg4[%add3A_438, %dma_start3A_447] : memref<6400x128xi32, #tpu.memory_space<hbm>> -> memref<4x128xi32, #tpu.memory_space<hbm>>
        %dma_start3A_449 = arith.constant 0 : i32
        %dma_start3A_450 = arith.constant 0 : i32
        %dma_start3A_451 = tpu.memref_slice %arg7[%dma_start3A_442, %dma_start3A_449, %dma_start3A_450] : memref<2x4x128xi32, #tpu.memory_space<vmem>> -> memref<1x4x128xi32, #tpu.memory_space<vmem>>
        %dma_start3A_452 = tpu.memref_squeeze %dma_start3A_451 : memref<1x4x128xi32, #tpu.memory_space<vmem>> -> memref<4x128xi32, #tpu.memory_space<vmem>>
        %dma_start3A_453 = arith.constant 0 : i32
        %dma_start3A_454 = tpu.memref_slice %arg4[%add3A_438, %dma_start3A_453] : memref<6400x128xi32, #tpu.memory_space<hbm>> -> memref<4x128xi32, #tpu.memory_space<hbm>>
        tpu.enqueue_dma source(%dma_start3A_454 : memref<4x128xi32, #tpu.memory_space<hbm>>) target(%dma_start3A_452 : memref<4x128xi32, #tpu.memory_space<vmem>>) target_semaphore(%arg12 : memref<!tpu.dma_semaphore, #tpu.memory_space<semaphore_mem>>)
        %dma_start3A_455 = arith.constant 0 : i32
        %dma_start3A_456 = arith.constant 0 : i32
        %dma_start3A_457 = tpu.memref_slice %arg8[%dma_start3A_455, %dma_start3A_456] : memref<2x512xf32, #tpu.memory_space<vmem>> -> memref<1x512xf32, #tpu.memory_space<vmem>>
        %dma_start3A_458 = tpu.memref_squeeze %dma_start3A_457 : memref<1x512xf32, #tpu.memory_space<vmem>> -> memref<512xf32, #tpu.memory_space<vmem>>
        %dma_start3A_459 = tpu.memref_slice %arg5[%add3A_441] : memref<819200xf32, #tpu.memory_space<hbm>> -> memref<512xf32, #tpu.memory_space<hbm>>
        %dma_start3A_460 = arith.constant 0 : i32
        %dma_start3A_461 = tpu.memref_slice %arg8[%dma_start3A_455, %dma_start3A_460] : memref<2x512xf32, #tpu.memory_space<vmem>> -> memref<1x512xf32, #tpu.memory_space<vmem>>
        %dma_start3A_462 = tpu.memref_squeeze %dma_start3A_461 : memref<1x512xf32, #tpu.memory_space<vmem>> -> memref<512xf32, #tpu.memory_space<vmem>>
        %dma_start3A_463 = tpu.memref_slice %arg5[%add3A_441] : memref<819200xf32, #tpu.memory_space<hbm>> -> memref<512xf32, #tpu.memory_space<hbm>>
        tpu.enqueue_dma source(%dma_start3A_463 : memref<512xf32, #tpu.memory_space<hbm>>) target(%dma_start3A_462 : memref<512xf32, #tpu.memory_space<vmem>>) target_semaphore(%arg14 : memref<!tpu.dma_semaphore, #tpu.memory_space<semaphore_mem>>)
      } else {
      }
      %dma_wait3A_352 = arith.constant 1 : i32
      %dma_wait3A_353 = arith.constant 0 : i32
      %dma_wait3A_354 = arith.constant 1 : i32
      %dma_wait3A_355 = arith.constant 0 : i32
      %dma_wait3A_356 = arith.constant 0 : i32
      %dma_wait3A_357 = tpu.memref_slice %arg9[%dma_wait3A_354, %dma_wait3A_355, %dma_wait3A_356] : memref<2x512x64xf32, #tpu.memory_space<vmem>> -> memref<1x128x64xf32, #tpu.memory_space<vmem>>
      %dma_wait3A_358 = tpu.memref_squeeze %dma_wait3A_357 : memref<1x128x64xf32, #tpu.memory_space<vmem>> -> memref<128x64xf32, #tpu.memory_space<vmem>>
      %dma_wait3A_359 = arith.constant 0 : i32
      %dma_wait3A_360 = tpu.memref_slice %arg7[%dma_wait3A_352, %dma_wait3A_353, %dma_wait3A_359] : memref<2x4x128xi32, #tpu.memory_space<vmem>> -> memref<1x1x128xi32, #tpu.memory_space<vmem>>
      %dma_wait3A_361 = tpu.memref_squeeze %dma_wait3A_360 : memref<1x1x128xi32, #tpu.memory_space<vmem>> -> memref<128xi32, #tpu.memory_space<vmem>>
      %dma_wait3A_362 = arith.constant 0 : i32
      %dma_wait3A_363 = arith.constant 0 : i32
      %dma_wait3A_364 = tpu.memref_slice %arg10[%dma_wait3A_362, %dma_wait3A_363] : memref<201x64xf32, #tpu.memory_space<vmem_shared>> -> memref<201x64xf32, #tpu.memory_space<vmem_shared>>
      tpu.wait_indirect_dma semaphore(%arg17 : memref<!tpu.dma_semaphore, #tpu.memory_space<semaphore_mem>>) src(%dma_wait3A_364 : memref<201x64xf32, #tpu.memory_space<vmem_shared>>) dst(%dma_wait3A_358 : memref<128x64xf32, #tpu.memory_space<vmem>>)
      %dma_wait3A_365 = arith.constant 1 : i32
      %dma_wait3A_366 = arith.constant 1 : i32
      %dma_wait3A_367 = arith.constant 1 : i32
      %dma_wait3A_368 = arith.constant 128 : i32
      %dma_wait3A_369 = arith.constant 0 : i32
      %dma_wait3A_370 = tpu.memref_slice %arg9[%dma_wait3A_367, %dma_wait3A_368, %dma_wait3A_369] : memref<2x512x64xf32, #tpu.memory_space<vmem>> -> memref<1x128x64xf32, #tpu.memory_space<vmem>>
      %dma_wait3A_371 = tpu.memref_squeeze %dma_wait3A_370 : memref<1x128x64xf32, #tpu.memory_space<vmem>> -> memref<128x64xf32, #tpu.memory_space<vmem>>
      %dma_wait3A_372 = arith.constant 0 : i32
      %dma_wait3A_373 = tpu.memref_slice %arg7[%dma_wait3A_365, %dma_wait3A_366, %dma_wait3A_372] : memref<2x4x128xi32, #tpu.memory_space<vmem>> -> memref<1x1x128xi32, #tpu.memory_space<vmem>>
      %dma_wait3A_374 = tpu.memref_squeeze %dma_wait3A_373 : memref<1x1x128xi32, #tpu.memory_space<vmem>> -> memref<128xi32, #tpu.memory_space<vmem>>
      %dma_wait3A_375 = arith.constant 0 : i32
      %dma_wait3A_376 = arith.constant 0 : i32
      %dma_wait3A_377 = tpu.memref_slice %arg10[%dma_wait3A_375, %dma_wait3A_376] : memref<201x64xf32, #tpu.memory_space<vmem_shared>> -> memref<201x64xf32, #tpu.memory_space<vmem_shared>>
      tpu.wait_indirect_dma semaphore(%arg17 : memref<!tpu.dma_semaphore, #tpu.memory_space<semaphore_mem>>) src(%dma_wait3A_377 : memref<201x64xf32, #tpu.memory_space<vmem_shared>>) dst(%dma_wait3A_371 : memref<128x64xf32, #tpu.memory_space<vmem>>)
      %dma_wait3A_378 = arith.constant 1 : i32
      %dma_wait3A_379 = arith.constant 2 : i32
      %dma_wait3A_380 = arith.constant 1 : i32
      %dma_wait3A_381 = arith.constant 256 : i32
      %dma_wait3A_382 = arith.constant 0 : i32
      %dma_wait3A_383 = tpu.memref_slice %arg9[%dma_wait3A_380, %dma_wait3A_381, %dma_wait3A_382] : memref<2x512x64xf32, #tpu.memory_space<vmem>> -> memref<1x128x64xf32, #tpu.memory_space<vmem>>
      %dma_wait3A_384 = tpu.memref_squeeze %dma_wait3A_383 : memref<1x128x64xf32, #tpu.memory_space<vmem>> -> memref<128x64xf32, #tpu.memory_space<vmem>>
      %dma_wait3A_385 = arith.constant 0 : i32
      %dma_wait3A_386 = tpu.memref_slice %arg7[%dma_wait3A_378, %dma_wait3A_379, %dma_wait3A_385] : memref<2x4x128xi32, #tpu.memory_space<vmem>> -> memref<1x1x128xi32, #tpu.memory_space<vmem>>
      %dma_wait3A_387 = tpu.memref_squeeze %dma_wait3A_386 : memref<1x1x128xi32, #tpu.memory_space<vmem>> -> memref<128xi32, #tpu.memory_space<vmem>>
      %dma_wait3A_388 = arith.constant 0 : i32
      %dma_wait3A_389 = arith.constant 0 : i32
      %dma_wait3A_390 = tpu.memref_slice %arg10[%dma_wait3A_388, %dma_wait3A_389] : memref<201x64xf32, #tpu.memory_space<vmem_shared>> -> memref<201x64xf32, #tpu.memory_space<vmem_shared>>
      tpu.wait_indirect_dma semaphore(%arg17 : memref<!tpu.dma_semaphore, #tpu.memory_space<semaphore_mem>>) src(%dma_wait3A_390 : memref<201x64xf32, #tpu.memory_space<vmem_shared>>) dst(%dma_wait3A_384 : memref<128x64xf32, #tpu.memory_space<vmem>>)
      %dma_wait3A_391 = arith.constant 1 : i32
      %dma_wait3A_392 = arith.constant 3 : i32
      %dma_wait3A_393 = arith.constant 1 : i32
      %dma_wait3A_394 = arith.constant 384 : i32
      %dma_wait3A_395 = arith.constant 0 : i32
      %dma_wait3A_396 = tpu.memref_slice %arg9[%dma_wait3A_393, %dma_wait3A_394, %dma_wait3A_395] : memref<2x512x64xf32, #tpu.memory_space<vmem>> -> memref<1x128x64xf32, #tpu.memory_space<vmem>>
      %dma_wait3A_397 = tpu.memref_squeeze %dma_wait3A_396 : memref<1x128x64xf32, #tpu.memory_space<vmem>> -> memref<128x64xf32, #tpu.memory_space<vmem>>
      %dma_wait3A_398 = arith.constant 0 : i32
      %dma_wait3A_399 = tpu.memref_slice %arg7[%dma_wait3A_391, %dma_wait3A_392, %dma_wait3A_398] : memref<2x4x128xi32, #tpu.memory_space<vmem>> -> memref<1x1x128xi32, #tpu.memory_space<vmem>>
      %dma_wait3A_400 = tpu.memref_squeeze %dma_wait3A_399 : memref<1x1x128xi32, #tpu.memory_space<vmem>> -> memref<128xi32, #tpu.memory_space<vmem>>
      %dma_wait3A_401 = arith.constant 0 : i32
      %dma_wait3A_402 = arith.constant 0 : i32
      %dma_wait3A_403 = tpu.memref_slice %arg10[%dma_wait3A_401, %dma_wait3A_402] : memref<201x64xf32, #tpu.memory_space<vmem_shared>> -> memref<201x64xf32, #tpu.memory_space<vmem_shared>>
      tpu.wait_indirect_dma semaphore(%arg17 : memref<!tpu.dma_semaphore, #tpu.memory_space<semaphore_mem>>) src(%dma_wait3A_403 : memref<201x64xf32, #tpu.memory_space<vmem_shared>>) dst(%dma_wait3A_397 : memref<128x64xf32, #tpu.memory_space<vmem>>)
      %lt3A_404 = arith.constant 50 : i32
      %lt3A_405 = arith.cmpi slt, %add3A_187, %lt3A_404 : i32
      %convert_element_type3A_406 = arith.extui %lt3A_405 : i1 to i32
      %cond3A_407 = arith.constant 0 : i32
      %cond3A_408 = arith.cmpi ne, %convert_element_type3A_406, %cond3A_407 : i32
      scf.if %cond3A_408 {
        %mul3A_436 = arith.constant 4 : i32
        %mul3A_437 = arith.muli %add3A_187, %mul3A_436 : i32
        %add3A_438 = arith.addi %mul3A_4, %mul3A_437 : i32
        %mul3A_439 = arith.constant 512 : i32
        %mul3A_440 = arith.muli %add3A_187, %mul3A_439 : i32
        %add3A_441 = arith.addi %mul3A_2, %mul3A_440 : i32
        %dma_wait3A_442 = arith.constant 0 : i32
        %dma_wait3A_443 = arith.constant 0 : i32
        %dma_wait3A_444 = arith.constant 0 : i32
        %dma_wait3A_445 = tpu.memref_slice %arg7[%dma_wait3A_442, %dma_wait3A_443, %dma_wait3A_444] : memref<2x4x128xi32, #tpu.memory_space<vmem>> -> memref<1x4x128xi32, #tpu.memory_space<vmem>>
        %dma_wait3A_446 = tpu.memref_squeeze %dma_wait3A_445 : memref<1x4x128xi32, #tpu.memory_space<vmem>> -> memref<4x128xi32, #tpu.memory_space<vmem>>
        %dma_wait3A_447 = arith.constant 0 : i32
        %dma_wait3A_448 = tpu.memref_slice %arg4[%add3A_438, %dma_wait3A_447] : memref<6400x128xi32, #tpu.memory_space<hbm>> -> memref<4x128xi32, #tpu.memory_space<hbm>>
        %dma_wait3A_449 = arith.constant 0 : i32
        %dma_wait3A_450 = arith.constant 0 : i32
        %dma_wait3A_451 = tpu.memref_slice %arg7[%dma_wait3A_442, %dma_wait3A_449, %dma_wait3A_450] : memref<2x4x128xi32, #tpu.memory_space<vmem>> -> memref<1x4x128xi32, #tpu.memory_space<vmem>>
        %dma_wait3A_452 = tpu.memref_squeeze %dma_wait3A_451 : memref<1x4x128xi32, #tpu.memory_space<vmem>> -> memref<4x128xi32, #tpu.memory_space<vmem>>
        %dma_wait3A_453 = arith.constant 0 : i32
        %dma_wait3A_454 = tpu.memref_slice %arg4[%add3A_438, %dma_wait3A_453] : memref<6400x128xi32, #tpu.memory_space<hbm>> -> memref<4x128xi32, #tpu.memory_space<hbm>>
        tpu.wait_dma2 semaphore(%arg12 : memref<!tpu.dma_semaphore, #tpu.memory_space<semaphore_mem>>) src(%dma_wait3A_454 : memref<4x128xi32, #tpu.memory_space<hbm>>) dst(%dma_wait3A_452 : memref<4x128xi32, #tpu.memory_space<vmem>>)
        %dma_wait3A_455 = arith.constant 0 : i32
        %dma_wait3A_456 = arith.constant 0 : i32
        %dma_wait3A_457 = tpu.memref_slice %arg8[%dma_wait3A_455, %dma_wait3A_456] : memref<2x512xf32, #tpu.memory_space<vmem>> -> memref<1x512xf32, #tpu.memory_space<vmem>>
        %dma_wait3A_458 = tpu.memref_squeeze %dma_wait3A_457 : memref<1x512xf32, #tpu.memory_space<vmem>> -> memref<512xf32, #tpu.memory_space<vmem>>
        %dma_wait3A_459 = tpu.memref_slice %arg5[%add3A_441] : memref<819200xf32, #tpu.memory_space<hbm>> -> memref<512xf32, #tpu.memory_space<hbm>>
        %dma_wait3A_460 = arith.constant 0 : i32
        %dma_wait3A_461 = tpu.memref_slice %arg8[%dma_wait3A_455, %dma_wait3A_460] : memref<2x512xf32, #tpu.memory_space<vmem>> -> memref<1x512xf32, #tpu.memory_space<vmem>>
        %dma_wait3A_462 = tpu.memref_squeeze %dma_wait3A_461 : memref<1x512xf32, #tpu.memory_space<vmem>> -> memref<512xf32, #tpu.memory_space<vmem>>
        %dma_wait3A_463 = tpu.memref_slice %arg5[%add3A_441] : memref<819200xf32, #tpu.memory_space<hbm>> -> memref<512xf32, #tpu.memory_space<hbm>>
        tpu.wait_dma2 semaphore(%arg14 : memref<!tpu.dma_semaphore, #tpu.memory_space<semaphore_mem>>) src(%dma_wait3A_463 : memref<512xf32, #tpu.memory_space<hbm>>) dst(%dma_wait3A_462 : memref<512xf32, #tpu.memory_space<vmem>>)
        %mul3A_464 = arith.constant 512 : i32
        %mul3A_465 = arith.muli %mul3A_183, %mul3A_464 : i32
        %add3A_466 = arith.addi %mul3A_2, %mul3A_465 : i32
        %dma_wait3A_467 = arith.constant 0 : i32
        %dma_wait3A_468 = arith.constant 0 : i32
        %dma_wait3A_469 = arith.constant 0 : i32
        %dma_wait3A_470 = tpu.memref_slice %arg9[%dma_wait3A_467, %dma_wait3A_468, %dma_wait3A_469] : memref<2x512x64xf32, #tpu.memory_space<vmem>> -> memref<1x512x64xf32, #tpu.memory_space<vmem>>
        %dma_wait3A_471 = tpu.memref_squeeze %dma_wait3A_470 : memref<1x512x64xf32, #tpu.memory_space<vmem>> -> memref<512x64xf32, #tpu.memory_space<vmem>>
        %dma_wait3A_472 = arith.constant 0 : i32
        %dma_wait3A_473 = tpu.memref_slice %arg6[%add3A_466, %dma_wait3A_472] : memref<819200x128xf32, #tpu.memory_space<hbm>> -> memref<512x64xf32, #tpu.memory_space<hbm>>
        %dma_wait3A_474 = arith.constant 0 : i32
        %dma_wait3A_475 = tpu.memref_slice %arg6[%add3A_466, %dma_wait3A_474] : memref<819200x128xf32, #tpu.memory_space<hbm>> -> memref<512x64xf32, #tpu.memory_space<hbm>>
        %dma_wait3A_476 = arith.constant 0 : i32
        %dma_wait3A_477 = arith.constant 0 : i32
        %dma_wait3A_478 = tpu.memref_slice %arg9[%dma_wait3A_467, %dma_wait3A_476, %dma_wait3A_477] : memref<2x512x64xf32, #tpu.memory_space<vmem>> -> memref<1x512x64xf32, #tpu.memory_space<vmem>>
        %dma_wait3A_479 = tpu.memref_squeeze %dma_wait3A_478 : memref<1x512x64xf32, #tpu.memory_space<vmem>> -> memref<512x64xf32, #tpu.memory_space<vmem>>
        tpu.wait_dma2 semaphore(%arg18 : memref<!tpu.dma_semaphore, #tpu.memory_space<semaphore_mem>>) src(%dma_wait3A_479 : memref<512x64xf32, #tpu.memory_space<vmem>>) dst(%dma_wait3A_475 : memref<512x64xf32, #tpu.memory_space<hbm>>)
        %dma_start3A_480 = arith.constant 0 : i32
        %dma_start3A_481 = arith.constant 0 : i32
        %dma_start3A_482 = arith.constant 0 : i32
        %dma_start3A_483 = arith.constant 0 : i32
        %dma_start3A_484 = arith.constant 0 : i32
        %dma_start3A_485 = tpu.memref_slice %arg9[%dma_start3A_482, %dma_start3A_483, %dma_start3A_484] : memref<2x512x64xf32, #tpu.memory_space<vmem>> -> memref<1x128x64xf32, #tpu.memory_space<vmem>>
        %dma_start3A_486 = tpu.memref_squeeze %dma_start3A_485 : memref<1x128x64xf32, #tpu.memory_space<vmem>> -> memref<128x64xf32, #tpu.memory_space<vmem>>
        %dma_start3A_487 = arith.constant 0 : i32
        %dma_start3A_488 = tpu.memref_slice %arg7[%dma_start3A_480, %dma_start3A_481, %dma_start3A_487] : memref<2x4x128xi32, #tpu.memory_space<vmem>> -> memref<1x1x128xi32, #tpu.memory_space<vmem>>
        %dma_start3A_489 = tpu.memref_squeeze %dma_start3A_488 : memref<1x1x128xi32, #tpu.memory_space<vmem>> -> memref<128xi32, #tpu.memory_space<vmem>>
        %dma_start3A_490 = arith.constant 0 : i32
        %dma_start3A_491 = arith.constant 0 : i32
        %dma_start3A_492 = tpu.memref_slice %arg10[%dma_start3A_490, %dma_start3A_491] : memref<201x64xf32, #tpu.memory_space<vmem_shared>> -> memref<201x64xf32, #tpu.memory_space<vmem_shared>>
        tpu.enqueue_indirect_dma source(%dma_start3A_492 : memref<201x64xf32, #tpu.memory_space<vmem_shared>>) target(%dma_start3A_486 : memref<128x64xf32, #tpu.memory_space<vmem>>) offsets(%dma_start3A_489 : memref<128xi32, #tpu.memory_space<vmem>>) semaphore(%arg16 : memref<!tpu.dma_semaphore, #tpu.memory_space<semaphore_mem>>)
        %dma_start3A_493 = arith.constant 0 : i32
        %dma_start3A_494 = arith.constant 1 : i32
        %dma_start3A_495 = arith.constant 0 : i32
        %dma_start3A_496 = arith.constant 128 : i32
        %dma_start3A_497 = arith.constant 0 : i32
        %dma_start3A_498 = tpu.memref_slice %arg9[%dma_start3A_495, %dma_start3A_496, %dma_start3A_497] : memref<2x512x64xf32, #tpu.memory_space<vmem>> -> memref<1x128x64xf32, #tpu.memory_space<vmem>>
        %dma_start3A_499 = tpu.memref_squeeze %dma_start3A_498 : memref<1x128x64xf32, #tpu.memory_space<vmem>> -> memref<128x64xf32, #tpu.memory_space<vmem>>
        %dma_start3A_500 = arith.constant 0 : i32
        %dma_start3A_501 = tpu.memref_slice %arg7[%dma_start3A_493, %dma_start3A_494, %dma_start3A_500] : memref<2x4x128xi32, #tpu.memory_space<vmem>> -> memref<1x1x128xi32, #tpu.memory_space<vmem>>
        %dma_start3A_502 = tpu.memref_squeeze %dma_start3A_501 : memref<1x1x128xi32, #tpu.memory_space<vmem>> -> memref<128xi32, #tpu.memory_space<vmem>>
        %dma_start3A_503 = arith.constant 0 : i32
        %dma_start3A_504 = arith.constant 0 : i32
        %dma_start3A_505 = tpu.memref_slice %arg10[%dma_start3A_503, %dma_start3A_504] : memref<201x64xf32, #tpu.memory_space<vmem_shared>> -> memref<201x64xf32, #tpu.memory_space<vmem_shared>>
        tpu.enqueue_indirect_dma source(%dma_start3A_505 : memref<201x64xf32, #tpu.memory_space<vmem_shared>>) target(%dma_start3A_499 : memref<128x64xf32, #tpu.memory_space<vmem>>) offsets(%dma_start3A_502 : memref<128xi32, #tpu.memory_space<vmem>>) semaphore(%arg16 : memref<!tpu.dma_semaphore, #tpu.memory_space<semaphore_mem>>)
        %dma_start3A_506 = arith.constant 0 : i32
        %dma_start3A_507 = arith.constant 2 : i32
        %dma_start3A_508 = arith.constant 0 : i32
        %dma_start3A_509 = arith.constant 256 : i32
        %dma_start3A_510 = arith.constant 0 : i32
        %dma_start3A_511 = tpu.memref_slice %arg9[%dma_start3A_508, %dma_start3A_509, %dma_start3A_510] : memref<2x512x64xf32, #tpu.memory_space<vmem>> -> memref<1x128x64xf32, #tpu.memory_space<vmem>>
        %dma_start3A_512 = tpu.memref_squeeze %dma_start3A_511 : memref<1x128x64xf32, #tpu.memory_space<vmem>> -> memref<128x64xf32, #tpu.memory_space<vmem>>
        %dma_start3A_513 = arith.constant 0 : i32
        %dma_start3A_514 = tpu.memref_slice %arg7[%dma_start3A_506, %dma_start3A_507, %dma_start3A_513] : memref<2x4x128xi32, #tpu.memory_space<vmem>> -> memref<1x1x128xi32, #tpu.memory_space<vmem>>
        %dma_start3A_515 = tpu.memref_squeeze %dma_start3A_514 : memref<1x1x128xi32, #tpu.memory_space<vmem>> -> memref<128xi32, #tpu.memory_space<vmem>>
        %dma_start3A_516 = arith.constant 0 : i32
        %dma_start3A_517 = arith.constant 0 : i32
        %dma_start3A_518 = tpu.memref_slice %arg10[%dma_start3A_516, %dma_start3A_517] : memref<201x64xf32, #tpu.memory_space<vmem_shared>> -> memref<201x64xf32, #tpu.memory_space<vmem_shared>>
        tpu.enqueue_indirect_dma source(%dma_start3A_518 : memref<201x64xf32, #tpu.memory_space<vmem_shared>>) target(%dma_start3A_512 : memref<128x64xf32, #tpu.memory_space<vmem>>) offsets(%dma_start3A_515 : memref<128xi32, #tpu.memory_space<vmem>>) semaphore(%arg16 : memref<!tpu.dma_semaphore, #tpu.memory_space<semaphore_mem>>)
        %dma_start3A_519 = arith.constant 0 : i32
        %dma_start3A_520 = arith.constant 3 : i32
        %dma_start3A_521 = arith.constant 0 : i32
        %dma_start3A_522 = arith.constant 384 : i32
        %dma_start3A_523 = arith.constant 0 : i32
        %dma_start3A_524 = tpu.memref_slice %arg9[%dma_start3A_521, %dma_start3A_522, %dma_start3A_523] : memref<2x512x64xf32, #tpu.memory_space<vmem>> -> memref<1x128x64xf32, #tpu.memory_space<vmem>>
        %dma_start3A_525 = tpu.memref_squeeze %dma_start3A_524 : memref<1x128x64xf32, #tpu.memory_space<vmem>> -> memref<128x64xf32, #tpu.memory_space<vmem>>
        %dma_start3A_526 = arith.constant 0 : i32
        %dma_start3A_527 = tpu.memref_slice %arg7[%dma_start3A_519, %dma_start3A_520, %dma_start3A_526] : memref<2x4x128xi32, #tpu.memory_space<vmem>> -> memref<1x1x128xi32, #tpu.memory_space<vmem>>
        %dma_start3A_528 = tpu.memref_squeeze %dma_start3A_527 : memref<1x1x128xi32, #tpu.memory_space<vmem>> -> memref<128xi32, #tpu.memory_space<vmem>>
        %dma_start3A_529 = arith.constant 0 : i32
        %dma_start3A_530 = arith.constant 0 : i32
        %dma_start3A_531 = tpu.memref_slice %arg10[%dma_start3A_529, %dma_start3A_530] : memref<201x64xf32, #tpu.memory_space<vmem_shared>> -> memref<201x64xf32, #tpu.memory_space<vmem_shared>>
        tpu.enqueue_indirect_dma source(%dma_start3A_531 : memref<201x64xf32, #tpu.memory_space<vmem_shared>>) target(%dma_start3A_525 : memref<128x64xf32, #tpu.memory_space<vmem>>) offsets(%dma_start3A_528 : memref<128xi32, #tpu.memory_space<vmem>>) semaphore(%arg16 : memref<!tpu.dma_semaphore, #tpu.memory_space<semaphore_mem>>)
      } else {
      }
      %scan3A_409 = arith.constant 0 : i32
      %scan3A_410 = arith.constant 0 : i32
      %scan3A_411 = arith.constant 32 : i32
      %scan3A_412 = arith.addi %scan3A_410, %scan3A_411 : i32
      %scan3A_413 = arith.constant 1 : i32
      scf.for %scan3A_436 = %scan3A_410 to %scan3A_412 step %scan3A_413  : i32 {
        %mul3A_437 = arith.constant 16 : i32
        %mul3A_438 = arith.muli %scan3A_436, %mul3A_437 : i32
        %get3A_439 = arith.constant 1 : i32
        %get3A_440 = arith.index_cast %get3A_439 : i32 to index
        %get3A_441 = arith.index_cast %mul3A_438 : i32 to index
        %get3A_442 = tpu.vector_load %arg8[%get3A_440, %get3A_441] {strides = array<i32>} : memref<2x512xf32, #tpu.memory_space<vmem>>, vector<1x16xf32>,
        %get3A_443 = vector.shape_cast %get3A_442 : vector<1x16xf32> to vector<16xf32>
        %mul3A_444 = arith.constant 16 : i32
        %mul3A_445 = arith.muli %scan3A_436, %mul3A_444 : i32
        %add3A_446 = arith.constant 0 : i32
        %add3A_447 = arith.addi %mul3A_445, %add3A_446 : i32
        %slice3A = vector.extract_strided_slice %get3A_443 {offsets = [0], sizes = [1], strides = [1]} : vector<16xf32> to vector<1xf32>
        %squeeze3A = vector.extract %slice3A[0] : f32 from vector<1xf32>
        %mul3A_448 = vector.broadcast %squeeze3A : f32 to vector<16xf32>
        %mul3A_449 = arith.mulf %mul3A_448, %get3A_8 : vector<16xf32>
        %swap3A = arith.constant 1 : i32
        %swap3A_450 = arith.index_cast %swap3A : i32 to index
        %swap3A_451 = arith.index_cast %add3A_447 : i32 to index
        %swap3A_452 = arith.constant 0 : index
        %swap3A_453 = tpu.vector_load %arg9[%swap3A_450, %swap3A_451, %swap3A_452] {strides = array<i32>} : memref<2x512x64xf32, #tpu.memory_space<vmem>>, vector<1x1x16xf32>,
        %swap3A_454 = vector.shape_cast %swap3A_453 : vector<1x1x16xf32> to vector<16xf32>
        %swap3A_455 = vector.shape_cast %mul3A_449 : vector<16xf32> to vector<1x1x16xf32>
        tpu.vector_store %arg9[%swap3A_450, %swap3A_451, %swap3A_452], %swap3A_455 {add = true, strides = array<i32>} : memref<2x512x64xf32, #tpu.memory_space<vmem>>, vector<1x1x16xf32>,
        %mul3A_456 = vector.broadcast %squeeze3A : f32 to vector<16xf32>
        %mul3A_457 = arith.mulf %mul3A_456, %get3A_11 : vector<16xf32>
        %swap3A_458 = arith.constant 1 : i32
        %swap3A_459 = arith.index_cast %swap3A_458 : i32 to index
        %swap3A_460 = arith.index_cast %add3A_447 : i32 to index
        %swap3A_461 = arith.constant 16 : index
        %swap3A_462 = tpu.vector_load %arg9[%swap3A_459, %swap3A_460, %swap3A_461] {strides = array<i32>} : memref<2x512x64xf32, #tpu.memory_space<vmem>>, vector<1x1x16xf32>,
        %swap3A_463 = vector.shape_cast %swap3A_462 : vector<1x1x16xf32> to vector<16xf32>
        %swap3A_464 = vector.shape_cast %mul3A_457 : vector<16xf32> to vector<1x1x16xf32>
        tpu.vector_store %arg9[%swap3A_459, %swap3A_460, %swap3A_461], %swap3A_464 {add = true, strides = array<i32>} : memref<2x512x64xf32, #tpu.memory_space<vmem>>, vector<1x1x16xf32>,
        %mul3A_465 = vector.broadcast %squeeze3A : f32 to vector<16xf32>
        %mul3A_466 = arith.mulf %mul3A_465, %get3A_14 : vector<16xf32>
        %swap3A_467 = arith.constant 1 : i32
        %swap3A_468 = arith.index_cast %swap3A_467 : i32 to index
        %swap3A_469 = arith.index_cast %add3A_447 : i32 to index
        %swap3A_470 = arith.constant 32 : index
        %swap3A_471 = tpu.vector_load %arg9[%swap3A_468, %swap3A_469, %swap3A_470] {strides = array<i32>} : memref<2x512x64xf32, #tpu.memory_space<vmem>>, vector<1x1x16xf32>,
        %swap3A_472 = vector.shape_cast %swap3A_471 : vector<1x1x16xf32> to vector<16xf32>
        %swap3A_473 = vector.shape_cast %mul3A_466 : vector<16xf32> to vector<1x1x16xf32>
        tpu.vector_store %arg9[%swap3A_468, %swap3A_469, %swap3A_470], %swap3A_473 {add = true, strides = array<i32>} : memref<2x512x64xf32, #tpu.memory_space<vmem>>, vector<1x1x16xf32>,
        %mul3A_474 = vector.broadcast %squeeze3A : f32 to vector<16xf32>
        %mul3A_475 = arith.mulf %mul3A_474, %get3A_17 : vector<16xf32>
        %swap3A_476 = arith.constant 1 : i32
        %swap3A_477 = arith.index_cast %swap3A_476 : i32 to index
        %swap3A_478 = arith.index_cast %add3A_447 : i32 to index
        %swap3A_479 = arith.constant 48 : index
        %swap3A_480 = tpu.vector_load %arg9[%swap3A_477, %swap3A_478, %swap3A_479] {strides = array<i32>} : memref<2x512x64xf32, #tpu.memory_space<vmem>>, vector<1x1x16xf32>,
        %swap3A_481 = vector.shape_cast %swap3A_480 : vector<1x1x16xf32> to vector<16xf32>
        %swap3A_482 = vector.shape_cast %mul3A_475 : vector<16xf32> to vector<1x1x16xf32>
        tpu.vector_store %arg9[%swap3A_477, %swap3A_478, %swap3A_479], %swap3A_482 {add = true, strides = array<i32>} : memref<2x512x64xf32, #tpu.memory_space<vmem>>, vector<1x1x16xf32>,
        %mul3A_483 = arith.constant 16 : i32
        %mul3A_484 = arith.muli %scan3A_436, %mul3A_483 : i32
        %add3A_485 = arith.constant 1 : i32
        %add3A_486 = arith.addi %mul3A_484, %add3A_485 : i32
        %slice3A_487 = vector.extract_strided_slice %get3A_443 {offsets = [1], sizes = [1], strides = [1]} : vector<16xf32> to vector<1xf32>
        %squeeze3A_488 = vector.extract %slice3A_487[0] : f32 from vector<1xf32>
        %mul3A_489 = vector.broadcast %squeeze3A_488 : f32 to vector<16xf32>
        %mul3A_490 = arith.mulf %mul3A_489, %get3A_8 : vector<16xf32>
        %swap3A_491 = arith.constant 1 : i32
        %swap3A_492 = arith.index_cast %swap3A_491 : i32 to index
        %swap3A_493 = arith.index_cast %add3A_486 : i32 to index
        %swap3A_494 = arith.constant 0 : index
        %swap3A_495 = tpu.vector_load %arg9[%swap3A_492, %swap3A_493, %swap3A_494] {strides = array<i32>} : memref<2x512x64xf32, #tpu.memory_space<vmem>>, vector<1x1x16xf32>,
        %swap3A_496 = vector.shape_cast %swap3A_495 : vector<1x1x16xf32> to vector<16xf32>
        %swap3A_497 = vector.shape_cast %mul3A_490 : vector<16xf32> to vector<1x1x16xf32>
        tpu.vector_store %arg9[%swap3A_492, %swap3A_493, %swap3A_494], %swap3A_497 {add = true, strides = array<i32>} : memref<2x512x64xf32, #tpu.memory_space<vmem>>, vector<1x1x16xf32>,
        %mul3A_498 = vector.broadcast %squeeze3A_488 : f32 to vector<16xf32>
        %mul3A_499 = arith.mulf %mul3A_498, %get3A_11 : vector<16xf32>
        %swap3A_500 = arith.constant 1 : i32
        %swap3A_501 = arith.index_cast %swap3A_500 : i32 to index
        %swap3A_502 = arith.index_cast %add3A_486 : i32 to index
        %swap3A_503 = arith.constant 16 : index
        %swap3A_504 = tpu.vector_load %arg9[%swap3A_501, %swap3A_502, %swap3A_503] {strides = array<i32>} : memref<2x512x64xf32, #tpu.memory_space<vmem>>, vector<1x1x16xf32>,
        %swap3A_505 = vector.shape_cast %swap3A_504 : vector<1x1x16xf32> to vector<16xf32>
        %swap3A_506 = vector.shape_cast %mul3A_499 : vector<16xf32> to vector<1x1x16xf32>
        tpu.vector_store %arg9[%swap3A_501, %swap3A_502, %swap3A_503], %swap3A_506 {add = true, strides = array<i32>} : memref<2x512x64xf32, #tpu.memory_space<vmem>>, vector<1x1x16xf32>,
        %mul3A_507 = vector.broadcast %squeeze3A_488 : f32 to vector<16xf32>
        %mul3A_508 = arith.mulf %mul3A_507, %get3A_14 : vector<16xf32>
        %swap3A_509 = arith.constant 1 : i32
        %swap3A_510 = arith.index_cast %swap3A_509 : i32 to index
        %swap3A_511 = arith.index_cast %add3A_486 : i32 to index
        %swap3A_512 = arith.constant 32 : index
        %swap3A_513 = tpu.vector_load %arg9[%swap3A_510, %swap3A_511, %swap3A_512] {strides = array<i32>} : memref<2x512x64xf32, #tpu.memory_space<vmem>>, vector<1x1x16xf32>,
        %swap3A_514 = vector.shape_cast %swap3A_513 : vector<1x1x16xf32> to vector<16xf32>
        %swap3A_515 = vector.shape_cast %mul3A_508 : vector<16xf32> to vector<1x1x16xf32>
        tpu.vector_store %arg9[%swap3A_510, %swap3A_511, %swap3A_512], %swap3A_515 {add = true, strides = array<i32>} : memref<2x512x64xf32, #tpu.memory_space<vmem>>, vector<1x1x16xf32>,
        %mul3A_516 = vector.broadcast %squeeze3A_488 : f32 to vector<16xf32>
        %mul3A_517 = arith.mulf %mul3A_516, %get3A_17 : vector<16xf32>
        %swap3A_518 = arith.constant 1 : i32
        %swap3A_519 = arith.index_cast %swap3A_518 : i32 to index
        %swap3A_520 = arith.index_cast %add3A_486 : i32 to index
        %swap3A_521 = arith.constant 48 : index
        %swap3A_522 = tpu.vector_load %arg9[%swap3A_519, %swap3A_520, %swap3A_521] {strides = array<i32>} : memref<2x512x64xf32, #tpu.memory_space<vmem>>, vector<1x1x16xf32>,
        %swap3A_523 = vector.shape_cast %swap3A_522 : vector<1x1x16xf32> to vector<16xf32>
        %swap3A_524 = vector.shape_cast %mul3A_517 : vector<16xf32> to vector<1x1x16xf32>
        tpu.vector_store %arg9[%swap3A_519, %swap3A_520, %swap3A_521], %swap3A_524 {add = true, strides = array<i32>} : memref<2x512x64xf32, #tpu.memory_space<vmem>>, vector<1x1x16xf32>,
        %mul3A_525 = arith.constant 16 : i32
        %mul3A_526 = arith.muli %scan3A_436, %mul3A_525 : i32
        %add3A_527 = arith.constant 2 : i32
        %add3A_528 = arith.addi %mul3A_526, %add3A_527 : i32
        %slice3A_529 = vector.extract_strided_slice %get3A_443 {offsets = [2], sizes = [1], strides = [1]} : vector<16xf32> to vector<1xf32>
        %squeeze3A_530 = vector.extract %slice3A_529[0] : f32 from vector<1xf32>
        %mul3A_531 = vector.broadcast %squeeze3A_530 : f32 to vector<16xf32>
        %mul3A_532 = arith.mulf %mul3A_531, %get3A_8 : vector<16xf32>
        %swap3A_533 = arith.constant 1 : i32
        %swap3A_534 = arith.index_cast %swap3A_533 : i32 to index
        %swap3A_535 = arith.index_cast %add3A_528 : i32 to index
        %swap3A_536 = arith.constant 0 : index
        %swap3A_537 = tpu.vector_load %arg9[%swap3A_534, %swap3A_535, %swap3A_536] {strides = array<i32>} : memref<2x512x64xf32, #tpu.memory_space<vmem>>, vector<1x1x16xf32>,
        %swap3A_538 = vector.shape_cast %swap3A_537 : vector<1x1x16xf32> to vector<16xf32>
        %swap3A_539 = vector.shape_cast %mul3A_532 : vector<16xf32> to vector<1x1x16xf32>
        tpu.vector_store %arg9[%swap3A_534, %swap3A_535, %swap3A_536], %swap3A_539 {add = true, strides = array<i32>} : memref<2x512x64xf32, #tpu.memory_space<vmem>>, vector<1x1x16xf32>,
        %mul3A_540 = vector.broadcast %squeeze3A_530 : f32 to vector<16xf32>
        %mul3A_541 = arith.mulf %mul3A_540, %get3A_11 : vector<16xf32>
        %swap3A_542 = arith.constant 1 : i32
        %swap3A_543 = arith.index_cast %swap3A_542 : i32 to index
        %swap3A_544 = arith.index_cast %add3A_528 : i32 to index
        %swap3A_545 = arith.constant 16 : index
        %swap3A_546 = tpu.vector_load %arg9[%swap3A_543, %swap3A_544, %swap3A_545] {strides = array<i32>} : memref<2x512x64xf32, #tpu.memory_space<vmem>>, vector<1x1x16xf32>,
        %swap3A_547 = vector.shape_cast %swap3A_546 : vector<1x1x16xf32> to vector<16xf32>
        %swap3A_548 = vector.shape_cast %mul3A_541 : vector<16xf32> to vector<1x1x16xf32>
        tpu.vector_store %arg9[%swap3A_543, %swap3A_544, %swap3A_545], %swap3A_548 {add = true, strides = array<i32>} : memref<2x512x64xf32, #tpu.memory_space<vmem>>, vector<1x1x16xf32>,
        %mul3A_549 = vector.broadcast %squeeze3A_530 : f32 to vector<16xf32>
        %mul3A_550 = arith.mulf %mul3A_549, %get3A_14 : vector<16xf32>
        %swap3A_551 = arith.constant 1 : i32
        %swap3A_552 = arith.index_cast %swap3A_551 : i32 to index
        %swap3A_553 = arith.index_cast %add3A_528 : i32 to index
        %swap3A_554 = arith.constant 32 : index
        %swap3A_555 = tpu.vector_load %arg9[%swap3A_552, %swap3A_553, %swap3A_554] {strides = array<i32>} : memref<2x512x64xf32, #tpu.memory_space<vmem>>, vector<1x1x16xf32>,
        %swap3A_556 = vector.shape_cast %swap3A_555 : vector<1x1x16xf32> to vector<16xf32>
        %swap3A_557 = vector.shape_cast %mul3A_550 : vector<16xf32> to vector<1x1x16xf32>
        tpu.vector_store %arg9[%swap3A_552, %swap3A_553, %swap3A_554], %swap3A_557 {add = true, strides = array<i32>} : memref<2x512x64xf32, #tpu.memory_space<vmem>>, vector<1x1x16xf32>,
        %mul3A_558 = vector.broadcast %squeeze3A_530 : f32 to vector<16xf32>
        %mul3A_559 = arith.mulf %mul3A_558, %get3A_17 : vector<16xf32>
        %swap3A_560 = arith.constant 1 : i32
        %swap3A_561 = arith.index_cast %swap3A_560 : i32 to index
        %swap3A_562 = arith.index_cast %add3A_528 : i32 to index
        %swap3A_563 = arith.constant 48 : index
        %swap3A_564 = tpu.vector_load %arg9[%swap3A_561, %swap3A_562, %swap3A_563] {strides = array<i32>} : memref<2x512x64xf32, #tpu.memory_space<vmem>>, vector<1x1x16xf32>,
        %swap3A_565 = vector.shape_cast %swap3A_564 : vector<1x1x16xf32> to vector<16xf32>
        %swap3A_566 = vector.shape_cast %mul3A_559 : vector<16xf32> to vector<1x1x16xf32>
        tpu.vector_store %arg9[%swap3A_561, %swap3A_562, %swap3A_563], %swap3A_566 {add = true, strides = array<i32>} : memref<2x512x64xf32, #tpu.memory_space<vmem>>, vector<1x1x16xf32>,
        %mul3A_567 = arith.constant 16 : i32
        %mul3A_568 = arith.muli %scan3A_436, %mul3A_567 : i32
        %add3A_569 = arith.constant 3 : i32
        %add3A_570 = arith.addi %mul3A_568, %add3A_569 : i32
        %slice3A_571 = vector.extract_strided_slice %get3A_443 {offsets = [3], sizes = [1], strides = [1]} : vector<16xf32> to vector<1xf32>
        %squeeze3A_572 = vector.extract %slice3A_571[0] : f32 from vector<1xf32>
        %mul3A_573 = vector.broadcast %squeeze3A_572 : f32 to vector<16xf32>
        %mul3A_574 = arith.mulf %mul3A_573, %get3A_8 : vector<16xf32>
        %swap3A_575 = arith.constant 1 : i32
        %swap3A_576 = arith.index_cast %swap3A_575 : i32 to index
        %swap3A_577 = arith.index_cast %add3A_570 : i32 to index
        %swap3A_578 = arith.constant 0 : index
        %swap3A_579 = tpu.vector_load %arg9[%swap3A_576, %swap3A_577, %swap3A_578] {strides = array<i32>} : memref<2x512x64xf32, #tpu.memory_space<vmem>>, vector<1x1x16xf32>,
        %swap3A_580 = vector.shape_cast %swap3A_579 : vector<1x1x16xf32> to vector<16xf32>
        %swap3A_581 = vector.shape_cast %mul3A_574 : vector<16xf32> to vector<1x1x16xf32>
        tpu.vector_store %arg9[%swap3A_576, %swap3A_577, %swap3A_578], %swap3A_581 {add = true, strides = array<i32>} : memref<2x512x64xf32, #tpu.memory_space<vmem>>, vector<1x1x16xf32>,
        %mul3A_582 = vector.broadcast %squeeze3A_572 : f32 to vector<16xf32>
        %mul3A_583 = arith.mulf %mul3A_582, %get3A_11 : vector<16xf32>
        %swap3A_584 = arith.constant 1 : i32
        %swap3A_585 = arith.index_cast %swap3A_584 : i32 to index
        %swap3A_586 = arith.index_cast %add3A_570 : i32 to index
        %swap3A_587 = arith.constant 16 : index
        %swap3A_588 = tpu.vector_load %arg9[%swap3A_585, %swap3A_586, %swap3A_587] {strides = array<i32>} : memref<2x512x64xf32, #tpu.memory_space<vmem>>, vector<1x1x16xf32>,
        %swap3A_589 = vector.shape_cast %swap3A_588 : vector<1x1x16xf32> to vector<16xf32>
        %swap3A_590 = vector.shape_cast %mul3A_583 : vector<16xf32> to vector<1x1x16xf32>
        tpu.vector_store %arg9[%swap3A_585, %swap3A_586, %swap3A_587], %swap3A_590 {add = true, strides = array<i32>} : memref<2x512x64xf32, #tpu.memory_space<vmem>>, vector<1x1x16xf32>,
        %mul3A_591 = vector.broadcast %squeeze3A_572 : f32 to vector<16xf32>
        %mul3A_592 = arith.mulf %mul3A_591, %get3A_14 : vector<16xf32>
        %swap3A_593 = arith.constant 1 : i32
        %swap3A_594 = arith.index_cast %swap3A_593 : i32 to index
        %swap3A_595 = arith.index_cast %add3A_570 : i32 to index
        %swap3A_596 = arith.constant 32 : index
        %swap3A_597 = tpu.vector_load %arg9[%swap3A_594, %swap3A_595, %swap3A_596] {strides = array<i32>} : memref<2x512x64xf32, #tpu.memory_space<vmem>>, vector<1x1x16xf32>,
        %swap3A_598 = vector.shape_cast %swap3A_597 : vector<1x1x16xf32> to vector<16xf32>
        %swap3A_599 = vector.shape_cast %mul3A_592 : vector<16xf32> to vector<1x1x16xf32>
        tpu.vector_store %arg9[%swap3A_594, %swap3A_595, %swap3A_596], %swap3A_599 {add = true, strides = array<i32>} : memref<2x512x64xf32, #tpu.memory_space<vmem>>, vector<1x1x16xf32>,
        %mul3A_600 = vector.broadcast %squeeze3A_572 : f32 to vector<16xf32>
        %mul3A_601 = arith.mulf %mul3A_600, %get3A_17 : vector<16xf32>
        %swap3A_602 = arith.constant 1 : i32
        %swap3A_603 = arith.index_cast %swap3A_602 : i32 to index
        %swap3A_604 = arith.index_cast %add3A_570 : i32 to index
        %swap3A_605 = arith.constant 48 : index
        %swap3A_606 = tpu.vector_load %arg9[%swap3A_603, %swap3A_604, %swap3A_605] {strides = array<i32>} : memref<2x512x64xf32, #tpu.memory_space<vmem>>, vector<1x1x16xf32>,
        %swap3A_607 = vector.shape_cast %swap3A_606 : vector<1x1x16xf32> to vector<16xf32>
        %swap3A_608 = vector.shape_cast %mul3A_601 : vector<16xf32> to vector<1x1x16xf32>
        tpu.vector_store %arg9[%swap3A_603, %swap3A_604, %swap3A_605], %swap3A_608 {add = true, strides = array<i32>} : memref<2x512x64xf32, #tpu.memory_space<vmem>>, vector<1x1x16xf32>,
        %mul3A_609 = arith.constant 16 : i32
        %mul3A_610 = arith.muli %scan3A_436, %mul3A_609 : i32
        %add3A_611 = arith.constant 4 : i32
        %add3A_612 = arith.addi %mul3A_610, %add3A_611 : i32
        %slice3A_613 = vector.extract_strided_slice %get3A_443 {offsets = [4], sizes = [1], strides = [1]} : vector<16xf32> to vector<1xf32>
        %squeeze3A_614 = vector.extract %slice3A_613[0] : f32 from vector<1xf32>
        %mul3A_615 = vector.broadcast %squeeze3A_614 : f32 to vector<16xf32>
        %mul3A_616 = arith.mulf %mul3A_615, %get3A_8 : vector<16xf32>
        %swap3A_617 = arith.constant 1 : i32
        %swap3A_618 = arith.index_cast %swap3A_617 : i32 to index
        %swap3A_619 = arith.index_cast %add3A_612 : i32 to index
        %swap3A_620 = arith.constant 0 : index
        %swap3A_621 = tpu.vector_load %arg9[%swap3A_618, %swap3A_619, %swap3A_620] {strides = array<i32>} : memref<2x512x64xf32, #tpu.memory_space<vmem>>, vector<1x1x16xf32>,
        %swap3A_622 = vector.shape_cast %swap3A_621 : vector<1x1x16xf32> to vector<16xf32>
        %swap3A_623 = vector.shape_cast %mul3A_616 : vector<16xf32> to vector<1x1x16xf32>
        tpu.vector_store %arg9[%swap3A_618, %swap3A_619, %swap3A_620], %swap3A_623 {add = true, strides = array<i32>} : memref<2x512x64xf32, #tpu.memory_space<vmem>>, vector<1x1x16xf32>,
        %mul3A_624 = vector.broadcast %squeeze3A_614 : f32 to vector<16xf32>
        %mul3A_625 = arith.mulf %mul3A_624, %get3A_11 : vector<16xf32>
        %swap3A_626 = arith.constant 1 : i32
        %swap3A_627 = arith.index_cast %swap3A_626 : i32 to index
        %swap3A_628 = arith.index_cast %add3A_612 : i32 to index
        %swap3A_629 = arith.constant 16 : index
        %swap3A_630 = tpu.vector_load %arg9[%swap3A_627, %swap3A_628, %swap3A_629] {strides = array<i32>} : memref<2x512x64xf32, #tpu.memory_space<vmem>>, vector<1x1x16xf32>,
        %swap3A_631 = vector.shape_cast %swap3A_630 : vector<1x1x16xf32> to vector<16xf32>
        %swap3A_632 = vector.shape_cast %mul3A_625 : vector<16xf32> to vector<1x1x16xf32>
        tpu.vector_store %arg9[%swap3A_627, %swap3A_628, %swap3A_629], %swap3A_632 {add = true, strides = array<i32>} : memref<2x512x64xf32, #tpu.memory_space<vmem>>, vector<1x1x16xf32>,
        %mul3A_633 = vector.broadcast %squeeze3A_614 : f32 to vector<16xf32>
        %mul3A_634 = arith.mulf %mul3A_633, %get3A_14 : vector<16xf32>
        %swap3A_635 = arith.constant 1 : i32
        %swap3A_636 = arith.index_cast %swap3A_635 : i32 to index
        %swap3A_637 = arith.index_cast %add3A_612 : i32 to index
        %swap3A_638 = arith.constant 32 : index
        %swap3A_639 = tpu.vector_load %arg9[%swap3A_636, %swap3A_637, %swap3A_638] {strides = array<i32>} : memref<2x512x64xf32, #tpu.memory_space<vmem>>, vector<1x1x16xf32>,
        %swap3A_640 = vector.shape_cast %swap3A_639 : vector<1x1x16xf32> to vector<16xf32>
        %swap3A_641 = vector.shape_cast %mul3A_634 : vector<16xf32> to vector<1x1x16xf32>
        tpu.vector_store %arg9[%swap3A_636, %swap3A_637, %swap3A_638], %swap3A_641 {add = true, strides = array<i32>} : memref<2x512x64xf32, #tpu.memory_space<vmem>>, vector<1x1x16xf32>,
        %mul3A_642 = vector.broadcast %squeeze3A_614 : f32 to vector<16xf32>
        %mul3A_643 = arith.mulf %mul3A_642, %get3A_17 : vector<16xf32>
        %swap3A_644 = arith.constant 1 : i32
        %swap3A_645 = arith.index_cast %swap3A_644 : i32 to index
        %swap3A_646 = arith.index_cast %add3A_612 : i32 to index
        %swap3A_647 = arith.constant 48 : index
        %swap3A_648 = tpu.vector_load %arg9[%swap3A_645, %swap3A_646, %swap3A_647] {strides = array<i32>} : memref<2x512x64xf32, #tpu.memory_space<vmem>>, vector<1x1x16xf32>,
        %swap3A_649 = vector.shape_cast %swap3A_648 : vector<1x1x16xf32> to vector<16xf32>
        %swap3A_650 = vector.shape_cast %mul3A_643 : vector<16xf32> to vector<1x1x16xf32>
        tpu.vector_store %arg9[%swap3A_645, %swap3A_646, %swap3A_647], %swap3A_650 {add = true, strides = array<i32>} : memref<2x512x64xf32, #tpu.memory_space<vmem>>, vector<1x1x16xf32>,
        %mul3A_651 = arith.constant 16 : i32
        %mul3A_652 = arith.muli %scan3A_436, %mul3A_651 : i32
        %add3A_653 = arith.constant 5 : i32
        %add3A_654 = arith.addi %mul3A_652, %add3A_653 : i32
        %slice3A_655 = vector.extract_strided_slice %get3A_443 {offsets = [5], sizes = [1], strides = [1]} : vector<16xf32> to vector<1xf32>
        %squeeze3A_656 = vector.extract %slice3A_655[0] : f32 from vector<1xf32>
        %mul3A_657 = vector.broadcast %squeeze3A_656 : f32 to vector<16xf32>
        %mul3A_658 = arith.mulf %mul3A_657, %get3A_8 : vector<16xf32>
        %swap3A_659 = arith.constant 1 : i32
        %swap3A_660 = arith.index_cast %swap3A_659 : i32 to index
        %swap3A_661 = arith.index_cast %add3A_654 : i32 to index
        %swap3A_662 = arith.constant 0 : index
        %swap3A_663 = tpu.vector_load %arg9[%swap3A_660, %swap3A_661, %swap3A_662] {strides = array<i32>} : memref<2x512x64xf32, #tpu.memory_space<vmem>>, vector<1x1x16xf32>,
        %swap3A_664 = vector.shape_cast %swap3A_663 : vector<1x1x16xf32> to vector<16xf32>
        %swap3A_665 = vector.shape_cast %mul3A_658 : vector<16xf32> to vector<1x1x16xf32>
        tpu.vector_store %arg9[%swap3A_660, %swap3A_661, %swap3A_662], %swap3A_665 {add = true, strides = array<i32>} : memref<2x512x64xf32, #tpu.memory_space<vmem>>, vector<1x1x16xf32>,
        %mul3A_666 = vector.broadcast %squeeze3A_656 : f32 to vector<16xf32>
        %mul3A_667 = arith.mulf %mul3A_666, %get3A_11 : vector<16xf32>
        %swap3A_668 = arith.constant 1 : i32
        %swap3A_669 = arith.index_cast %swap3A_668 : i32 to index
        %swap3A_670 = arith.index_cast %add3A_654 : i32 to index
        %swap3A_671 = arith.constant 16 : index
        %swap3A_672 = tpu.vector_load %arg9[%swap3A_669, %swap3A_670, %swap3A_671] {strides = array<i32>} : memref<2x512x64xf32, #tpu.memory_space<vmem>>, vector<1x1x16xf32>,
        %swap3A_673 = vector.shape_cast %swap3A_672 : vector<1x1x16xf32> to vector<16xf32>
        %swap3A_674 = vector.shape_cast %mul3A_667 : vector<16xf32> to vector<1x1x16xf32>
        tpu.vector_store %arg9[%swap3A_669, %swap3A_670, %swap3A_671], %swap3A_674 {add = true, strides = array<i32>} : memref<2x512x64xf32, #tpu.memory_space<vmem>>, vector<1x1x16xf32>,
        %mul3A_675 = vector.broadcast %squeeze3A_656 : f32 to vector<16xf32>
        %mul3A_676 = arith.mulf %mul3A_675, %get3A_14 : vector<16xf32>
        %swap3A_677 = arith.constant 1 : i32
        %swap3A_678 = arith.index_cast %swap3A_677 : i32 to index
        %swap3A_679 = arith.index_cast %add3A_654 : i32 to index
        %swap3A_680 = arith.constant 32 : index
        %swap3A_681 = tpu.vector_load %arg9[%swap3A_678, %swap3A_679, %swap3A_680] {strides = array<i32>} : memref<2x512x64xf32, #tpu.memory_space<vmem>>, vector<1x1x16xf32>,
        %swap3A_682 = vector.shape_cast %swap3A_681 : vector<1x1x16xf32> to vector<16xf32>
        %swap3A_683 = vector.shape_cast %mul3A_676 : vector<16xf32> to vector<1x1x16xf32>
        tpu.vector_store %arg9[%swap3A_678, %swap3A_679, %swap3A_680], %swap3A_683 {add = true, strides = array<i32>} : memref<2x512x64xf32, #tpu.memory_space<vmem>>, vector<1x1x16xf32>,
        %mul3A_684 = vector.broadcast %squeeze3A_656 : f32 to vector<16xf32>
        %mul3A_685 = arith.mulf %mul3A_684, %get3A_17 : vector<16xf32>
        %swap3A_686 = arith.constant 1 : i32
        %swap3A_687 = arith.index_cast %swap3A_686 : i32 to index
        %swap3A_688 = arith.index_cast %add3A_654 : i32 to index
        %swap3A_689 = arith.constant 48 : index
        %swap3A_690 = tpu.vector_load %arg9[%swap3A_687, %swap3A_688, %swap3A_689] {strides = array<i32>} : memref<2x512x64xf32, #tpu.memory_space<vmem>>, vector<1x1x16xf32>,
        %swap3A_691 = vector.shape_cast %swap3A_690 : vector<1x1x16xf32> to vector<16xf32>
        %swap3A_692 = vector.shape_cast %mul3A_685 : vector<16xf32> to vector<1x1x16xf32>
        tpu.vector_store %arg9[%swap3A_687, %swap3A_688, %swap3A_689], %swap3A_692 {add = true, strides = array<i32>} : memref<2x512x64xf32, #tpu.memory_space<vmem>>, vector<1x1x16xf32>,
        %mul3A_693 = arith.constant 16 : i32
        %mul3A_694 = arith.muli %scan3A_436, %mul3A_693 : i32
        %add3A_695 = arith.constant 6 : i32
        %add3A_696 = arith.addi %mul3A_694, %add3A_695 : i32
        %slice3A_697 = vector.extract_strided_slice %get3A_443 {offsets = [6], sizes = [1], strides = [1]} : vector<16xf32> to vector<1xf32>
        %squeeze3A_698 = vector.extract %slice3A_697[0] : f32 from vector<1xf32>
        %mul3A_699 = vector.broadcast %squeeze3A_698 : f32 to vector<16xf32>
        %mul3A_700 = arith.mulf %mul3A_699, %get3A_8 : vector<16xf32>
        %swap3A_701 = arith.constant 1 : i32
        %swap3A_702 = arith.index_cast %swap3A_701 : i32 to index
        %swap3A_703 = arith.index_cast %add3A_696 : i32 to index
        %swap3A_704 = arith.constant 0 : index
        %swap3A_705 = tpu.vector_load %arg9[%swap3A_702, %swap3A_703, %swap3A_704] {strides = array<i32>} : memref<2x512x64xf32, #tpu.memory_space<vmem>>, vector<1x1x16xf32>,
        %swap3A_706 = vector.shape_cast %swap3A_705 : vector<1x1x16xf32> to vector<16xf32>
        %swap3A_707 = vector.shape_cast %mul3A_700 : vector<16xf32> to vector<1x1x16xf32>
        tpu.vector_store %arg9[%swap3A_702, %swap3A_703, %swap3A_704], %swap3A_707 {add = true, strides = array<i32>} : memref<2x512x64xf32, #tpu.memory_space<vmem>>, vector<1x1x16xf32>,
        %mul3A_708 = vector.broadcast %squeeze3A_698 : f32 to vector<16xf32>
        %mul3A_709 = arith.mulf %mul3A_708, %get3A_11 : vector<16xf32>
        %swap3A_710 = arith.constant 1 : i32
        %swap3A_711 = arith.index_cast %swap3A_710 : i32 to index
        %swap3A_712 = arith.index_cast %add3A_696 : i32 to index
        %swap3A_713 = arith.constant 16 : index
        %swap3A_714 = tpu.vector_load %arg9[%swap3A_711, %swap3A_712, %swap3A_713] {strides = array<i32>} : memref<2x512x64xf32, #tpu.memory_space<vmem>>, vector<1x1x16xf32>,
        %swap3A_715 = vector.shape_cast %swap3A_714 : vector<1x1x16xf32> to vector<16xf32>
        %swap3A_716 = vector.shape_cast %mul3A_709 : vector<16xf32> to vector<1x1x16xf32>
        tpu.vector_store %arg9[%swap3A_711, %swap3A_712, %swap3A_713], %swap3A_716 {add = true, strides = array<i32>} : memref<2x512x64xf32, #tpu.memory_space<vmem>>, vector<1x1x16xf32>,
        %mul3A_717 = vector.broadcast %squeeze3A_698 : f32 to vector<16xf32>
        %mul3A_718 = arith.mulf %mul3A_717, %get3A_14 : vector<16xf32>
        %swap3A_719 = arith.constant 1 : i32
        %swap3A_720 = arith.index_cast %swap3A_719 : i32 to index
        %swap3A_721 = arith.index_cast %add3A_696 : i32 to index
        %swap3A_722 = arith.constant 32 : index
        %swap3A_723 = tpu.vector_load %arg9[%swap3A_720, %swap3A_721, %swap3A_722] {strides = array<i32>} : memref<2x512x64xf32, #tpu.memory_space<vmem>>, vector<1x1x16xf32>,
        %swap3A_724 = vector.shape_cast %swap3A_723 : vector<1x1x16xf32> to vector<16xf32>
        %swap3A_725 = vector.shape_cast %mul3A_718 : vector<16xf32> to vector<1x1x16xf32>
        tpu.vector_store %arg9[%swap3A_720, %swap3A_721, %swap3A_722], %swap3A_725 {add = true, strides = array<i32>} : memref<2x512x64xf32, #tpu.memory_space<vmem>>, vector<1x1x16xf32>,
        %mul3A_726 = vector.broadcast %squeeze3A_698 : f32 to vector<16xf32>
        %mul3A_727 = arith.mulf %mul3A_726, %get3A_17 : vector<16xf32>
        %swap3A_728 = arith.constant 1 : i32
        %swap3A_729 = arith.index_cast %swap3A_728 : i32 to index
        %swap3A_730 = arith.index_cast %add3A_696 : i32 to index
        %swap3A_731 = arith.constant 48 : index
        %swap3A_732 = tpu.vector_load %arg9[%swap3A_729, %swap3A_730, %swap3A_731] {strides = array<i32>} : memref<2x512x64xf32, #tpu.memory_space<vmem>>, vector<1x1x16xf32>,
        %swap3A_733 = vector.shape_cast %swap3A_732 : vector<1x1x16xf32> to vector<16xf32>
        %swap3A_734 = vector.shape_cast %mul3A_727 : vector<16xf32> to vector<1x1x16xf32>
        tpu.vector_store %arg9[%swap3A_729, %swap3A_730, %swap3A_731], %swap3A_734 {add = true, strides = array<i32>} : memref<2x512x64xf32, #tpu.memory_space<vmem>>, vector<1x1x16xf32>,
        %mul3A_735 = arith.constant 16 : i32
        %mul3A_736 = arith.muli %scan3A_436, %mul3A_735 : i32
        %add3A_737 = arith.constant 7 : i32
        %add3A_738 = arith.addi %mul3A_736, %add3A_737 : i32
        %slice3A_739 = vector.extract_strided_slice %get3A_443 {offsets = [7], sizes = [1], strides = [1]} : vector<16xf32> to vector<1xf32>
        %squeeze3A_740 = vector.extract %slice3A_739[0] : f32 from vector<1xf32>
        %mul3A_741 = vector.broadcast %squeeze3A_740 : f32 to vector<16xf32>
        %mul3A_742 = arith.mulf %mul3A_741, %get3A_8 : vector<16xf32>
        %swap3A_743 = arith.constant 1 : i32
        %swap3A_744 = arith.index_cast %swap3A_743 : i32 to index
        %swap3A_745 = arith.index_cast %add3A_738 : i32 to index
        %swap3A_746 = arith.constant 0 : index
        %swap3A_747 = tpu.vector_load %arg9[%swap3A_744, %swap3A_745, %swap3A_746] {strides = array<i32>} : memref<2x512x64xf32, #tpu.memory_space<vmem>>, vector<1x1x16xf32>,
        %swap3A_748 = vector.shape_cast %swap3A_747 : vector<1x1x16xf32> to vector<16xf32>
        %swap3A_749 = vector.shape_cast %mul3A_742 : vector<16xf32> to vector<1x1x16xf32>
        tpu.vector_store %arg9[%swap3A_744, %swap3A_745, %swap3A_746], %swap3A_749 {add = true, strides = array<i32>} : memref<2x512x64xf32, #tpu.memory_space<vmem>>, vector<1x1x16xf32>,
        %mul3A_750 = vector.broadcast %squeeze3A_740 : f32 to vector<16xf32>
        %mul3A_751 = arith.mulf %mul3A_750, %get3A_11 : vector<16xf32>
        %swap3A_752 = arith.constant 1 : i32
        %swap3A_753 = arith.index_cast %swap3A_752 : i32 to index
        %swap3A_754 = arith.index_cast %add3A_738 : i32 to index
        %swap3A_755 = arith.constant 16 : index
        %swap3A_756 = tpu.vector_load %arg9[%swap3A_753, %swap3A_754, %swap3A_755] {strides = array<i32>} : memref<2x512x64xf32, #tpu.memory_space<vmem>>, vector<1x1x16xf32>,
        %swap3A_757 = vector.shape_cast %swap3A_756 : vector<1x1x16xf32> to vector<16xf32>
        %swap3A_758 = vector.shape_cast %mul3A_751 : vector<16xf32> to vector<1x1x16xf32>
        tpu.vector_store %arg9[%swap3A_753, %swap3A_754, %swap3A_755], %swap3A_758 {add = true, strides = array<i32>} : memref<2x512x64xf32, #tpu.memory_space<vmem>>, vector<1x1x16xf32>,
        %mul3A_759 = vector.broadcast %squeeze3A_740 : f32 to vector<16xf32>
        %mul3A_760 = arith.mulf %mul3A_759, %get3A_14 : vector<16xf32>
        %swap3A_761 = arith.constant 1 : i32
        %swap3A_762 = arith.index_cast %swap3A_761 : i32 to index
        %swap3A_763 = arith.index_cast %add3A_738 : i32 to index
        %swap3A_764 = arith.constant 32 : index
        %swap3A_765 = tpu.vector_load %arg9[%swap3A_762, %swap3A_763, %swap3A_764] {strides = array<i32>} : memref<2x512x64xf32, #tpu.memory_space<vmem>>, vector<1x1x16xf32>,
        %swap3A_766 = vector.shape_cast %swap3A_765 : vector<1x1x16xf32> to vector<16xf32>
        %swap3A_767 = vector.shape_cast %mul3A_760 : vector<16xf32> to vector<1x1x16xf32>
        tpu.vector_store %arg9[%swap3A_762, %swap3A_763, %swap3A_764], %swap3A_767 {add = true, strides = array<i32>} : memref<2x512x64xf32, #tpu.memory_space<vmem>>, vector<1x1x16xf32>,
        %mul3A_768 = vector.broadcast %squeeze3A_740 : f32 to vector<16xf32>
        %mul3A_769 = arith.mulf %mul3A_768, %get3A_17 : vector<16xf32>
        %swap3A_770 = arith.constant 1 : i32
        %swap3A_771 = arith.index_cast %swap3A_770 : i32 to index
        %swap3A_772 = arith.index_cast %add3A_738 : i32 to index
        %swap3A_773 = arith.constant 48 : index
        %swap3A_774 = tpu.vector_load %arg9[%swap3A_771, %swap3A_772, %swap3A_773] {strides = array<i32>} : memref<2x512x64xf32, #tpu.memory_space<vmem>>, vector<1x1x16xf32>,
        %swap3A_775 = vector.shape_cast %swap3A_774 : vector<1x1x16xf32> to vector<16xf32>
        %swap3A_776 = vector.shape_cast %mul3A_769 : vector<16xf32> to vector<1x1x16xf32>
        tpu.vector_store %arg9[%swap3A_771, %swap3A_772, %swap3A_773], %swap3A_776 {add = true, strides = array<i32>} : memref<2x512x64xf32, #tpu.memory_space<vmem>>, vector<1x1x16xf32>,
        %mul3A_777 = arith.constant 16 : i32
        %mul3A_778 = arith.muli %scan3A_436, %mul3A_777 : i32
        %add3A_779 = arith.constant 8 : i32
        %add3A_780 = arith.addi %mul3A_778, %add3A_779 : i32
        %slice3A_781 = vector.extract_strided_slice %get3A_443 {offsets = [8], sizes = [1], strides = [1]} : vector<16xf32> to vector<1xf32>
        %squeeze3A_782 = vector.extract %slice3A_781[0] : f32 from vector<1xf32>
        %mul3A_783 = vector.broadcast %squeeze3A_782 : f32 to vector<16xf32>
        %mul3A_784 = arith.mulf %mul3A_783, %get3A_8 : vector<16xf32>
        %swap3A_785 = arith.constant 1 : i32
        %swap3A_786 = arith.index_cast %swap3A_785 : i32 to index
        %swap3A_787 = arith.index_cast %add3A_780 : i32 to index
        %swap3A_788 = arith.constant 0 : index
        %swap3A_789 = tpu.vector_load %arg9[%swap3A_786, %swap3A_787, %swap3A_788] {strides = array<i32>} : memref<2x512x64xf32, #tpu.memory_space<vmem>>, vector<1x1x16xf32>,
        %swap3A_790 = vector.shape_cast %swap3A_789 : vector<1x1x16xf32> to vector<16xf32>
        %swap3A_791 = vector.shape_cast %mul3A_784 : vector<16xf32> to vector<1x1x16xf32>
        tpu.vector_store %arg9[%swap3A_786, %swap3A_787, %swap3A_788], %swap3A_791 {add = true, strides = array<i32>} : memref<2x512x64xf32, #tpu.memory_space<vmem>>, vector<1x1x16xf32>,
        %mul3A_792 = vector.broadcast %squeeze3A_782 : f32 to vector<16xf32>
        %mul3A_793 = arith.mulf %mul3A_792, %get3A_11 : vector<16xf32>
        %swap3A_794 = arith.constant 1 : i32
        %swap3A_795 = arith.index_cast %swap3A_794 : i32 to index
        %swap3A_796 = arith.index_cast %add3A_780 : i32 to index
        %swap3A_797 = arith.constant 16 : index
        %swap3A_798 = tpu.vector_load %arg9[%swap3A_795, %swap3A_796, %swap3A_797] {strides = array<i32>} : memref<2x512x64xf32, #tpu.memory_space<vmem>>, vector<1x1x16xf32>,
        %swap3A_799 = vector.shape_cast %swap3A_798 : vector<1x1x16xf32> to vector<16xf32>
        %swap3A_800 = vector.shape_cast %mul3A_793 : vector<16xf32> to vector<1x1x16xf32>
        tpu.vector_store %arg9[%swap3A_795, %swap3A_796, %swap3A_797], %swap3A_800 {add = true, strides = array<i32>} : memref<2x512x64xf32, #tpu.memory_space<vmem>>, vector<1x1x16xf32>,
        %mul3A_801 = vector.broadcast %squeeze3A_782 : f32 to vector<16xf32>
        %mul3A_802 = arith.mulf %mul3A_801, %get3A_14 : vector<16xf32>
        %swap3A_803 = arith.constant 1 : i32
        %swap3A_804 = arith.index_cast %swap3A_803 : i32 to index
        %swap3A_805 = arith.index_cast %add3A_780 : i32 to index
        %swap3A_806 = arith.constant 32 : index
        %swap3A_807 = tpu.vector_load %arg9[%swap3A_804, %swap3A_805, %swap3A_806] {strides = array<i32>} : memref<2x512x64xf32, #tpu.memory_space<vmem>>, vector<1x1x16xf32>,
        %swap3A_808 = vector.shape_cast %swap3A_807 : vector<1x1x16xf32> to vector<16xf32>
        %swap3A_809 = vector.shape_cast %mul3A_802 : vector<16xf32> to vector<1x1x16xf32>
        tpu.vector_store %arg9[%swap3A_804, %swap3A_805, %swap3A_806], %swap3A_809 {add = true, strides = array<i32>} : memref<2x512x64xf32, #tpu.memory_space<vmem>>, vector<1x1x16xf32>,
        %mul3A_810 = vector.broadcast %squeeze3A_782 : f32 to vector<16xf32>
        %mul3A_811 = arith.mulf %mul3A_810, %get3A_17 : vector<16xf32>
        %swap3A_812 = arith.constant 1 : i32
        %swap3A_813 = arith.index_cast %swap3A_812 : i32 to index
        %swap3A_814 = arith.index_cast %add3A_780 : i32 to index
        %swap3A_815 = arith.constant 48 : index
        %swap3A_816 = tpu.vector_load %arg9[%swap3A_813, %swap3A_814, %swap3A_815] {strides = array<i32>} : memref<2x512x64xf32, #tpu.memory_space<vmem>>, vector<1x1x16xf32>,
        %swap3A_817 = vector.shape_cast %swap3A_816 : vector<1x1x16xf32> to vector<16xf32>
        %swap3A_818 = vector.shape_cast %mul3A_811 : vector<16xf32> to vector<1x1x16xf32>
        tpu.vector_store %arg9[%swap3A_813, %swap3A_814, %swap3A_815], %swap3A_818 {add = true, strides = array<i32>} : memref<2x512x64xf32, #tpu.memory_space<vmem>>, vector<1x1x16xf32>,
        %mul3A_819 = arith.constant 16 : i32
        %mul3A_820 = arith.muli %scan3A_436, %mul3A_819 : i32
        %add3A_821 = arith.constant 9 : i32
        %add3A_822 = arith.addi %mul3A_820, %add3A_821 : i32
        %slice3A_823 = vector.extract_strided_slice %get3A_443 {offsets = [9], sizes = [1], strides = [1]} : vector<16xf32> to vector<1xf32>
        %squeeze3A_824 = vector.extract %slice3A_823[0] : f32 from vector<1xf32>
        %mul3A_825 = vector.broadcast %squeeze3A_824 : f32 to vector<16xf32>
        %mul3A_826 = arith.mulf %mul3A_825, %get3A_8 : vector<16xf32>
        %swap3A_827 = arith.constant 1 : i32
        %swap3A_828 = arith.index_cast %swap3A_827 : i32 to index
        %swap3A_829 = arith.index_cast %add3A_822 : i32 to index
        %swap3A_830 = arith.constant 0 : index
        %swap3A_831 = tpu.vector_load %arg9[%swap3A_828, %swap3A_829, %swap3A_830] {strides = array<i32>} : memref<2x512x64xf32, #tpu.memory_space<vmem>>, vector<1x1x16xf32>,
        %swap3A_832 = vector.shape_cast %swap3A_831 : vector<1x1x16xf32> to vector<16xf32>
        %swap3A_833 = vector.shape_cast %mul3A_826 : vector<16xf32> to vector<1x1x16xf32>
        tpu.vector_store %arg9[%swap3A_828, %swap3A_829, %swap3A_830], %swap3A_833 {add = true, strides = array<i32>} : memref<2x512x64xf32, #tpu.memory_space<vmem>>, vector<1x1x16xf32>,
        %mul3A_834 = vector.broadcast %squeeze3A_824 : f32 to vector<16xf32>
        %mul3A_835 = arith.mulf %mul3A_834, %get3A_11 : vector<16xf32>
        %swap3A_836 = arith.constant 1 : i32
        %swap3A_837 = arith.index_cast %swap3A_836 : i32 to index
        %swap3A_838 = arith.index_cast %add3A_822 : i32 to index
        %swap3A_839 = arith.constant 16 : index
        %swap3A_840 = tpu.vector_load %arg9[%swap3A_837, %swap3A_838, %swap3A_839] {strides = array<i32>} : memref<2x512x64xf32, #tpu.memory_space<vmem>>, vector<1x1x16xf32>,
        %swap3A_841 = vector.shape_cast %swap3A_840 : vector<1x1x16xf32> to vector<16xf32>
        %swap3A_842 = vector.shape_cast %mul3A_835 : vector<16xf32> to vector<1x1x16xf32>
        tpu.vector_store %arg9[%swap3A_837, %swap3A_838, %swap3A_839], %swap3A_842 {add = true, strides = array<i32>} : memref<2x512x64xf32, #tpu.memory_space<vmem>>, vector<1x1x16xf32>,
        %mul3A_843 = vector.broadcast %squeeze3A_824 : f32 to vector<16xf32>
        %mul3A_844 = arith.mulf %mul3A_843, %get3A_14 : vector<16xf32>
        %swap3A_845 = arith.constant 1 : i32
        %swap3A_846 = arith.index_cast %swap3A_845 : i32 to index
        %swap3A_847 = arith.index_cast %add3A_822 : i32 to index
        %swap3A_848 = arith.constant 32 : index
        %swap3A_849 = tpu.vector_load %arg9[%swap3A_846, %swap3A_847, %swap3A_848] {strides = array<i32>} : memref<2x512x64xf32, #tpu.memory_space<vmem>>, vector<1x1x16xf32>,
        %swap3A_850 = vector.shape_cast %swap3A_849 : vector<1x1x16xf32> to vector<16xf32>
        %swap3A_851 = vector.shape_cast %mul3A_844 : vector<16xf32> to vector<1x1x16xf32>
        tpu.vector_store %arg9[%swap3A_846, %swap3A_847, %swap3A_848], %swap3A_851 {add = true, strides = array<i32>} : memref<2x512x64xf32, #tpu.memory_space<vmem>>, vector<1x1x16xf32>,
        %mul3A_852 = vector.broadcast %squeeze3A_824 : f32 to vector<16xf32>
        %mul3A_853 = arith.mulf %mul3A_852, %get3A_17 : vector<16xf32>
        %swap3A_854 = arith.constant 1 : i32
        %swap3A_855 = arith.index_cast %swap3A_854 : i32 to index
        %swap3A_856 = arith.index_cast %add3A_822 : i32 to index
        %swap3A_857 = arith.constant 48 : index
        %swap3A_858 = tpu.vector_load %arg9[%swap3A_855, %swap3A_856, %swap3A_857] {strides = array<i32>} : memref<2x512x64xf32, #tpu.memory_space<vmem>>, vector<1x1x16xf32>,
        %swap3A_859 = vector.shape_cast %swap3A_858 : vector<1x1x16xf32> to vector<16xf32>
        %swap3A_860 = vector.shape_cast %mul3A_853 : vector<16xf32> to vector<1x1x16xf32>
        tpu.vector_store %arg9[%swap3A_855, %swap3A_856, %swap3A_857], %swap3A_860 {add = true, strides = array<i32>} : memref<2x512x64xf32, #tpu.memory_space<vmem>>, vector<1x1x16xf32>,
        %mul3A_861 = arith.constant 16 : i32
        %mul3A_862 = arith.muli %scan3A_436, %mul3A_861 : i32
        %add3A_863 = arith.constant 10 : i32
        %add3A_864 = arith.addi %mul3A_862, %add3A_863 : i32
        %slice3A_865 = vector.extract_strided_slice %get3A_443 {offsets = [10], sizes = [1], strides = [1]} : vector<16xf32> to vector<1xf32>
        %squeeze3A_866 = vector.extract %slice3A_865[0] : f32 from vector<1xf32>
        %mul3A_867 = vector.broadcast %squeeze3A_866 : f32 to vector<16xf32>
        %mul3A_868 = arith.mulf %mul3A_867, %get3A_8 : vector<16xf32>
        %swap3A_869 = arith.constant 1 : i32
        %swap3A_870 = arith.index_cast %swap3A_869 : i32 to index
        %swap3A_871 = arith.index_cast %add3A_864 : i32 to index
        %swap3A_872 = arith.constant 0 : index
        %swap3A_873 = tpu.vector_load %arg9[%swap3A_870, %swap3A_871, %swap3A_872] {strides = array<i32>} : memref<2x512x64xf32, #tpu.memory_space<vmem>>, vector<1x1x16xf32>,
        %swap3A_874 = vector.shape_cast %swap3A_873 : vector<1x1x16xf32> to vector<16xf32>
        %swap3A_875 = vector.shape_cast %mul3A_868 : vector<16xf32> to vector<1x1x16xf32>
        tpu.vector_store %arg9[%swap3A_870, %swap3A_871, %swap3A_872], %swap3A_875 {add = true, strides = array<i32>} : memref<2x512x64xf32, #tpu.memory_space<vmem>>, vector<1x1x16xf32>,
        %mul3A_876 = vector.broadcast %squeeze3A_866 : f32 to vector<16xf32>
        %mul3A_877 = arith.mulf %mul3A_876, %get3A_11 : vector<16xf32>
        %swap3A_878 = arith.constant 1 : i32
        %swap3A_879 = arith.index_cast %swap3A_878 : i32 to index
        %swap3A_880 = arith.index_cast %add3A_864 : i32 to index
        %swap3A_881 = arith.constant 16 : index
        %swap3A_882 = tpu.vector_load %arg9[%swap3A_879, %swap3A_880, %swap3A_881] {strides = array<i32>} : memref<2x512x64xf32, #tpu.memory_space<vmem>>, vector<1x1x16xf32>,
        %swap3A_883 = vector.shape_cast %swap3A_882 : vector<1x1x16xf32> to vector<16xf32>
        %swap3A_884 = vector.shape_cast %mul3A_877 : vector<16xf32> to vector<1x1x16xf32>
        tpu.vector_store %arg9[%swap3A_879, %swap3A_880, %swap3A_881], %swap3A_884 {add = true, strides = array<i32>} : memref<2x512x64xf32, #tpu.memory_space<vmem>>, vector<1x1x16xf32>,
        %mul3A_885 = vector.broadcast %squeeze3A_866 : f32 to vector<16xf32>
        %mul3A_886 = arith.mulf %mul3A_885, %get3A_14 : vector<16xf32>
        %swap3A_887 = arith.constant 1 : i32
        %swap3A_888 = arith.index_cast %swap3A_887 : i32 to index
        %swap3A_889 = arith.index_cast %add3A_864 : i32 to index
        %swap3A_890 = arith.constant 32 : index
        %swap3A_891 = tpu.vector_load %arg9[%swap3A_888, %swap3A_889, %swap3A_890] {strides = array<i32>} : memref<2x512x64xf32, #tpu.memory_space<vmem>>, vector<1x1x16xf32>,
        %swap3A_892 = vector.shape_cast %swap3A_891 : vector<1x1x16xf32> to vector<16xf32>
        %swap3A_893 = vector.shape_cast %mul3A_886 : vector<16xf32> to vector<1x1x16xf32>
        tpu.vector_store %arg9[%swap3A_888, %swap3A_889, %swap3A_890], %swap3A_893 {add = true, strides = array<i32>} : memref<2x512x64xf32, #tpu.memory_space<vmem>>, vector<1x1x16xf32>,
        %mul3A_894 = vector.broadcast %squeeze3A_866 : f32 to vector<16xf32>
        %mul3A_895 = arith.mulf %mul3A_894, %get3A_17 : vector<16xf32>
        %swap3A_896 = arith.constant 1 : i32
        %swap3A_897 = arith.index_cast %swap3A_896 : i32 to index
        %swap3A_898 = arith.index_cast %add3A_864 : i32 to index
        %swap3A_899 = arith.constant 48 : index
        %swap3A_900 = tpu.vector_load %arg9[%swap3A_897, %swap3A_898, %swap3A_899] {strides = array<i32>} : memref<2x512x64xf32, #tpu.memory_space<vmem>>, vector<1x1x16xf32>,
        %swap3A_901 = vector.shape_cast %swap3A_900 : vector<1x1x16xf32> to vector<16xf32>
        %swap3A_902 = vector.shape_cast %mul3A_895 : vector<16xf32> to vector<1x1x16xf32>
        tpu.vector_store %arg9[%swap3A_897, %swap3A_898, %swap3A_899], %swap3A_902 {add = true, strides = array<i32>} : memref<2x512x64xf32, #tpu.memory_space<vmem>>, vector<1x1x16xf32>,
        %mul3A_903 = arith.constant 16 : i32
        %mul3A_904 = arith.muli %scan3A_436, %mul3A_903 : i32
        %add3A_905 = arith.constant 11 : i32
        %add3A_906 = arith.addi %mul3A_904, %add3A_905 : i32
        %slice3A_907 = vector.extract_strided_slice %get3A_443 {offsets = [11], sizes = [1], strides = [1]} : vector<16xf32> to vector<1xf32>
        %squeeze3A_908 = vector.extract %slice3A_907[0] : f32 from vector<1xf32>
        %mul3A_909 = vector.broadcast %squeeze3A_908 : f32 to vector<16xf32>
        %mul3A_910 = arith.mulf %mul3A_909, %get3A_8 : vector<16xf32>
        %swap3A_911 = arith.constant 1 : i32
        %swap3A_912 = arith.index_cast %swap3A_911 : i32 to index
        %swap3A_913 = arith.index_cast %add3A_906 : i32 to index
        %swap3A_914 = arith.constant 0 : index
        %swap3A_915 = tpu.vector_load %arg9[%swap3A_912, %swap3A_913, %swap3A_914] {strides = array<i32>} : memref<2x512x64xf32, #tpu.memory_space<vmem>>, vector<1x1x16xf32>,
        %swap3A_916 = vector.shape_cast %swap3A_915 : vector<1x1x16xf32> to vector<16xf32>
        %swap3A_917 = vector.shape_cast %mul3A_910 : vector<16xf32> to vector<1x1x16xf32>
        tpu.vector_store %arg9[%swap3A_912, %swap3A_913, %swap3A_914], %swap3A_917 {add = true, strides = array<i32>} : memref<2x512x64xf32, #tpu.memory_space<vmem>>, vector<1x1x16xf32>,
        %mul3A_918 = vector.broadcast %squeeze3A_908 : f32 to vector<16xf32>
        %mul3A_919 = arith.mulf %mul3A_918, %get3A_11 : vector<16xf32>
        %swap3A_920 = arith.constant 1 : i32
        %swap3A_921 = arith.index_cast %swap3A_920 : i32 to index
        %swap3A_922 = arith.index_cast %add3A_906 : i32 to index
        %swap3A_923 = arith.constant 16 : index
        %swap3A_924 = tpu.vector_load %arg9[%swap3A_921, %swap3A_922, %swap3A_923] {strides = array<i32>} : memref<2x512x64xf32, #tpu.memory_space<vmem>>, vector<1x1x16xf32>,
        %swap3A_925 = vector.shape_cast %swap3A_924 : vector<1x1x16xf32> to vector<16xf32>
        %swap3A_926 = vector.shape_cast %mul3A_919 : vector<16xf32> to vector<1x1x16xf32>
        tpu.vector_store %arg9[%swap3A_921, %swap3A_922, %swap3A_923], %swap3A_926 {add = true, strides = array<i32>} : memref<2x512x64xf32, #tpu.memory_space<vmem>>, vector<1x1x16xf32>,
        %mul3A_927 = vector.broadcast %squeeze3A_908 : f32 to vector<16xf32>
        %mul3A_928 = arith.mulf %mul3A_927, %get3A_14 : vector<16xf32>
        %swap3A_929 = arith.constant 1 : i32
        %swap3A_930 = arith.index_cast %swap3A_929 : i32 to index
        %swap3A_931 = arith.index_cast %add3A_906 : i32 to index
        %swap3A_932 = arith.constant 32 : index
        %swap3A_933 = tpu.vector_load %arg9[%swap3A_930, %swap3A_931, %swap3A_932] {strides = array<i32>} : memref<2x512x64xf32, #tpu.memory_space<vmem>>, vector<1x1x16xf32>,
        %swap3A_934 = vector.shape_cast %swap3A_933 : vector<1x1x16xf32> to vector<16xf32>
        %swap3A_935 = vector.shape_cast %mul3A_928 : vector<16xf32> to vector<1x1x16xf32>
        tpu.vector_store %arg9[%swap3A_930, %swap3A_931, %swap3A_932], %swap3A_935 {add = true, strides = array<i32>} : memref<2x512x64xf32, #tpu.memory_space<vmem>>, vector<1x1x16xf32>,
        %mul3A_936 = vector.broadcast %squeeze3A_908 : f32 to vector<16xf32>
        %mul3A_937 = arith.mulf %mul3A_936, %get3A_17 : vector<16xf32>
        %swap3A_938 = arith.constant 1 : i32
        %swap3A_939 = arith.index_cast %swap3A_938 : i32 to index
        %swap3A_940 = arith.index_cast %add3A_906 : i32 to index
        %swap3A_941 = arith.constant 48 : index
        %swap3A_942 = tpu.vector_load %arg9[%swap3A_939, %swap3A_940, %swap3A_941] {strides = array<i32>} : memref<2x512x64xf32, #tpu.memory_space<vmem>>, vector<1x1x16xf32>,
        %swap3A_943 = vector.shape_cast %swap3A_942 : vector<1x1x16xf32> to vector<16xf32>
        %swap3A_944 = vector.shape_cast %mul3A_937 : vector<16xf32> to vector<1x1x16xf32>
        tpu.vector_store %arg9[%swap3A_939, %swap3A_940, %swap3A_941], %swap3A_944 {add = true, strides = array<i32>} : memref<2x512x64xf32, #tpu.memory_space<vmem>>, vector<1x1x16xf32>,
        %mul3A_945 = arith.constant 16 : i32
        %mul3A_946 = arith.muli %scan3A_436, %mul3A_945 : i32
        %add3A_947 = arith.constant 12 : i32
        %add3A_948 = arith.addi %mul3A_946, %add3A_947 : i32
        %slice3A_949 = vector.extract_strided_slice %get3A_443 {offsets = [12], sizes = [1], strides = [1]} : vector<16xf32> to vector<1xf32>
        %squeeze3A_950 = vector.extract %slice3A_949[0] : f32 from vector<1xf32>
        %mul3A_951 = vector.broadcast %squeeze3A_950 : f32 to vector<16xf32>
        %mul3A_952 = arith.mulf %mul3A_951, %get3A_8 : vector<16xf32>
        %swap3A_953 = arith.constant 1 : i32
        %swap3A_954 = arith.index_cast %swap3A_953 : i32 to index
        %swap3A_955 = arith.index_cast %add3A_948 : i32 to index
        %swap3A_956 = arith.constant 0 : index
        %swap3A_957 = tpu.vector_load %arg9[%swap3A_954, %swap3A_955, %swap3A_956] {strides = array<i32>} : memref<2x512x64xf32, #tpu.memory_space<vmem>>, vector<1x1x16xf32>,
        %swap3A_958 = vector.shape_cast %swap3A_957 : vector<1x1x16xf32> to vector<16xf32>
        %swap3A_959 = vector.shape_cast %mul3A_952 : vector<16xf32> to vector<1x1x16xf32>
        tpu.vector_store %arg9[%swap3A_954, %swap3A_955, %swap3A_956], %swap3A_959 {add = true, strides = array<i32>} : memref<2x512x64xf32, #tpu.memory_space<vmem>>, vector<1x1x16xf32>,
        %mul3A_960 = vector.broadcast %squeeze3A_950 : f32 to vector<16xf32>
        %mul3A_961 = arith.mulf %mul3A_960, %get3A_11 : vector<16xf32>
        %swap3A_962 = arith.constant 1 : i32
        %swap3A_963 = arith.index_cast %swap3A_962 : i32 to index
        %swap3A_964 = arith.index_cast %add3A_948 : i32 to index
        %swap3A_965 = arith.constant 16 : index
        %swap3A_966 = tpu.vector_load %arg9[%swap3A_963, %swap3A_964, %swap3A_965] {strides = array<i32>} : memref<2x512x64xf32, #tpu.memory_space<vmem>>, vector<1x1x16xf32>,
        %swap3A_967 = vector.shape_cast %swap3A_966 : vector<1x1x16xf32> to vector<16xf32>
        %swap3A_968 = vector.shape_cast %mul3A_961 : vector<16xf32> to vector<1x1x16xf32>
        tpu.vector_store %arg9[%swap3A_963, %swap3A_964, %swap3A_965], %swap3A_968 {add = true, strides = array<i32>} : memref<2x512x64xf32, #tpu.memory_space<vmem>>, vector<1x1x16xf32>,
        %mul3A_969 = vector.broadcast %squeeze3A_950 : f32 to vector<16xf32>
        %mul3A_970 = arith.mulf %mul3A_969, %get3A_14 : vector<16xf32>
        %swap3A_971 = arith.constant 1 : i32
        %swap3A_972 = arith.index_cast %swap3A_971 : i32 to index
        %swap3A_973 = arith.index_cast %add3A_948 : i32 to index
        %swap3A_974 = arith.constant 32 : index
        %swap3A_975 = tpu.vector_load %arg9[%swap3A_972, %swap3A_973, %swap3A_974] {strides = array<i32>} : memref<2x512x64xf32, #tpu.memory_space<vmem>>, vector<1x1x16xf32>,
        %swap3A_976 = vector.shape_cast %swap3A_975 : vector<1x1x16xf32> to vector<16xf32>
        %swap3A_977 = vector.shape_cast %mul3A_970 : vector<16xf32> to vector<1x1x16xf32>
        tpu.vector_store %arg9[%swap3A_972, %swap3A_973, %swap3A_974], %swap3A_977 {add = true, strides = array<i32>} : memref<2x512x64xf32, #tpu.memory_space<vmem>>, vector<1x1x16xf32>,
        %mul3A_978 = vector.broadcast %squeeze3A_950 : f32 to vector<16xf32>
        %mul3A_979 = arith.mulf %mul3A_978, %get3A_17 : vector<16xf32>
        %swap3A_980 = arith.constant 1 : i32
        %swap3A_981 = arith.index_cast %swap3A_980 : i32 to index
        %swap3A_982 = arith.index_cast %add3A_948 : i32 to index
        %swap3A_983 = arith.constant 48 : index
        %swap3A_984 = tpu.vector_load %arg9[%swap3A_981, %swap3A_982, %swap3A_983] {strides = array<i32>} : memref<2x512x64xf32, #tpu.memory_space<vmem>>, vector<1x1x16xf32>,
        %swap3A_985 = vector.shape_cast %swap3A_984 : vector<1x1x16xf32> to vector<16xf32>
        %swap3A_986 = vector.shape_cast %mul3A_979 : vector<16xf32> to vector<1x1x16xf32>
        tpu.vector_store %arg9[%swap3A_981, %swap3A_982, %swap3A_983], %swap3A_986 {add = true, strides = array<i32>} : memref<2x512x64xf32, #tpu.memory_space<vmem>>, vector<1x1x16xf32>,
        %mul3A_987 = arith.constant 16 : i32
        %mul3A_988 = arith.muli %scan3A_436, %mul3A_987 : i32
        %add3A_989 = arith.constant 13 : i32
        %add3A_990 = arith.addi %mul3A_988, %add3A_989 : i32
        %slice3A_991 = vector.extract_strided_slice %get3A_443 {offsets = [13], sizes = [1], strides = [1]} : vector<16xf32> to vector<1xf32>
        %squeeze3A_992 = vector.extract %slice3A_991[0] : f32 from vector<1xf32>
        %mul3A_993 = vector.broadcast %squeeze3A_992 : f32 to vector<16xf32>
        %mul3A_994 = arith.mulf %mul3A_993, %get3A_8 : vector<16xf32>
        %swap3A_995 = arith.constant 1 : i32
        %swap3A_996 = arith.index_cast %swap3A_995 : i32 to index
        %swap3A_997 = arith.index_cast %add3A_990 : i32 to index
        %swap3A_998 = arith.constant 0 : index
        %swap3A_999 = tpu.vector_load %arg9[%swap3A_996, %swap3A_997, %swap3A_998] {strides = array<i32>} : memref<2x512x64xf32, #tpu.memory_space<vmem>>, vector<1x1x16xf32>,
        %swap3A_1000 = vector.shape_cast %swap3A_999 : vector<1x1x16xf32> to vector<16xf32>
        %swap3A_1001 = vector.shape_cast %mul3A_994 : vector<16xf32> to vector<1x1x16xf32>
        tpu.vector_store %arg9[%swap3A_996, %swap3A_997, %swap3A_998], %swap3A_1001 {add = true, strides = array<i32>} : memref<2x512x64xf32, #tpu.memory_space<vmem>>, vector<1x1x16xf32>,
        %mul3A_1002 = vector.broadcast %squeeze3A_992 : f32 to vector<16xf32>
        %mul3A_1003 = arith.mulf %mul3A_1002, %get3A_11 : vector<16xf32>
        %swap3A_1004 = arith.constant 1 : i32
        %swap3A_1005 = arith.index_cast %swap3A_1004 : i32 to index
        %swap3A_1006 = arith.index_cast %add3A_990 : i32 to index
        %swap3A_1007 = arith.constant 16 : index
        %swap3A_1008 = tpu.vector_load %arg9[%swap3A_1005, %swap3A_1006, %swap3A_1007] {strides = array<i32>} : memref<2x512x64xf32, #tpu.memory_space<vmem>>, vector<1x1x16xf32>,
        %swap3A_1009 = vector.shape_cast %swap3A_1008 : vector<1x1x16xf32> to vector<16xf32>
        %swap3A_1010 = vector.shape_cast %mul3A_1003 : vector<16xf32> to vector<1x1x16xf32>
        tpu.vector_store %arg9[%swap3A_1005, %swap3A_1006, %swap3A_1007], %swap3A_1010 {add = true, strides = array<i32>} : memref<2x512x64xf32, #tpu.memory_space<vmem>>, vector<1x1x16xf32>,
        %mul3A_1011 = vector.broadcast %squeeze3A_992 : f32 to vector<16xf32>
        %mul3A_1012 = arith.mulf %mul3A_1011, %get3A_14 : vector<16xf32>
        %swap3A_1013 = arith.constant 1 : i32
        %swap3A_1014 = arith.index_cast %swap3A_1013 : i32 to index
        %swap3A_1015 = arith.index_cast %add3A_990 : i32 to index
        %swap3A_1016 = arith.constant 32 : index
        %swap3A_1017 = tpu.vector_load %arg9[%swap3A_1014, %swap3A_1015, %swap3A_1016] {strides = array<i32>} : memref<2x512x64xf32, #tpu.memory_space<vmem>>, vector<1x1x16xf32>,
        %swap3A_1018 = vector.shape_cast %swap3A_1017 : vector<1x1x16xf32> to vector<16xf32>
        %swap3A_1019 = vector.shape_cast %mul3A_1012 : vector<16xf32> to vector<1x1x16xf32>
        tpu.vector_store %arg9[%swap3A_1014, %swap3A_1015, %swap3A_1016], %swap3A_1019 {add = true, strides = array<i32>} : memref<2x512x64xf32, #tpu.memory_space<vmem>>, vector<1x1x16xf32>,
        %mul3A_1020 = vector.broadcast %squeeze3A_992 : f32 to vector<16xf32>
        %mul3A_1021 = arith.mulf %mul3A_1020, %get3A_17 : vector<16xf32>
        %swap3A_1022 = arith.constant 1 : i32
        %swap3A_1023 = arith.index_cast %swap3A_1022 : i32 to index
        %swap3A_1024 = arith.index_cast %add3A_990 : i32 to index
        %swap3A_1025 = arith.constant 48 : index
        %swap3A_1026 = tpu.vector_load %arg9[%swap3A_1023, %swap3A_1024, %swap3A_1025] {strides = array<i32>} : memref<2x512x64xf32, #tpu.memory_space<vmem>>, vector<1x1x16xf32>,
        %swap3A_1027 = vector.shape_cast %swap3A_1026 : vector<1x1x16xf32> to vector<16xf32>
        %swap3A_1028 = vector.shape_cast %mul3A_1021 : vector<16xf32> to vector<1x1x16xf32>
        tpu.vector_store %arg9[%swap3A_1023, %swap3A_1024, %swap3A_1025], %swap3A_1028 {add = true, strides = array<i32>} : memref<2x512x64xf32, #tpu.memory_space<vmem>>, vector<1x1x16xf32>,
        %mul3A_1029 = arith.constant 16 : i32
        %mul3A_1030 = arith.muli %scan3A_436, %mul3A_1029 : i32
        %add3A_1031 = arith.constant 14 : i32
        %add3A_1032 = arith.addi %mul3A_1030, %add3A_1031 : i32
        %slice3A_1033 = vector.extract_strided_slice %get3A_443 {offsets = [14], sizes = [1], strides = [1]} : vector<16xf32> to vector<1xf32>
        %squeeze3A_1034 = vector.extract %slice3A_1033[0] : f32 from vector<1xf32>
        %mul3A_1035 = vector.broadcast %squeeze3A_1034 : f32 to vector<16xf32>
        %mul3A_1036 = arith.mulf %mul3A_1035, %get3A_8 : vector<16xf32>
        %swap3A_1037 = arith.constant 1 : i32
        %swap3A_1038 = arith.index_cast %swap3A_1037 : i32 to index
        %swap3A_1039 = arith.index_cast %add3A_1032 : i32 to index
        %swap3A_1040 = arith.constant 0 : index
        %swap3A_1041 = tpu.vector_load %arg9[%swap3A_1038, %swap3A_1039, %swap3A_1040] {strides = array<i32>} : memref<2x512x64xf32, #tpu.memory_space<vmem>>, vector<1x1x16xf32>,
        %swap3A_1042 = vector.shape_cast %swap3A_1041 : vector<1x1x16xf32> to vector<16xf32>
        %swap3A_1043 = vector.shape_cast %mul3A_1036 : vector<16xf32> to vector<1x1x16xf32>
        tpu.vector_store %arg9[%swap3A_1038, %swap3A_1039, %swap3A_1040], %swap3A_1043 {add = true, strides = array<i32>} : memref<2x512x64xf32, #tpu.memory_space<vmem>>, vector<1x1x16xf32>,
        %mul3A_1044 = vector.broadcast %squeeze3A_1034 : f32 to vector<16xf32>
        %mul3A_1045 = arith.mulf %mul3A_1044, %get3A_11 : vector<16xf32>
        %swap3A_1046 = arith.constant 1 : i32
        %swap3A_1047 = arith.index_cast %swap3A_1046 : i32 to index
        %swap3A_1048 = arith.index_cast %add3A_1032 : i32 to index
        %swap3A_1049 = arith.constant 16 : index
        %swap3A_1050 = tpu.vector_load %arg9[%swap3A_1047, %swap3A_1048, %swap3A_1049] {strides = array<i32>} : memref<2x512x64xf32, #tpu.memory_space<vmem>>, vector<1x1x16xf32>,
        %swap3A_1051 = vector.shape_cast %swap3A_1050 : vector<1x1x16xf32> to vector<16xf32>
        %swap3A_1052 = vector.shape_cast %mul3A_1045 : vector<16xf32> to vector<1x1x16xf32>
        tpu.vector_store %arg9[%swap3A_1047, %swap3A_1048, %swap3A_1049], %swap3A_1052 {add = true, strides = array<i32>} : memref<2x512x64xf32, #tpu.memory_space<vmem>>, vector<1x1x16xf32>,
        %mul3A_1053 = vector.broadcast %squeeze3A_1034 : f32 to vector<16xf32>
        %mul3A_1054 = arith.mulf %mul3A_1053, %get3A_14 : vector<16xf32>
        %swap3A_1055 = arith.constant 1 : i32
        %swap3A_1056 = arith.index_cast %swap3A_1055 : i32 to index
        %swap3A_1057 = arith.index_cast %add3A_1032 : i32 to index
        %swap3A_1058 = arith.constant 32 : index
        %swap3A_1059 = tpu.vector_load %arg9[%swap3A_1056, %swap3A_1057, %swap3A_1058] {strides = array<i32>} : memref<2x512x64xf32, #tpu.memory_space<vmem>>, vector<1x1x16xf32>,
        %swap3A_1060 = vector.shape_cast %swap3A_1059 : vector<1x1x16xf32> to vector<16xf32>
        %swap3A_1061 = vector.shape_cast %mul3A_1054 : vector<16xf32> to vector<1x1x16xf32>
        tpu.vector_store %arg9[%swap3A_1056, %swap3A_1057, %swap3A_1058], %swap3A_1061 {add = true, strides = array<i32>} : memref<2x512x64xf32, #tpu.memory_space<vmem>>, vector<1x1x16xf32>,
        %mul3A_1062 = vector.broadcast %squeeze3A_1034 : f32 to vector<16xf32>
        %mul3A_1063 = arith.mulf %mul3A_1062, %get3A_17 : vector<16xf32>
        %swap3A_1064 = arith.constant 1 : i32
        %swap3A_1065 = arith.index_cast %swap3A_1064 : i32 to index
        %swap3A_1066 = arith.index_cast %add3A_1032 : i32 to index
        %swap3A_1067 = arith.constant 48 : index
        %swap3A_1068 = tpu.vector_load %arg9[%swap3A_1065, %swap3A_1066, %swap3A_1067] {strides = array<i32>} : memref<2x512x64xf32, #tpu.memory_space<vmem>>, vector<1x1x16xf32>,
        %swap3A_1069 = vector.shape_cast %swap3A_1068 : vector<1x1x16xf32> to vector<16xf32>
        %swap3A_1070 = vector.shape_cast %mul3A_1063 : vector<16xf32> to vector<1x1x16xf32>
        tpu.vector_store %arg9[%swap3A_1065, %swap3A_1066, %swap3A_1067], %swap3A_1070 {add = true, strides = array<i32>} : memref<2x512x64xf32, #tpu.memory_space<vmem>>, vector<1x1x16xf32>,
        %mul3A_1071 = arith.constant 16 : i32
        %mul3A_1072 = arith.muli %scan3A_436, %mul3A_1071 : i32
        %add3A_1073 = arith.constant 15 : i32
        %add3A_1074 = arith.addi %mul3A_1072, %add3A_1073 : i32
        %slice3A_1075 = vector.extract_strided_slice %get3A_443 {offsets = [15], sizes = [1], strides = [1]} : vector<16xf32> to vector<1xf32>
        %squeeze3A_1076 = vector.extract %slice3A_1075[0] : f32 from vector<1xf32>
        %mul3A_1077 = vector.broadcast %squeeze3A_1076 : f32 to vector<16xf32>
        %mul3A_1078 = arith.mulf %mul3A_1077, %get3A_8 : vector<16xf32>
        %swap3A_1079 = arith.constant 1 : i32
        %swap3A_1080 = arith.index_cast %swap3A_1079 : i32 to index
        %swap3A_1081 = arith.index_cast %add3A_1074 : i32 to index
        %swap3A_1082 = arith.constant 0 : index
        %swap3A_1083 = tpu.vector_load %arg9[%swap3A_1080, %swap3A_1081, %swap3A_1082] {strides = array<i32>} : memref<2x512x64xf32, #tpu.memory_space<vmem>>, vector<1x1x16xf32>,
        %swap3A_1084 = vector.shape_cast %swap3A_1083 : vector<1x1x16xf32> to vector<16xf32>
        %swap3A_1085 = vector.shape_cast %mul3A_1078 : vector<16xf32> to vector<1x1x16xf32>
        tpu.vector_store %arg9[%swap3A_1080, %swap3A_1081, %swap3A_1082], %swap3A_1085 {add = true, strides = array<i32>} : memref<2x512x64xf32, #tpu.memory_space<vmem>>, vector<1x1x16xf32>,
        %mul3A_1086 = vector.broadcast %squeeze3A_1076 : f32 to vector<16xf32>
        %mul3A_1087 = arith.mulf %mul3A_1086, %get3A_11 : vector<16xf32>
        %swap3A_1088 = arith.constant 1 : i32
        %swap3A_1089 = arith.index_cast %swap3A_1088 : i32 to index
        %swap3A_1090 = arith.index_cast %add3A_1074 : i32 to index
        %swap3A_1091 = arith.constant 16 : index
        %swap3A_1092 = tpu.vector_load %arg9[%swap3A_1089, %swap3A_1090, %swap3A_1091] {strides = array<i32>} : memref<2x512x64xf32, #tpu.memory_space<vmem>>, vector<1x1x16xf32>,
        %swap3A_1093 = vector.shape_cast %swap3A_1092 : vector<1x1x16xf32> to vector<16xf32>
        %swap3A_1094 = vector.shape_cast %mul3A_1087 : vector<16xf32> to vector<1x1x16xf32>
        tpu.vector_store %arg9[%swap3A_1089, %swap3A_1090, %swap3A_1091], %swap3A_1094 {add = true, strides = array<i32>} : memref<2x512x64xf32, #tpu.memory_space<vmem>>, vector<1x1x16xf32>,
        %mul3A_1095 = vector.broadcast %squeeze3A_1076 : f32 to vector<16xf32>
        %mul3A_1096 = arith.mulf %mul3A_1095, %get3A_14 : vector<16xf32>
        %swap3A_1097 = arith.constant 1 : i32
        %swap3A_1098 = arith.index_cast %swap3A_1097 : i32 to index
        %swap3A_1099 = arith.index_cast %add3A_1074 : i32 to index
        %swap3A_1100 = arith.constant 32 : index
        %swap3A_1101 = tpu.vector_load %arg9[%swap3A_1098, %swap3A_1099, %swap3A_1100] {strides = array<i32>} : memref<2x512x64xf32, #tpu.memory_space<vmem>>, vector<1x1x16xf32>,
        %swap3A_1102 = vector.shape_cast %swap3A_1101 : vector<1x1x16xf32> to vector<16xf32>
        %swap3A_1103 = vector.shape_cast %mul3A_1096 : vector<16xf32> to vector<1x1x16xf32>
        tpu.vector_store %arg9[%swap3A_1098, %swap3A_1099, %swap3A_1100], %swap3A_1103 {add = true, strides = array<i32>} : memref<2x512x64xf32, #tpu.memory_space<vmem>>, vector<1x1x16xf32>,
        %mul3A_1104 = vector.broadcast %squeeze3A_1076 : f32 to vector<16xf32>
        %mul3A_1105 = arith.mulf %mul3A_1104, %get3A_17 : vector<16xf32>
        %swap3A_1106 = arith.constant 1 : i32
        %swap3A_1107 = arith.index_cast %swap3A_1106 : i32 to index
        %swap3A_1108 = arith.index_cast %add3A_1074 : i32 to index
        %swap3A_1109 = arith.constant 48 : index
        %swap3A_1110 = tpu.vector_load %arg9[%swap3A_1107, %swap3A_1108, %swap3A_1109] {strides = array<i32>} : memref<2x512x64xf32, #tpu.memory_space<vmem>>, vector<1x1x16xf32>,
        %swap3A_1111 = vector.shape_cast %swap3A_1110 : vector<1x1x16xf32> to vector<16xf32>
        %swap3A_1112 = vector.shape_cast %mul3A_1105 : vector<16xf32> to vector<1x1x16xf32>
        tpu.vector_store %arg9[%swap3A_1107, %swap3A_1108, %swap3A_1109], %swap3A_1112 {add = true, strides = array<i32>} : memref<2x512x64xf32, #tpu.memory_space<vmem>>, vector<1x1x16xf32>,
      }
      %scan3A_414 = arith.constant 32 : i32
      %mul3A_415 = arith.constant 512 : i32
      %mul3A_416 = arith.muli %add3A_185, %mul3A_415 : i32
      %add3A_417 = arith.addi %mul3A_2, %mul3A_416 : i32
      %dma_start3A_418 = arith.constant 1 : i32
      %dma_start3A_419 = arith.constant 0 : i32
      %dma_start3A_420 = arith.constant 0 : i32
      %dma_start3A_421 = tpu.memref_slice %arg9[%dma_start3A_418, %dma_start3A_419, %dma_start3A_420] : memref<2x512x64xf32, #tpu.memory_space<vmem>> -> memref<1x512x64xf32, #tpu.memory_space<vmem>>
      %dma_start3A_422 = tpu.memref_squeeze %dma_start3A_421 : memref<1x512x64xf32, #tpu.memory_space<vmem>> -> memref<512x64xf32, #tpu.memory_space<vmem>>
      %dma_start3A_423 = arith.constant 0 : i32
      %dma_start3A_424 = tpu.memref_slice %arg6[%add3A_417, %dma_start3A_423] : memref<819200x128xf32, #tpu.memory_space<hbm>> -> memref<512x64xf32, #tpu.memory_space<hbm>>
      %dma_start3A_425 = arith.constant 0 : i32
      %dma_start3A_426 = tpu.memref_slice %arg6[%add3A_417, %dma_start3A_425] : memref<819200x128xf32, #tpu.memory_space<hbm>> -> memref<512x64xf32, #tpu.memory_space<hbm>>
      %dma_start3A_427 = arith.constant 0 : i32
      %dma_start3A_428 = arith.constant 0 : i32
      %dma_start3A_429 = tpu.memref_slice %arg9[%dma_start3A_418, %dma_start3A_427, %dma_start3A_428] : memref<2x512x64xf32, #tpu.memory_space<vmem>> -> memref<1x512x64xf32, #tpu.memory_space<vmem>>
      %dma_start3A_430 = tpu.memref_squeeze %dma_start3A_429 : memref<1x512x64xf32, #tpu.memory_space<vmem>> -> memref<512x64xf32, #tpu.memory_space<vmem>>
      tpu.enqueue_dma source(%dma_start3A_430 : memref<512x64xf32, #tpu.memory_space<vmem>>) target(%dma_start3A_426 : memref<512x64xf32, #tpu.memory_space<hbm>>) target_semaphore(%arg19 : memref<!tpu.dma_semaphore, #tpu.memory_space<semaphore_mem>>)
      %lt3A_431 = arith.constant 50 : i32
      %lt3A_432 = arith.cmpi slt, %add3A_189, %lt3A_431 : i32
      %convert_element_type3A_433 = arith.extui %lt3A_432 : i1 to i32
      %cond3A_434 = arith.constant 0 : i32
      %cond3A_435 = arith.cmpi ne, %convert_element_type3A_433, %cond3A_434 : i32
      scf.if %cond3A_435 {
        %mul3A_436 = arith.constant 4 : i32
        %mul3A_437 = arith.muli %add3A_189, %mul3A_436 : i32
        %add3A_438 = arith.addi %mul3A_4, %mul3A_437 : i32
        %mul3A_439 = arith.constant 512 : i32
        %mul3A_440 = arith.muli %add3A_189, %mul3A_439 : i32
        %add3A_441 = arith.addi %mul3A_2, %mul3A_440 : i32
        %dma_start3A_442 = arith.constant 1 : i32
        %dma_start3A_443 = arith.constant 0 : i32
        %dma_start3A_444 = arith.constant 0 : i32
        %dma_start3A_445 = tpu.memref_slice %arg7[%dma_start3A_442, %dma_start3A_443, %dma_start3A_444] : memref<2x4x128xi32, #tpu.memory_space<vmem>> -> memref<1x4x128xi32, #tpu.memory_space<vmem>>
        %dma_start3A_446 = tpu.memref_squeeze %dma_start3A_445 : memref<1x4x128xi32, #tpu.memory_space<vmem>> -> memref<4x128xi32, #tpu.memory_space<vmem>>
        %dma_start3A_447 = arith.constant 0 : i32
        %dma_start3A_448 = tpu.memref_slice %arg4[%add3A_438, %dma_start3A_447] : memref<6400x128xi32, #tpu.memory_space<hbm>> -> memref<4x128xi32, #tpu.memory_space<hbm>>
        %dma_start3A_449 = arith.constant 0 : i32
        %dma_start3A_450 = arith.constant 0 : i32
        %dma_start3A_451 = tpu.memref_slice %arg7[%dma_start3A_442, %dma_start3A_449, %dma_start3A_450] : memref<2x4x128xi32, #tpu.memory_space<vmem>> -> memref<1x4x128xi32, #tpu.memory_space<vmem>>
        %dma_start3A_452 = tpu.memref_squeeze %dma_start3A_451 : memref<1x4x128xi32, #tpu.memory_space<vmem>> -> memref<4x128xi32, #tpu.memory_space<vmem>>
        %dma_start3A_453 = arith.constant 0 : i32
        %dma_start3A_454 = tpu.memref_slice %arg4[%add3A_438, %dma_start3A_453] : memref<6400x128xi32, #tpu.memory_space<hbm>> -> memref<4x128xi32, #tpu.memory_space<hbm>>
        tpu.enqueue_dma source(%dma_start3A_454 : memref<4x128xi32, #tpu.memory_space<hbm>>) target(%dma_start3A_452 : memref<4x128xi32, #tpu.memory_space<vmem>>) target_semaphore(%arg13 : memref<!tpu.dma_semaphore, #tpu.memory_space<semaphore_mem>>)
        %dma_start3A_455 = arith.constant 1 : i32
        %dma_start3A_456 = arith.constant 0 : i32
        %dma_start3A_457 = tpu.memref_slice %arg8[%dma_start3A_455, %dma_start3A_456] : memref<2x512xf32, #tpu.memory_space<vmem>> -> memref<1x512xf32, #tpu.memory_space<vmem>>
        %dma_start3A_458 = tpu.memref_squeeze %dma_start3A_457 : memref<1x512xf32, #tpu.memory_space<vmem>> -> memref<512xf32, #tpu.memory_space<vmem>>
        %dma_start3A_459 = tpu.memref_slice %arg5[%add3A_441] : memref<819200xf32, #tpu.memory_space<hbm>> -> memref<512xf32, #tpu.memory_space<hbm>>
        %dma_start3A_460 = arith.constant 0 : i32
        %dma_start3A_461 = tpu.memref_slice %arg8[%dma_start3A_455, %dma_start3A_460] : memref<2x512xf32, #tpu.memory_space<vmem>> -> memref<1x512xf32, #tpu.memory_space<vmem>>
        %dma_start3A_462 = tpu.memref_squeeze %dma_start3A_461 : memref<1x512xf32, #tpu.memory_space<vmem>> -> memref<512xf32, #tpu.memory_space<vmem>>
        %dma_start3A_463 = tpu.memref_slice %arg5[%add3A_441] : memref<819200xf32, #tpu.memory_space<hbm>> -> memref<512xf32, #tpu.memory_space<hbm>>
        tpu.enqueue_dma source(%dma_start3A_463 : memref<512xf32, #tpu.memory_space<hbm>>) target(%dma_start3A_462 : memref<512xf32, #tpu.memory_space<vmem>>) target_semaphore(%arg15 : memref<!tpu.dma_semaphore, #tpu.memory_space<semaphore_mem>>)
      } else {
      }
    }
    %scan3A_150 = arith.constant 25 : i32
    %add3A_151 = arith.constant 24576 : i32
    %add3A_152 = arith.addi %mul3A_2, %add3A_151 : i32
    %dma_wait3A_153 = arith.constant 0 : i32
    %dma_wait3A_154 = arith.constant 0 : i32
    %dma_wait3A_155 = arith.constant 0 : i32
    %dma_wait3A_156 = tpu.memref_slice %arg9[%dma_wait3A_153, %dma_wait3A_154, %dma_wait3A_155] : memref<2x512x64xf32, #tpu.memory_space<vmem>> -> memref<1x512x64xf32, #tpu.memory_space<vmem>>
    %dma_wait3A_157 = tpu.memref_squeeze %dma_wait3A_156 : memref<1x512x64xf32, #tpu.memory_space<vmem>> -> memref<512x64xf32, #tpu.memory_space<vmem>>
    %dma_wait3A_158 = arith.constant 0 : i32
    %dma_wait3A_159 = tpu.memref_slice %arg6[%add3A_152, %dma_wait3A_158] : memref<819200x128xf32, #tpu.memory_space<hbm>> -> memref<512x64xf32, #tpu.memory_space<hbm>>
    %dma_wait3A_160 = arith.constant 0 : i32
    %dma_wait3A_161 = tpu.memref_slice %arg6[%add3A_152, %dma_wait3A_160] : memref<819200x128xf32, #tpu.memory_space<hbm>> -> memref<512x64xf32, #tpu.memory_space<hbm>>
    %dma_wait3A_162 = arith.constant 0 : i32
    %dma_wait3A_163 = arith.constant 0 : i32
    %dma_wait3A_164 = tpu.memref_slice %arg9[%dma_wait3A_153, %dma_wait3A_162, %dma_wait3A_163] : memref<2x512x64xf32, #tpu.memory_space<vmem>> -> memref<1x512x64xf32, #tpu.memory_space<vmem>>
    %dma_wait3A_165 = tpu.memref_squeeze %dma_wait3A_164 : memref<1x512x64xf32, #tpu.memory_space<vmem>> -> memref<512x64xf32, #tpu.memory_space<vmem>>
    tpu.wait_dma2 semaphore(%arg18 : memref<!tpu.dma_semaphore, #tpu.memory_space<semaphore_mem>>) src(%dma_wait3A_165 : memref<512x64xf32, #tpu.memory_space<vmem>>) dst(%dma_wait3A_161 : memref<512x64xf32, #tpu.memory_space<hbm>>)
    %add3A_166 = arith.constant 25088 : i32
    %add3A_167 = arith.addi %mul3A_2, %add3A_166 : i32
    %dma_wait3A_168 = arith.constant 1 : i32
    %dma_wait3A_169 = arith.constant 0 : i32
    %dma_wait3A_170 = arith.constant 0 : i32
    %dma_wait3A_171 = tpu.memref_slice %arg9[%dma_wait3A_168, %dma_wait3A_169, %dma_wait3A_170] : memref<2x512x64xf32, #tpu.memory_space<vmem>> -> memref<1x512x64xf32, #tpu.memory_space<vmem>>
    %dma_wait3A_172 = tpu.memref_squeeze %dma_wait3A_171 : memref<1x512x64xf32, #tpu.memory_space<vmem>> -> memref<512x64xf32, #tpu.memory_space<vmem>>
    %dma_wait3A_173 = arith.constant 0 : i32
    %dma_wait3A_174 = tpu.memref_slice %arg6[%add3A_167, %dma_wait3A_173] : memref<819200x128xf32, #tpu.memory_space<hbm>> -> memref<512x64xf32, #tpu.memory_space<hbm>>
    %dma_wait3A_175 = arith.constant 0 : i32
    %dma_wait3A_176 = tpu.memref_slice %arg6[%add3A_167, %dma_wait3A_175] : memref<819200x128xf32, #tpu.memory_space<hbm>> -> memref<512x64xf32, #tpu.memory_space<hbm>>
    %dma_wait3A_177 = arith.constant 0 : i32
    %dma_wait3A_178 = arith.constant 0 : i32
    %dma_wait3A_179 = tpu.memref_slice %arg9[%dma_wait3A_168, %dma_wait3A_177, %dma_wait3A_178] : memref<2x512x64xf32, #tpu.memory_space<vmem>> -> memref<1x512x64xf32, #tpu.memory_space<vmem>>
    %dma_wait3A_180 = tpu.memref_squeeze %dma_wait3A_179 : memref<1x512x64xf32, #tpu.memory_space<vmem>> -> memref<512x64xf32, #tpu.memory_space<vmem>>
    tpu.wait_dma2 semaphore(%arg19 : memref<!tpu.dma_semaphore, #tpu.memory_space<semaphore_mem>>) src(%dma_wait3A_180 : memref<512x64xf32, #tpu.memory_space<vmem>>) dst(%dma_wait3A_176 : memref<512x64xf32, #tpu.memory_space<hbm>>)
    return
  }
}

module attributes {stable_mosaic.version = 14 : i64} {
  func.func @_prep_body(%arg0: memref<201x56xf32, #tpu.memory_space<vmem>>, %arg1: memref<8x1xf32, #tpu.memory_space<vmem>>, %arg2: memref<1x8xf32, #tpu.memory_space<vmem>>, %arg3: memref<64x64xf32, #tpu.memory_space<vmem>>, %arg4: memref<1x64xf32, #tpu.memory_space<vmem>>, %arg5: memref<201x64xf32, #tpu.memory_space<vmem>>, %arg6: memref<1x64xf32, #tpu.memory_space<vmem>>) attributes {dimension_semantics = [], scalar_prefetch = 0 : i64, scratch_operands = 0 : i64, tpu.core_type = #tpu.core_type<tc>} {
    %get3A = arith.constant 0 : index
    %get3A_0 = arith.constant 0 : index
    %get3A_1 = vector.load %arg3[%get3A, %get3A_0] : memref<64x64xf32, #tpu.memory_space<vmem>>, vector<64x64xf32>
    %slice3A = vector.extract_strided_slice %get3A_1 {offsets = [0, 0], sizes = [64, 56], strides = [1, 1]} : vector<64x64xf32> to vector<64x56xf32>
    %slice3A_2 = vector.extract_strided_slice %get3A_1 {offsets = [0, 56], sizes = [64, 8], strides = [1, 1]} : vector<64x64xf32> to vector<64x8xf32>
    %get3A_3 = arith.constant 0 : index
    %get3A_4 = arith.constant 0 : index
    %get3A_5 = vector.load %arg2[%get3A_3, %get3A_4] : memref<1x8xf32, #tpu.memory_space<vmem>>, vector<1x8xf32>
    %dot_general3A = arith.constant dense<0.000000e+00> : vector<1x64xf32>
    %dot_general3A_6 = tpu.matmul %get3A_5, %slice3A_2, %dot_general3A {dimension_numbers = #tpu.dot_dimension_numbers<[1], [1], [0], [0], [0, 0, 1, 0], [], []>, transpose_lhs_hint = false} : vector<1x8xf32>, vector<64x8xf32>, vector<1x64xf32> -> vector<1x64xf32>
    %get3A_7 = arith.constant 0 : index
    %get3A_8 = arith.constant 0 : index
    %get3A_9 = vector.load %arg4[%get3A_7, %get3A_8] : memref<1x64xf32, #tpu.memory_space<vmem>>, vector<1x64xf32>
    %add3A = arith.addf %dot_general3A_6, %get3A_9 : vector<1x64xf32>
    %get3A_10 = arith.constant 0 : index
    %get3A_11 = arith.constant 0 : index
    %get3A_12 = vector.load %arg0[%get3A_10, %get3A_11] : memref<201x56xf32, #tpu.memory_space<vmem>>, vector<201x56xf32>
    %dot_general3A_13 = arith.constant dense<0.000000e+00> : vector<201x64xf32>
    %dot_general3A_14 = tpu.matmul %get3A_12, %slice3A, %dot_general3A_13 {dimension_numbers = #tpu.dot_dimension_numbers<[1], [1], [0], [0], [0, 0, 1, 0], [], []>, transpose_lhs_hint = false} : vector<201x56xf32>, vector<64x56xf32>, vector<201x64xf32> -> vector<201x64xf32>
    %add3A_15 = vector.broadcast %add3A : vector<1x64xf32> to vector<201x64xf32>
    %add3A_16 = arith.addf %dot_general3A_14, %add3A_15 : vector<201x64xf32>
    %swap3A = arith.constant 0 : index
    %swap3A_17 = arith.constant 0 : index
    %swap3A_18 = vector.load %arg5[%swap3A, %swap3A_17] : memref<201x64xf32, #tpu.memory_space<vmem>>, vector<201x64xf32>
    tpu.vector_store %arg5[%swap3A, %swap3A_17], %add3A_16 {strides = array<i32>} : memref<201x64xf32, #tpu.memory_space<vmem>>, vector<201x64xf32>,
    %get3A_19 = arith.constant 0 : index
    %get3A_20 = arith.constant 0 : index
    %get3A_21 = vector.load %arg1[%get3A_19, %get3A_20] : memref<8x1xf32, #tpu.memory_space<vmem>>, vector<8x1xf32>
    %dot_general3A_22 = arith.constant dense<0.000000e+00> : vector<1x64xf32>
    %dot_general3A_23 = tpu.matmul %get3A_21, %slice3A_2, %dot_general3A_22 {dimension_numbers = #tpu.dot_dimension_numbers<[0], [1], [1], [0], [0, 1, 1, 0], [], []>, transpose_lhs_hint = false} : vector<8x1xf32>, vector<64x8xf32>, vector<1x64xf32> -> vector<1x64xf32>
    %swap3A_24 = arith.constant 0 : index
    %swap3A_25 = arith.constant 0 : index
    %swap3A_26 = vector.load %arg6[%swap3A_24, %swap3A_25] : memref<1x64xf32, #tpu.memory_space<vmem>>, vector<1x64xf32>
    tpu.vector_store %arg6[%swap3A_24, %swap3A_25], %dot_general3A_23 {strides = array<i32>} : memref<1x64xf32, #tpu.memory_space<vmem>>, vector<1x64xf32>,
    return
  }
}

</mosaic_0001>

<sc_bundles>
// kernel: kernel.4.cloned.1.call-start
scs
__scs_entry_jumppad:
0x0: {  	(pc) =	sbr.rel $0x88, $3  }
0x1: {  	(tag) =	ssettag $0x0;
	lr =	simm.s32 $0x1  }
0x2: {  	[smem:$0x3F9A] =	sst lr;
	_ =	strace $0xD0000000  }
0x3: {  	_ = 	snop  }
0x4: {  	_ = 	snop  }
0x5: {  	_ = 	snop  }
0x6: {  	_ = 	snop  }
0x7: {  	_ = 	snop  }
__scs_overlays_trampoline_lowered:
0x8: {  	[smem:$0x3FA9] =	sst s0  }
0x9: {  	[smem:$0x3FAA] =	sst s1  }
0xa: {  	[smem:$0x3FAB] =	sst s2  }
0xb: {  	[smem:$0x3FAC] =	sst s3  }
0xc: {  	[smem:$0x3FAD] =	sst s4  }
0xd: {  	[smem:$0x3FAE] =	sst s5  }
0xe: {  	[smem:$0x3FAF] =	sst s6  }
0xf: {  	[smem:$0x3FB0] =	sst s7  }
0x10: {  	[smem:$0x3FB1] =	sst s8  }
0x11: {  	[smem:$0x3FB2] =	sst s9;
	s0 =	simm.s32 @!p0 $0x0  }
0x12: {  	s1 =	sld [smem:$0x3F98];
	s0 =	simm.s32 @p0 $0x1  }
0x13: {  	[smem:$0x3FB3] =	sst s0;
	s0 =	simm.s32 @!p1 $0x0  }
0x14: {  	s2 =	sld [smem:$0x3F97];
	s0 =	simm.s32 @p1 $0x1  }
0x15: {  	[smem:$0x3FB4] =	sst s0;
	s0 =	simm.s32 @!p2 $0x0  }
0x16: {  	s3 =	sld [smem:$0x3FDB];
	s0 =	simm.s32 @p2 $0x1  }
0x17: {  	s4 =	simm.s32 $0x1BF5;
	[smem:$0x3FB6] =	sst s0  }
0x18: {  	s0 =	sld [smem:$0x3F99];
	_ =	swait.ge [sflag:s4], $0x0  }
0x19: {  	s7 =	sld [smem:$0x3F9A]  }
0x1a: {  	s8 =	sadd.s32 $0xFFFFE003, lr  }
0x1b: {  	s9 =	sadd.s32 $0xFFFFFEF7, lr;
	s5 =	simm.s32 $0xFFFFFFFF;
	p2 =	slt.u32 s8, $0xFFFFF086  }
0x1c: {  	p1 =	slt.u32 s9, $0xF7A;
	s5 =	simm.s32 @!p2 $0x0  }
0x1d: {  	s5 =	simm.s32 @p1 $0x1;
	p0 =	seq.s32 s7, s2  }
0x1e: {  	s7 =	smul.u32 @!p0 $0xF7A, s2;
	p2 =	seq.s32 @!p0 s5, $0x0  }
0x1f: {  	s9 =	smul.u32 $0xF7A, s1;
	s8 =	simm.s32 @!p0 $0x1BF5;
	p2 =	por !p2, p0  }
0x20: {  	[sflag:s8] =	ssyncset.s32 @!p0 $0xFFFFF086;
	s6 =	sadd.s32 @!p0 s3, s7;
	s7 =	simm.s32 @!p0 $0x108  }
0x21: {  	s3 =	sadd.s32 s3, s9;
	s6 =	sadd.s32 @!p0 $0x88, s6;
	s7 =	simm.s32 @p2 $0x1082  }
0x22: {  	[simem:s7], [sflag:s8] =	dma.local @!p0 [hbm:s6], $0xF7A  }
0x23: {  	s9 =	sor.u32 $0xD0000000, s2;
	s6 =	simm.s32 $0x108;
	_ =	swait.ge @!p0 [sflag:s8], $0x0  }
0x24: {  	s3 =	sadd.s32 $0x88, s3;
	s6 =	simm.s32 @!p1 $0x1082;
	[sflag:s4] =	ssyncset.s32 $0xFFFFF086  }
0x25: {  	[simem:s6], [sflag:s4] =	dma.local [hbm:s3], $0xF7A  }
0x26: {  	[smem:$0x3F9A] =	sst s1;
	(tag) =	ssettag s2;
	_ =	strace s9  }
0x27: {  	s1 =	sld [smem:$0x3FAA]  }
0x28: {  	s2 =	sld [smem:$0x3FAB]  }
0x29: {  	s4 =	sld [smem:$0x3FAD]  }
0x2a: {  	p0 =	seq.s32 s5, $0x0;
	s5 =	sld [smem:$0x3FAE]  }
0x2b: {  	s6 =	sld [smem:$0x3FAF]  }
0x2c: {  	s7 =	sld [smem:$0x3FB0]  }
0x2d: {  	s3 =	simm.s32 $0x108;
	s8 =	sld [smem:$0x3FB1]  }
0x2e: {  	s3 =	simm.s32 @!p0 $0x1082;
	s9 =	sld [smem:$0x3FB2]  }
0x2f: {  	lr =	sadd.s32 s0, s3;
	s0 =	sld [smem:$0x3FA9]  }
0x30: {  	s3 =	sld [smem:$0x3FAC]  }
0x31: {  	[smem:$0x3FB5] =	sst s10  }
0x32: {  	s10 =	sld [smem:$0x3FB3];
	_ =	sdelay $0x3  }
0x33: {  	p0 =	seq.s32 s10, $0x1;
	s10 =	sld [smem:$0x3FB5];
	_ =	sdelay $0x3  }
0x34: {  	[smem:$0x3FB5] =	sst s10  }
0x35: {  	s10 =	sld [smem:$0x3FB4];
	_ =	sdelay $0x3  }
0x36: {  	p1 =	seq.s32 s10, $0x1;
	s10 =	sld [smem:$0x3FB5];
	_ =	sdelay $0x3  }
0x37: {  	[smem:$0x3FB5] =	sst s10  }
0x38: {  	s10 =	sld [smem:$0x3FB6]  }
0x39: {  	_ = 	snop;
	(pc) =	sbr.ind lr, $3  }
0x3a: {  	_ = 	snop  }
0x3b: {  	_ = 	snop  }
0x3c: {  	p2 =	seq.s32 s10, $0x1;
	s10 =	sld [smem:$0x3FB5]  }
0x3d: {  	_ =	shalt  }
0x3e: {  	_ =	shalt  }
0x3f: {  	_ =	shalt  }
0x40: {  	_ =	shalt  }
0x41: {  	_ =	shalt  }
0x42: {  	_ =	shalt  }
0x43: {  	_ =	shalt  }
0x44: {  	_ =	shalt  }
0x45: {  	_ =	shalt  }
0x46: {  	_ =	shalt  }
0x47: {  	_ =	shalt  }
0x48: {  	_ =	shalt  }
0x49: {  	_ =	shalt  }
0x4a: {  	_ =	shalt  }
0x4b: {  	_ =	shalt  }
0x4c: {  	_ =	shalt  }
0x4d: {  	_ =	shalt  }
0x4e: {  	_ =	shalt  }
0x4f: {  	_ =	shalt  }
0x50: {  	_ =	shalt  }
0x51: {  	_ =	shalt  }
0x52: {  	_ =	shalt  }
0x53: {  	_ =	shalt  }
0x54: {  	_ =	shalt  }
0x55: {  	_ =	shalt  }
0x56: {  	_ =	shalt  }
0x57: {  	_ =	shalt  }
0x58: {  	_ =	shalt  }
0x59: {  	_ =	shalt  }
0x5a: {  	_ =	shalt  }
0x5b: {  	_ =	shalt  }
0x5c: {  	_ =	shalt  }
0x5d: {  	_ =	shalt  }
0x5e: {  	_ =	shalt  }
0x5f: {  	_ =	shalt  }
0x60: {  	_ =	shalt  }
0x61: {  	_ =	shalt  }
0x62: {  	_ =	shalt  }
0x63: {  	_ =	shalt  }
0x64: {  	_ =	shalt  }
0x65: {  	_ =	shalt  }
0x66: {  	_ =	shalt  }
0x67: {  	_ =	shalt  }
0x68: {  	_ =	shalt  }
0x69: {  	_ =	shalt  }
0x6a: {  	_ =	shalt  }
0x6b: {  	_ =	shalt  }
0x6c: {  	_ =	shalt  }
0x6d: {  	_ =	shalt  }
0x6e: {  	_ =	shalt  }
0x6f: {  	_ =	shalt  }
0x70: {  	_ =	shalt  }
0x71: {  	_ =	shalt  }
0x72: {  	_ =	shalt  }
0x73: {  	_ =	shalt  }
0x74: {  	_ =	shalt  }
0x75: {  	_ =	shalt  }
0x76: {  	_ =	shalt  }
0x77: {  	_ =	shalt  }
0x78: {  	_ =	shalt  }
0x79: {  	_ =	shalt  }
0x7a: {  	_ =	shalt  }
0x7b: {  	_ =	shalt  }
0x7c: {  	_ =	shalt  }
0x7d: {  	_ =	shalt  }
0x7e: {  	_ =	shalt  }
0x7f: {  	_ =	shalt  }
0x80: {  	_ =	shalt  }
0x81: {  	_ =	shalt  }
0x82: {  	_ =	shalt  }
0x83: {  	_ =	shalt  }
0x84: {  	_ =	shalt  }
0x85: {  	_ =	shalt  }
0x86: {  	_ =	shalt  }
0x87: {  	_ =	shalt  }
.Lfunc_end0:
.L_simem_size_0:
called_computation.1_lowered:
.L_overlay_start_0:
0x88: {  	s2 =	sld [smem:$0x3FD9]  }
0x89: {  	s3 =	sld [smem:$0x3FFE];
	_ =	sdelay $0x1  }
0x8a: {  	s1 =	srdreg.scid  }
0x8b: {  	s0 =	sand.u32 $0x1, s1  }
0x8c: {  	s17 =	sshll.u32 s0, $0xA;
	s2 =	sadd.s32 s3, s2  }
0x8d: {  	s2 =	sadd.s32 s2, s17  }
0x8e: {  	[smem:$0x3FC1] =	sst s2  }
0x8f: {  	_ = 	snop  }
0x90: {  	s2 =	sld [smem:$0x3FD0];
	(tm) =	ssettm $0x1  }
0x91: {  	s18 =	sld [smem:$0x3FFB];
	_ =	sdelay $0x3  }
0x92: {  	_ =	strace s18  }
0x93: {  	s3 =	sld [smem:$0x3FFC];
	_ =	sdelay $0x3  }
0x94: {  	_ =	strace s3  }
0x95: {  	s3 =	sld [smem:$0x3FFD];
	_ =	sdelay $0x3  }
0x96: {  	_ =	strace s3  }
0x97: {  	_ =	strace $0x8FFFFFFF  }
0x98: {  	s19 =	sld [smem:$0x3FDB];
	_ =	sdelay $0x1  }
0x99: {  	s4 =	simm.s32 $_scs_section_size  }
0x9a: {  	s5 =	simm.s32 $_size__tile_overlayer_lowered;
	s6 =	simm.s32 $_tile_overlayer_lowered  }
0x9b: {  	s22 =	simm.s32 $0x1BFF;
	s21 =	sshll.u32 s6, $0x1;
	s3 =	sadd.s32 s4, s19  }
0x9c: {  	s7 =	simm.s32 $0x0;
	s20 =	sshll.u32 s5, $0x1;
	s5 =	sadd.s32 s21, s3  }
0x9d: {  	[timem:s7], [sflag:s22] =	dma.local [hbm:s5], s20  }
0x9e: {  	_ =	swait.ge [sflag:s22], s20  }
0x9f: {  	s4 =	ssub.s32 $0x0, s20;
	[sflag:s22] =	ssyncset.done $0x0  }
0xa0: {  	[sflag:s22] =	ssyncadd.s32 s4;
	_ =	sdelay $0x1  }
0xa1: {  	s23 =	simm.s32 $0x1B8B  }
0xa2: {  	_ =	swait.ge [sflag:s23], $0x1  }
0xa3: {  	[sflag:s23] =	ssyncset.done $0x0  }
0xa4: {  	s25 =	simm.s32 $0x1B8E;
	s24 =	sld [smem:$0x3FFE];
	[sflag:s23] =	ssyncadd.s32 $0xFFFFFFFF  }
0xa5: {  	s26 =	simm.s32 $execute0_lowered;
	[smem:$0x3FD2] =	sst s25  }
0xa6: {  	s5 =	sshll.u32 s26, $0x1;
	_ =	strace $0x80000046;
	[dreg:$0x1] =	wrdreg $0xFFFFFFFF  }
0xa7: {  	s28 =	simm.s32 $_size_execute0_lowered;
	s3 =	sadd.s32 s3, s5;
	[dreg:$0x0] =	wrdreg $0x0  }
0xa8: {  	s5 =	sshll.u32 s28, $0x1;
	[dreg:$0x2] =	wrdreg s3  }
0xa9: {  	[dreg:$0x3] =	wrdreg s5  }
0xaa: {  	[dreg:$0x4] =	wrdreg $0xC0  }
0xab: {  	_ =	task [dreg:s7], $0x5FFFF  }
0xac: {  	[dreg:$0x1] =	wrdreg $0xFFFFFFFF  }
0xad: {  	[dreg:$0x0] =	wrdreg $0x60  }
0xae: {  	[dreg:$0x2] =	wrdreg s24  }
0xaf: {  	[dreg:$0x3] =	wrdreg s2  }
0xb0: {  	[dreg:$0x4] =	wrdreg $0x108000  }
0xb1: {  	[dreg:$0x5] =	wrdreg $0x9  }
0xb2: {  	_ =	task.clear_ibuf [dreg:s7], $0x6FFFF;
	_ =	strace $0x90000046  }
0xb3: {  	s29 =	simm.s32 $0x9;
	_ =	strace $0x80000048  }
0xb4: {  	_ =	swait.ge [sflag:s29], $0x1  }
0xb5: {  	[sflag:s29] =	ssyncadd.s32 $0xFFFFFFFF  }
0xb6: {  	_ =	strace $0x90000048  }
0xb7: {  	_ =	sfence  }
0xb8: {  	s30 =	sld [smem:$0x0];
	_ =	sdelay $0x2  }
0xb9: {  	s31 =	sshll.u32 s1, $0xD;
	s1 =	sshrl.u32 s1, $0x2  }
0xba: {  	s3 =	sand.u32 $0x4000, s31;
	s1 =	sadd.s32 s1, s30  }
0xbb: {  	s0 =	sor.u32 s3, s0;
	s1 =	sshll.u32 s1, $0x11  }
0xbc: {  	s0 =	sor.u32 s1, s0  }
0xbd: {  	s0 =	sadd.s32 $0x8F2B, s0  }
0xbe: {  	[sflag:s0] =	ssyncadd.remote.s32 $0x1  }
0xbf: {  	_ =	sfence.sel $0xFFFF  }
0xc0: {  	[dreg:$0x0] =	wrdreg $0xFFFFFFFF;
	(pc) =	sbr.abs _section_cstart, $3  }
0xc1: {  	[dreg:$0x1] =	wrdreg $0xFFFFFFFF  }
0xc2: {  	_ =	task.clear_ibuf [dreg:s7], $0x2FFFF;
	_ =	strace $0x9FFFFFFF  }
0xc3: {  	(tm) =	ssettm $0x7FFFFFFF  }
tec
execute0_lowered:
.L_overlay_start_1:
0x0: {  	(tag) =	ssettag $0x1  }
0x1: {  	s0 =	rddreg [dreg:$0x0]  }
0x2: {  	s1 =	rddreg [dreg:$0x1]  }
0x3: {  	s2 =	rddreg [dreg:$0x2]  }
0x4: {  	s3 =	simm.s32 $0x0;
	s4 =	srdreg.scid;
	s5 =	stileid.u32  }
0x5: {  	s31 =	simm.s32 $0x200;
	s17 =	simm.s32 $0x5;
	s28 =	simm.s32 $0x280  }
0x6: {  	s29 =	simm.s32 $0xA800;
	s30 =	simm.s32 $0x300;
	s15 =	simm.s32 $0x6  }
0x7: {  	s18 =	simm.s32 $0x0;
	[smem:$0x7FF] =	sst s3;
	s4 =	sand.u32 $0x1, s4  }
0x8: {  	s6 =	sshll.u32 s5, $0x1;
	s7 =	sadd.s32 $0x1600, s0;
	s20 =	sadd.s32 $0x1400, s0  }
0x9: {  	p0 =	sne.s32 s5, $0x0;
	s5 =	simm.s32 $0x380;
	s8 =	sor.u32 s4, s6  }
0xa: {  	_ =	strace $0x80000047;
	[dreg:$0x4] =	wrdreg s7;
	s9 =	smul.u32 $0x6400, s8  }
0xb: {  	[dreg:$0x5] =	wrdreg s20;
	s4 =	ssub.s32 $0x2, s4;
	s11 =	smul.u32 $0xC80, s8  }
0xc: {  	s6 =	sadd.s32 $0x1E00, s0;
	s7 =	sadd.s32 $0x1AE00, s0;
	s25 =	smul.u32 $0x64000, s8  }
0xd: {  	s20 =	simm.s32 $0x2;
	s10 =	sshrl.u32 s4, $0x1;
	s12 =	smul.u32 $0x320000, s8  }
0xe: {  	s21 =	ssub.s32 s4, s10;
	s22 =	sshrl.u32 s9, $0x3;
	s23 =	sadd.s32 s1, s11  }
0xf: {  	s13 =	sadd.s32 $0x400, s9;
	s14 =	sadd.s32 $0x600, s9;
	s4 =	sadd.s32 s25, s7  }
0x10: {  	s0 =	smax.u32 s21, $0x1;
	s25 =	simm.s32 $0x4;
	s11 =	simm.s32 $0x40  }
0x11: {  	s24 =	sadd.s32 s6, s22;
	[dreg:$0x6] =	wrdreg s23;
	s10 =	sadd.s32 $0x40, s23  }
.Ltmp0:
0x12: {  	[dreg:$0xa] =	wrdreg s0;
	s16 =	sadd.s32 $0x2000, s4;
	(pc) =	sbr.rel .LBB2_1-.Ltmp0, $4  }
0x13: {  	s0 =	sshrl.u32 @!p0 s2, $0x3;
	s23 =	simm.s32 $0x80;
	[dreg:$0x8] =	wrdreg s10  }
0x14: {  	s4 =	simm.s32 $0xC800;
	[dreg:$0x7] =	wrdreg s24;
	s26 =	sadd.s32 $0x40, s24  }
0x15: {  	[dreg:$0xb] =	wrdreg s0;
	s24 =	simm.s32 $0x800;
	s0 =	simm.s32 $0x600  }
0x16: {  	s10 =	simm.s32 $0xE800;
	[dreg:$0x9] =	wrdreg s26;
	s26 =	simm.s32 $0x8800  }
.LBB2_8:
0x17: {  	s8 =	simm.s32 $0x7  }
0x18: {  	_ =	swait.ge [sflag:s8], $0x8000  }
0x19: {  	[sflag:s8] =	ssyncset.done $0x0  }
0x1a: {  	s9 =	simm.s32 $0x8;
	[sflag:s8] =	ssyncadd.s32 $0xFFFF8000  }
0x1b: {  	_ =	swait.ge [sflag:s9], $0x8000  }
0x1c: {  	s18 =	rddreg [dreg:$0xc]  }
0x1d: {  	s22 =	rddreg [dreg:$0xa];
	s18 =	sadd.s32 $0x1, s18  }
0x1e: {  	p1 =	sne.s32 s18, s22  }
.Ltmp1:
0x1f: {  	_ = 	snop;
	(pc) =	sbr.rel @!p1 .LBB2_9-.Ltmp1, $3  }
0x20: {  	_ =	sdelay $0x1  }
0x21: {  	[sflag:s9] =	ssyncset.done $0x0  }
0x22: {  	[sflag:s9] =	ssyncadd.s32 $0xFFFF8000  }
.LBB2_1:
0x23: {  	[dreg:$0xc] =	wrdreg s18  }
0x24: {  	s8 =	rddreg [dreg:$0x5];
	s9 =	simm.s32 $0x10B28;
	s18 =	simm.s32 $0x9  }
0x25: {  	[tilespmem:s9], [sflag:$0x9] =	stream.linear.gather [hbm4b:s8+s3], $0x40, $0x38;
	[tilespmem:$0x10B68] =	vst v63  }
0x26: {  	_ =	swait.ge [sflag:s18], $0x40  }
0x27: {  	[sflag:s18] =	ssyncset.done $0x0;
	s9 =	rddreg [dreg:$0x4]  }
0x28: {  	s8 =	simm.s32 @!p0 $0x1C09;
	[sflag:s18] =	ssyncadd.s32 $0xFFFFFFC0;
	s18 =	rddreg [dreg:$0xb]  }
0x29: {  	[spmem:s18], [sflag:s8] =	dma.local @!p0 [hbm:s9], $0x648  }
0x2a: {  	s8 =	simm.s32 @!p0 $0x9  }
0x2b: {  	_ =	swait.ge @!p0 [sflag:s8], $0x648  }
0x2c: {  	[sflag:s8] =	ssyncset.done @!p0 $0x0  }
0x2d: {  	[sflag:s8] =	ssyncadd.s32 @!p0 $0xFFFFF9B8  }
0x2e: {  	[bflag:$0x0] =	sbarrier.arrive $0xFFFF  }
0x2f: {  	v0 =	vld [tilespmem:$0x10B28]  }
0x30: {  	v1 =	vld [tilespmem:$0x10B38]  }
0x31: {  	v2 =	vld [tilespmem:$0x10B48];
	s19 =	rddreg [dreg:$0x6]  }
0x32: {  	v3 =	vld [tilespmem:$0x10B58];
	[tilespmem:s3], [sflag:$0x1] =	stream.linear.gather [hbm4b:s19+s3], $0x200, $0x38  }
0x33: {  	s22 =	simm.s32 $0x400;
	s9 =	simm.s32 $0x1;
	s21 =	rddreg [dreg:$0x7]  }
0x34: {  	[tilespmem:s22], [sflag:$0x3] =	stream.linear.gather [hbm4b:s21+s3], $0x200, $0x38;
	[tilespmem:$0x10B68] =	vst v63  }
0x35: {  	_ =	swait.ge [sflag:s9], $0x200  }
0x36: {  	[sflag:s9] =	ssyncset.done $0x0  }
0x37: {  	s18 =	simm.s32 $0x3;
	[sflag:s9] =	ssyncadd.s32 $0xFFFFFE00  }
0x38: {  	_ =	swait.ge [sflag:s18], $0x200  }
0x39: {  	[sflag:s18] =	ssyncset.done $0x0  }
0x3a: {  	[sflag:s18] =	ssyncadd.s32 $0xFFFFFE00  }
0x3b: {  	[tilespmem:s24], [sflag:$0x5] =	stream.indirect.gather [spmem:s2], $0x40, s3, s23, $0xb8;
	[tilespmem:$0x10B68] =	vst v63  }
0x3c: {  	s19 =	simm.s32 $0x2800  }
0x3d: {  	[tilespmem:s19], [sflag:$0x5] =	stream.indirect.gather [spmem:s2], $0x40, s23, s23, $0xb8;
	[tilespmem:$0x10B68] =	vst v63  }
0x3e: {  	s21 =	simm.s32 $0x100;
	s22 =	simm.s32 $0x4800  }
0x3f: {  	[tilespmem:s22], [sflag:$0x5] =	stream.indirect.gather [spmem:s2], $0x40, s21, s23, $0xb8;
	[tilespmem:$0x10B68] =	vst v63  }
0x40: {  	s18 =	simm.s32 $0x180;
	s19 =	simm.s32 $0x6800  }
0x41: {  	[tilespmem:s19], [sflag:$0x5] =	stream.indirect.gather [spmem:s2], $0x40, s18, s23, $0xb8;
	[tilespmem:$0x10B68] =	vst v63  }
0x42: {  	s21 =	rddreg [dreg:$0x8]  }
0x43: {  	[tilespmem:s31], [sflag:$0x2] =	stream.linear.gather [hbm4b:s21+s3], $0x200, $0x38;
	[tilespmem:$0x10B68] =	vst v63  }
0x44: {  	s22 =	rddreg [dreg:$0x9];
	s18 =	simm.s32 $0x0  }
0x45: {  	[tilespmem:s0], [sflag:$0x4] =	stream.linear.gather [hbm4b:s22+s3], $0x200, $0x38;
	[tilespmem:$0x10B68] =	vst v63  }
.LBB2_2:
0x46: {  	_ =	swait.ge [sflag:s17], $0x2000  }
0x47: {  	[sflag:s17] =	ssyncset.done $0x0  }
0x48: {  	[sflag:s17] =	ssyncadd.s32 $0xFFFFE000  }
0x49: {  	_ =	swait.ge [sflag:s17], $0x2000  }
0x4a: {  	[sflag:s17] =	ssyncset.done $0x0  }
0x4b: {  	[sflag:s17] =	ssyncadd.s32 $0xFFFFE000  }
0x4c: {  	_ =	swait.ge [sflag:s17], $0x2000  }
0x4d: {  	[sflag:s17] =	ssyncset.done $0x0  }
0x4e: {  	[sflag:s17] =	ssyncadd.s32 $0xFFFFE000  }
0x4f: {  	_ =	swait.ge [sflag:s17], $0x2000  }
0x50: {  	[sflag:s17] =	ssyncset.done $0x0  }
0x51: {  	[sflag:s17] =	ssyncadd.s32 $0xFFFFE000  }
0x52: {  	_ =	swait.ge [sflag:s20], $0x200  }
0x53: {  	[sflag:s20] =	ssyncset.done $0x0  }
0x54: {  	[sflag:s20] =	ssyncadd.s32 $0xFFFFFE00  }
0x55: {  	_ =	swait.ge [sflag:s25], $0x200  }
0x56: {  	p1 =	seq.s32 s18, $0x0;
	[sflag:s25] =	ssyncset.done $0x0  }
0x57: {  	s8 =	simm.s32 @!p1 $0x8;
	[sflag:s25] =	ssyncadd.s32 $0xFFFFFE00  }
0x58: {  	_ =	swait.ge @!p1 [sflag:s8], $0x8000  }
0x59: {  	[sflag:s8] =	ssyncset.done @!p1 $0x0  }
0x5a: {  	[sflag:s8] =	ssyncadd.s32 @!p1 $0xFFFF8000  }
0x5b: {  	[tilespmem:s26], [sflag:$0x6] =	stream.indirect.gather [spmem:s2], $0x40, s31, s23, $0xb8;
	[tilespmem:$0x10B68] =	vst v63  }
0x5c: {  	_ = 	snop  }
0x5d: {  	[tilespmem:s29], [sflag:$0x6] =	stream.indirect.gather [spmem:s2], $0x40, s28, s23, $0xb8;
	[tilespmem:$0x10B68] =	vst v63  }
0x5e: {  	_ = 	snop  }
0x5f: {  	[tilespmem:s4], [sflag:$0x6] =	stream.indirect.gather [spmem:s2], $0x40, s30, s23, $0xb8;
	[tilespmem:$0x10B68] =	vst v63  }
0x60: {  	s22 =	simm.s32 $0x400  }
0x61: {  	[tilespmem:s10], [sflag:$0x6] =	stream.indirect.gather [spmem:s2], $0x40, s5, s23, $0xb8;
	[tilespmem:$0x10B68] =	vst v63  }
0x62: {  	s21 =	sshll.u32 s18, $0xA;
	s19 =	simm.s32 $0x0;
	s8 =	simm.s32 $0x1000;
	v4 =	vld [tilespmem:s22+$0x0]  }
.LBB2_3:
0x63: {  	p1 =	sne.s32 s8, $0x1F000;
	_ =	sdelay $0x3  }
0x64: {  	v5 =	vbroadcast v4, $0x0;
	v6 =	vbroadcast v4, $0x1  }
0x65: {  	v7 =	vbroadcast v4, $0x2;
	v8 =	vbroadcast v4, $0x3  }
0x66: {  	v9 =	vmul.f32 v5, v0;
	v10 =	vmul.f32 v5, v1  }
0x67: {  	s9 =	sshra.s32 s19, $0x2;
	s19 =	smov.u32 s8;
	v11 =	vmul.f32 v5, v2;
	v5 =	vmul.f32 v5, v3  }
0x68: {  	v12 =	vmul.f32 v6, v1;
	[tilespmem:s9+$0x800] =	vst.add.f32.msk $0xffff, v9;
	v9 =	vmul.f32 v6, v0  }
0x69: {  	[tilespmem:s9+$0x810] =	vst.add.f32.msk $0xffff, v10;
	v10 =	vmul.f32 v6, v2;
	v6 =	vmul.f32 v6, v3  }
0x6a: {  	v13 =	vmul.f32 v7, v1;
	[tilespmem:s9+$0x820] =	vst.add.f32.msk $0xffff, v11;
	v11 =	vmul.f32 v7, v0  }
0x6b: {  	[tilespmem:s9+$0x830] =	vst.add.f32.msk $0xffff, v5;
	v5 =	vmul.f32 v7, v2;
	v7 =	vmul.f32 v7, v3  }
0x6c: {  	v14 =	vmul.f32 v8, v1;
	[tilespmem:s9+$0x840] =	vst.add.f32.msk $0xffff, v9;
	v9 =	vmul.f32 v8, v0  }
0x6d: {  	[tilespmem:s9+$0x850] =	vst.add.f32.msk $0xffff, v12;
	v12 =	vmul.f32 v8, v2;
	v8 =	vmul.f32 v8, v3  }
0x6e: {  	v15 =	vbroadcast v4, $0x5;
	[tilespmem:s9+$0x860] =	vst.add.f32.msk $0xffff, v10;
	v10 =	vbroadcast v4, $0x4  }
0x6f: {  	v16 =	vbroadcast v4, $0x7;
	[tilespmem:s9+$0x870] =	vst.add.f32.msk $0xffff, v6;
	v6 =	vbroadcast v4, $0x6  }
0x70: {  	[tilespmem:s9+$0x880] =	vst.add.f32.msk $0xffff, v11;
	v11 =	vmul.f32 v10, v0;
	v17 =	vmul.f32 v10, v1  }
0x71: {  	[tilespmem:s9+$0x890] =	vst.add.f32.msk $0xffff, v13;
	v13 =	vmul.f32 v10, v2;
	v10 =	vmul.f32 v10, v3  }
0x72: {  	v18 =	vmul.f32 v15, v1;
	[tilespmem:s9+$0x8A0] =	vst.add.f32.msk $0xffff, v5;
	v5 =	vmul.f32 v15, v0  }
0x73: {  	[tilespmem:s9+$0x8B0] =	vst.add.f32.msk $0xffff, v7;
	v7 =	vmul.f32 v15, v2;
	v15 =	vmul.f32 v15, v3  }
0x74: {  	v19 =	vmul.f32 v6, v1;
	[tilespmem:s9+$0x8C0] =	vst.add.f32.msk $0xffff, v9;
	v9 =	vmul.f32 v6, v0  }
0x75: {  	[tilespmem:s9+$0x8D0] =	vst.add.f32.msk $0xffff, v14;
	v14 =	vmul.f32 v6, v2;
	v6 =	vmul.f32 v6, v3  }
0x76: {  	v20 =	vmul.f32 v16, v1;
	[tilespmem:s9+$0x8E0] =	vst.add.f32.msk $0xffff, v12;
	v12 =	vmul.f32 v16, v0  }
0x77: {  	[tilespmem:s9+$0x8F0] =	vst.add.f32.msk $0xffff, v8;
	v8 =	vmul.f32 v16, v2;
	v16 =	vmul.f32 v16, v3  }
0x78: {  	v21 =	vbroadcast v4, $0x9;
	[tilespmem:s9+$0x900] =	vst.add.f32.msk $0xffff, v11;
	v11 =	vbroadcast v4, $0x8  }
0x79: {  	v22 =	vbroadcast v4, $0xB;
	[tilespmem:s9+$0x910] =	vst.add.f32.msk $0xffff, v17;
	v17 =	vbroadcast v4, $0xA  }
0x7a: {  	[tilespmem:s9+$0x920] =	vst.add.f32.msk $0xffff, v13;
	v13 =	vmul.f32 v11, v0;
	v23 =	vmul.f32 v11, v1  }
0x7b: {  	[tilespmem:s9+$0x930] =	vst.add.f32.msk $0xffff, v10;
	v10 =	vmul.f32 v11, v2;
	v11 =	vmul.f32 v11, v3  }
0x7c: {  	v24 =	vmul.f32 v21, v1;
	[tilespmem:s9+$0x940] =	vst.add.f32.msk $0xffff, v5;
	v5 =	vmul.f32 v21, v0  }
0x7d: {  	[tilespmem:s9+$0x950] =	vst.add.f32.msk $0xffff, v18;
	v18 =	vmul.f32 v21, v2;
	v21 =	vmul.f32 v21, v3  }
0x7e: {  	v25 =	vmul.f32 v17, v1;
	[tilespmem:s9+$0x960] =	vst.add.f32.msk $0xffff, v7;
	v7 =	vmul.f32 v17, v0  }
0x7f: {  	[tilespmem:s9+$0x970] =	vst.add.f32.msk $0xffff, v15;
	v15 =	vmul.f32 v17, v2;
	v17 =	vmul.f32 v17, v3  }
0x80: {  	v26 =	vmul.f32 v22, v1;
	[tilespmem:s9+$0x980] =	vst.add.f32.msk $0xffff, v9;
	v9 =	vmul.f32 v22, v0  }
0x81: {  	[tilespmem:s9+$0x990] =	vst.add.f32.msk $0xffff, v19;
	v19 =	vmul.f32 v22, v2;
	v22 =	vmul.f32 v22, v3  }
0x82: {  	v27 =	vbroadcast v4, $0xD;
	[tilespmem:s9+$0x9A0] =	vst.add.f32.msk $0xffff, v14;
	v14 =	vbroadcast v4, $0xC  }
0x83: {  	[tilespmem:s9+$0x9B0] =	vst.add.f32.msk $0xffff, v6;
	v6 =	vbroadcast v4, $0xE;
	v4 =	vbroadcast v4, $0xF  }
0x84: {  	[tilespmem:s9+$0x9C0] =	vst.add.f32.msk $0xffff, v12;
	v12 =	vmul.f32 v14, v0;
	v28 =	vmul.f32 v14, v1  }
0x85: {  	[tilespmem:s9+$0x9D0] =	vst.add.f32.msk $0xffff, v20;
	v20 =	vmul.f32 v14, v2;
	v14 =	vmul.f32 v14, v3  }
0x86: {  	v29 =	vmul.f32 v27, v1;
	[tilespmem:s9+$0x9E0] =	vst.add.f32.msk $0xffff, v8;
	v8 =	vmul.f32 v27, v0  }
0x87: {  	[tilespmem:s9+$0x9F0] =	vst.add.f32.msk $0xffff, v16;
	v16 =	vmul.f32 v27, v2;
	v27 =	vmul.f32 v27, v3  }
0x88: {  	v30 =	vmul.f32 v6, v1;
	[tilespmem:s9+$0xA00] =	vst.add.f32.msk $0xffff, v13;
	v13 =	vmul.f32 v6, v0  }
0x89: {  	[tilespmem:s9+$0xA10] =	vst.add.f32.msk $0xffff, v23;
	v23 =	vmul.f32 v6, v2;
	v6 =	vmul.f32 v6, v3  }
0x8a: {  	v31 =	vmul.f32 v4, v1;
	[tilespmem:s9+$0xA20] =	vst.add.f32.msk $0xffff, v10;
	v10 =	vmul.f32 v4, v0  }
0x8b: {  	[tilespmem:s9+$0xA30] =	vst.add.f32.msk $0xffff, v11;
	v11 =	vmul.f32 v4, v2;
	v4 =	vmul.f32 v4, v3  }
0x8c: {  	[tilespmem:s9+$0xA40] =	vst.add.f32.msk $0xffff, v5  }
0x8d: {  	[tilespmem:s9+$0xA50] =	vst.add.f32.msk $0xffff, v24  }
0x8e: {  	[tilespmem:s9+$0xA60] =	vst.add.f32.msk $0xffff, v18  }
0x8f: {  	[tilespmem:s9+$0xA70] =	vst.add.f32.msk $0xffff, v21  }
0x90: {  	[tilespmem:s9+$0xA80] =	vst.add.f32.msk $0xffff, v7  }
0x91: {  	[tilespmem:s9+$0xA90] =	vst.add.f32.msk $0xffff, v25  }
0x92: {  	[tilespmem:s9+$0xAA0] =	vst.add.f32.msk $0xffff, v15  }
0x93: {  	[tilespmem:s9+$0xAB0] =	vst.add.f32.msk $0xffff, v17  }
0x94: {  	[tilespmem:s9+$0xAC0] =	vst.add.f32.msk $0xffff, v9  }
0x95: {  	[tilespmem:s9+$0xAD0] =	vst.add.f32.msk $0xffff, v26  }
0x96: {  	[tilespmem:s9+$0xAE0] =	vst.add.f32.msk $0xffff, v19  }
0x97: {  	[tilespmem:s9+$0xAF0] =	vst.add.f32.msk $0xffff, v22  }
0x98: {  	[tilespmem:s9+$0xB00] =	vst.add.f32.msk $0xffff, v12  }
0x99: {  	[tilespmem:s9+$0xB10] =	vst.add.f32.msk $0xffff, v28  }
0x9a: {  	[tilespmem:s9+$0xB20] =	vst.add.f32.msk $0xffff, v20  }
0x9b: {  	[tilespmem:s9+$0xB30] =	vst.add.f32.msk $0xffff, v14  }
0x9c: {  	[tilespmem:s9+$0xB40] =	vst.add.f32.msk $0xffff, v8  }
0x9d: {  	[tilespmem:s9+$0xB50] =	vst.add.f32.msk $0xffff, v29  }
0x9e: {  	[tilespmem:s9+$0xB60] =	vst.add.f32.msk $0xffff, v16  }
0x9f: {  	[tilespmem:s9+$0xB70] =	vst.add.f32.msk $0xffff, v27  }
0xa0: {  	[tilespmem:s9+$0xB80] =	vst.add.f32.msk $0xffff, v13  }
0xa1: {  	[tilespmem:s9+$0xB90] =	vst.add.f32.msk $0xffff, v30  }
0xa2: {  	[tilespmem:s9+$0xBA0] =	vst.add.f32.msk $0xffff, v23  }
0xa3: {  	[tilespmem:s9+$0xBB0] =	vst.add.f32.msk $0xffff, v6  }
.Ltmp2:
0xa4: {  	[tilespmem:s9+$0xBC0] =	vst.add.f32.msk $0xffff, v10;
	(pc) =	sbr.rel @p1 .LBB2_3-.Ltmp2, $4  }
0xa5: {  	[tilespmem:s9+$0xBD0] =	vst.add.f32.msk $0xffff, v31  }
0xa6: {  	[tilespmem:s9+$0xBE0] =	vst.add.f32.msk $0xffff, v11  }
0xa7: {  	s22 =	sadd.s32 $0x10, s22;
	[tilespmem:s9+$0xBF0] =	vst.add.f32.msk $0xffff, v4  }
0xa8: {  	s8 =	sadd.s32 $0x1000, s8;
	v4 =	vld [tilespmem:s22+$0x0]  }
0xa9: {  	_ =	sdelay $0x3  }
0xaa: {  	v5 =	vbroadcast v4, $0x0;
	_ =	sdelay $0x1  }
0xab: {  	v6 =	vmul.f32 v5, v0  }
0xac: {  	s8 =	sshra.s32 s19, $0x2;
	v7 =	vmul.f32 v5, v1  }
0xad: {  	v8 =	vbroadcast v4, $0x1;
	v9 =	vmul.f32 v5, v2;
	[tilespmem:s8+$0x800] =	vst.add.f32.msk $0xffff, v6  }
0xae: {  	v45 =	vbroadcast v4, $0x4;
	v5 =	vmul.f32 v5, v3;
	[tilespmem:s8+$0x810] =	vst.add.f32.msk $0xffff, v7  }
0xaf: {  	v52 =	vbroadcast v4, $0x8;
	v41 =	vmul.f32 v8, v2;
	[tilespmem:s8+$0x820] =	vst.add.f32.msk $0xffff, v9  }
0xb0: {  	v59 =	vbroadcast v4, $0xC;
	v46 =	vmul.f32 v45, v2;
	[tilespmem:s8+$0x830] =	vst.add.f32.msk $0xffff, v5  }
0xb1: {  	v53 =	vmul.f32 v52, v2;
	[tilespmem:s8+$0x860] =	vst.add.f32.msk $0xffff, v41  }
0xb2: {  	v60 =	vmul.f32 v59, v2;
	[tilespmem:s8+$0x920] =	vst.add.f32.msk $0xffff, v46  }
0xb3: {  	v6 =	vmul.f32 v8, v0;
	[tilespmem:s8+$0xA20] =	vst.add.f32.msk $0xffff, v53  }
0xb4: {  	v7 =	vmul.f32 v8, v1;
	v5 =	vbroadcast v4, $0x2;
	[tilespmem:s8+$0xB20] =	vst.add.f32.msk $0xffff, v60  }
0xb5: {  	[tilespmem:s8+$0x840] =	vst.add.f32.msk $0xffff, v6;
	v6 =	vmul.f32 v8, v3  }
0xb6: {  	[tilespmem:s8+$0x850] =	vst.add.f32.msk $0xffff, v7;
	v7 =	vmul.f32 v5, v0  }
0xb7: {  	v42 =	vmul.f32 v5, v1;
	[tilespmem:s8+$0x870] =	vst.add.f32.msk $0xffff, v6  }
0xb8: {  	v43 =	vmul.f32 v5, v2;
	v6 =	vbroadcast v4, $0x3;
	[tilespmem:s8+$0x880] =	vst.add.f32.msk $0xffff, v7  }
0xb9: {  	v5 =	vmul.f32 v5, v3;
	[tilespmem:s8+$0x890] =	vst.add.f32.msk $0xffff, v42  }
0xba: {  	[tilespmem:s8+$0x8A0] =	vst.add.f32.msk $0xffff, v43;
	v7 =	vmul.f32 v6, v0  }
0xbb: {  	[tilespmem:s8+$0x8B0] =	vst.add.f32.msk $0xffff, v5;
	v44 =	vmul.f32 v6, v1  }
0xbc: {  	v5 =	vmul.f32 v6, v2;
	[tilespmem:s8+$0x8C0] =	vst.add.f32.msk $0xffff, v7  }
0xbd: {  	v6 =	vmul.f32 v6, v3;
	[tilespmem:s8+$0x8D0] =	vst.add.f32.msk $0xffff, v44  }
0xbe: {  	v7 =	vmul.f32 v45, v0;
	[tilespmem:s8+$0x8E0] =	vst.add.f32.msk $0xffff, v5  }
0xbf: {  	v5 =	vmul.f32 v45, v1;
	[tilespmem:s8+$0x8F0] =	vst.add.f32.msk $0xffff, v6;
	v6 =	vbroadcast v4, $0x5  }
0xc0: {  	[tilespmem:s8+$0x900] =	vst.add.f32.msk $0xffff, v7;
	v7 =	vmul.f32 v45, v3  }
0xc1: {  	[tilespmem:s8+$0x910] =	vst.add.f32.msk $0xffff, v5;
	v5 =	vmul.f32 v6, v0  }
0xc2: {  	v47 =	vmul.f32 v6, v1;
	[tilespmem:s8+$0x930] =	vst.add.f32.msk $0xffff, v7  }
0xc3: {  	v48 =	vmul.f32 v6, v2;
	v7 =	vbroadcast v4, $0x6;
	[tilespmem:s8+$0x940] =	vst.add.f32.msk $0xffff, v5  }
0xc4: {  	v5 =	vmul.f32 v6, v3;
	[tilespmem:s8+$0x950] =	vst.add.f32.msk $0xffff, v47  }
0xc5: {  	[tilespmem:s8+$0x960] =	vst.add.f32.msk $0xffff, v48;
	v6 =	vmul.f32 v7, v0  }
0xc6: {  	v49 =	vmul.f32 v7, v1;
	[tilespmem:s8+$0x970] =	vst.add.f32.msk $0xffff, v5  }
0xc7: {  	v5 =	vbroadcast v4, $0x7;
	v50 =	vmul.f32 v7, v2;
	[tilespmem:s8+$0x980] =	vst.add.f32.msk $0xffff, v6  }
0xc8: {  	v6 =	vmul.f32 v7, v3;
	[tilespmem:s8+$0x990] =	vst.add.f32.msk $0xffff, v49  }
0xc9: {  	v7 =	vmul.f32 v5, v0;
	[tilespmem:s8+$0x9A0] =	vst.add.f32.msk $0xffff, v50  }
0xca: {  	v51 =	vmul.f32 v5, v1;
	[tilespmem:s8+$0x9B0] =	vst.add.f32.msk $0xffff, v6  }
0xcb: {  	v6 =	vmul.f32 v5, v2;
	[tilespmem:s8+$0x9C0] =	vst.add.f32.msk $0xffff, v7  }
0xcc: {  	v5 =	vmul.f32 v5, v3;
	[tilespmem:s8+$0x9D0] =	vst.add.f32.msk $0xffff, v51  }
0xcd: {  	v7 =	vmul.f32 v52, v0;
	[tilespmem:s8+$0x9E0] =	vst.add.f32.msk $0xffff, v6  }
0xce: {  	v6 =	vmul.f32 v52, v1;
	[tilespmem:s8+$0x9F0] =	vst.add.f32.msk $0xffff, v5;
	v5 =	vbroadcast v4, $0x9  }
0xcf: {  	[tilespmem:s8+$0xA00] =	vst.add.f32.msk $0xffff, v7;
	v7 =	vmul.f32 v52, v3  }
0xd0: {  	[tilespmem:s8+$0xA10] =	vst.add.f32.msk $0xffff, v6;
	v6 =	vmul.f32 v5, v0  }
0xd1: {  	v54 =	vmul.f32 v5, v1;
	[tilespmem:s8+$0xA30] =	vst.add.f32.msk $0xffff, v7  }
0xd2: {  	v7 =	vbroadcast v4, $0xA;
	v55 =	vmul.f32 v5, v2;
	[tilespmem:s8+$0xA40] =	vst.add.f32.msk $0xffff, v6  }
0xd3: {  	v5 =	vmul.f32 v5, v3;
	[tilespmem:s8+$0xA50] =	vst.add.f32.msk $0xffff, v54  }
0xd4: {  	v6 =	vmul.f32 v7, v0;
	[tilespmem:s8+$0xA60] =	vst.add.f32.msk $0xffff, v55  }
0xd5: {  	v56 =	vmul.f32 v7, v1;
	[tilespmem:s8+$0xA70] =	vst.add.f32.msk $0xffff, v5  }
0xd6: {  	v5 =	vbroadcast v4, $0xB;
	v57 =	vmul.f32 v7, v2;
	[tilespmem:s8+$0xA80] =	vst.add.f32.msk $0xffff, v6  }
0xd7: {  	v6 =	vmul.f32 v7, v3;
	[tilespmem:s8+$0xA90] =	vst.add.f32.msk $0xffff, v56  }
0xd8: {  	v7 =	vmul.f32 v5, v0;
	[tilespmem:s8+$0xAA0] =	vst.add.f32.msk $0xffff, v57  }
0xd9: {  	v58 =	vmul.f32 v5, v1;
	[tilespmem:s8+$0xAB0] =	vst.add.f32.msk $0xffff, v6  }
0xda: {  	v6 =	vmul.f32 v5, v2;
	[tilespmem:s8+$0xAC0] =	vst.add.f32.msk $0xffff, v7  }
0xdb: {  	v5 =	vmul.f32 v5, v3;
	[tilespmem:s8+$0xAD0] =	vst.add.f32.msk $0xffff, v58  }
0xdc: {  	v7 =	vmul.f32 v59, v0;
	[tilespmem:s8+$0xAE0] =	vst.add.f32.msk $0xffff, v6  }
0xdd: {  	v6 =	vmul.f32 v59, v1;
	[tilespmem:s8+$0xAF0] =	vst.add.f32.msk $0xffff, v5;
	v5 =	vbroadcast v4, $0xD  }
0xde: {  	[tilespmem:s8+$0xB00] =	vst.add.f32.msk $0xffff, v7;
	v7 =	vmul.f32 v59, v3  }
0xdf: {  	[tilespmem:s8+$0xB10] =	vst.add.f32.msk $0xffff, v6;
	v6 =	vmul.f32 v5, v0  }
0xe0: {  	v61 =	vmul.f32 v5, v1;
	[tilespmem:s8+$0xB30] =	vst.add.f32.msk $0xffff, v7  }
0xe1: {  	v7 =	vbroadcast v4, $0xE;
	v62 =	vmul.f32 v5, v2;
	[tilespmem:s8+$0xB40] =	vst.add.f32.msk $0xffff, v6  }
0xe2: {  	v5 =	vmul.f32 v5, v3;
	[tilespmem:s8+$0xB50] =	vst.add.f32.msk $0xffff, v61  }
0xe3: {  	v6 =	vmul.f32 v7, v0;
	[tilespmem:s8+$0xB60] =	vst.add.f32.msk $0xffff, v62  }
0xe4: {  	v63 =	vmul.f32 v7, v1;
	[tilespmem:s8+$0xB70] =	vst.add.f32.msk $0xffff, v5  }
0xe5: {  	v4 =	vbroadcast v4, $0xF;
	v5 =	vmul.f32 v7, v2;
	[tilespmem:s8+$0xB80] =	vst.add.f32.msk $0xffff, v6  }
0xe6: {  	v6 =	vmul.f32 v7, v3;
	[tilespmem:s8+$0xB90] =	vst.add.f32.msk $0xffff, v63  }
0xe7: {  	v7 =	vmul.f32 v4, v0;
	[tilespmem:s8+$0xBA0] =	vst.add.f32.msk $0xffff, v5  }
0xe8: {  	v5 =	vmul.f32 v4, v1;
	[tilespmem:s8+$0xBB0] =	vst.add.f32.msk $0xffff, v6  }
0xe9: {  	s9 =	sshll.u32 s18, $0x11;
	v6 =	vmul.f32 v4, v2;
	[tilespmem:s8+$0xBC0] =	vst.add.f32.msk $0xffff, v7  }
0xea: {  	s9 =	sadd.s32 s12, s9;
	v4 =	vmul.f32 v4, v3;
	[tilespmem:s8+$0xBD0] =	vst.add.f32.msk $0xffff, v5  }
0xeb: {  	p1 =	seq.s32 s18, $0x18;
	s9 =	sshrl.u32 s9, $0x3;
	[tilespmem:s8+$0xBE0] =	vst.add.f32.msk $0xffff, v6  }
0xec: {  	s22 =	sadd.s32 s7, s9;
	[tilespmem:s8+$0xBF0] =	vst.add.f32.msk $0xffff, v4;
	s8 =	sadd.s32 @!p1 s21, s13  }
0xed: {  	[hbm4b:s22+s11] =	stream.strided.scatter [tilespmem:s24], [sflag:$0x7], $0x8000, s23, s11, $0x38;
	[tilespmem:$0x10B68] =	vst v63  }
0xee: {  	s8 =	sshrl.u32 @!p1 s8, $0x3  }
0xef: {  	s19 =	simm.s32 @!p1 $0x0;
	s9 =	sadd.s32 @!p1 s1, s8  }
0xf0: {  	[tilespmem:s19], [sflag:$0x1] =	stream.linear.gather @!p1 [hbm4b:s9+s19], $0x200, $0x38;
	[tilespmem:$0x10B68] =	vst v63  }
0xf1: {  	s8 =	sadd.s32 @!p1 s6, s8;
	s9 =	simm.s32 @!p1 $0x400  }
0xf2: {  	[tilespmem:s9], [sflag:$0x3] =	stream.linear.gather @!p1 [hbm4b:s8+s19], $0x200, $0x38;
	[tilespmem:$0x10B68] =	vst v63  }
0xf3: {  	_ =	swait.ge [sflag:s15], $0x2000  }
0xf4: {  	[sflag:s15] =	ssyncset.done $0x0  }
0xf5: {  	[sflag:s15] =	ssyncadd.s32 $0xFFFFE000  }
0xf6: {  	_ =	swait.ge [sflag:s15], $0x2000  }
0xf7: {  	[sflag:s15] =	ssyncset.done $0x0  }
0xf8: {  	[sflag:s15] =	ssyncadd.s32 $0xFFFFE000  }
0xf9: {  	_ =	swait.ge [sflag:s15], $0x2000  }
0xfa: {  	[sflag:s15] =	ssyncset.done $0x0  }
0xfb: {  	[sflag:s15] =	ssyncadd.s32 $0xFFFFE000  }
0xfc: {  	_ =	swait.ge [sflag:s15], $0x2000  }
0xfd: {  	[sflag:s15] =	ssyncset.done $0x0  }
0xfe: {  	s8 =	simm.s32 @!p1 $0x1;
	[sflag:s15] =	ssyncadd.s32 $0xFFFFE000  }
0xff: {  	_ =	swait.ge @!p1 [sflag:s8], $0x200  }
0x100: {  	[sflag:s8] =	ssyncset.done @!p1 $0x0  }
0x101: {  	[sflag:s8] =	ssyncadd.s32 @!p1 $0xFFFFFE00;
	s8 =	simm.s32 @!p1 $0x3  }
0x102: {  	_ =	swait.ge @!p1 [sflag:s8], $0x200  }
0x103: {  	[sflag:s8] =	ssyncset.done @!p1 $0x0  }
0x104: {  	[sflag:s8] =	ssyncadd.s32 @!p1 $0xFFFFFE00;
	s8 =	simm.s32 @!p1 $0x7  }
0x105: {  	_ =	swait.ge @!p1 [sflag:s8], $0x8000  }
0x106: {  	[sflag:s8] =	ssyncset.done @!p1 $0x0  }
0x107: {  	s9 =	simm.s32 @!p1 $0x800;
	[sflag:s8] =	ssyncadd.s32 @!p1 $0xFFFF8000;
	s8 =	simm.s32 @!p1 $0x80  }
0x108: {  	[tilespmem:s9], [sflag:$0x5] =	stream.indirect.gather @!p1 [spmem:s2], $0x40, s19, s8, $0xb8;
	[tilespmem:$0x10B68] =	vst v63  }
0x109: {  	s9 =	simm.s32 @!p1 $0x2800  }
0x10a: {  	[tilespmem:s9], [sflag:$0x5] =	stream.indirect.gather @!p1 [spmem:s2], $0x40, s8, s8, $0xb8;
	[tilespmem:$0x10B68] =	vst v63  }
0x10b: {  	s19 =	simm.s32 @!p1 $0x4800;
	s9 =	simm.s32 @!p1 $0x100  }
0x10c: {  	[tilespmem:s19], [sflag:$0x5] =	stream.indirect.gather @!p1 [spmem:s2], $0x40, s9, s8, $0xb8;
	[tilespmem:$0x10B68] =	vst v63  }
0x10d: {  	s22 =	simm.s32 $0x600;
	s9 =	simm.s32 @!p1 $0x180;
	s19 =	simm.s32 @!p1 $0x6800  }
0x10e: {  	[tilespmem:s19], [sflag:$0x5] =	stream.indirect.gather @!p1 [spmem:s2], $0x40, s9, s8, $0xb8;
	[tilespmem:$0x10B68] =	vst v63  }
0x10f: {  	s19 =	simm.s32 $0x0;
	s8 =	simm.s32 $0x1000;
	v4 =	vld [tilespmem:s22+$0x0]  }
.LBB2_5:
0x110: {  	p2 =	sne.s32 s8, $0x1F000;
	_ =	sdelay $0x3  }
0x111: {  	v5 =	vbroadcast v4, $0x0;
	v6 =	vbroadcast v4, $0x1  }
0x112: {  	v7 =	vbroadcast v4, $0x2;
	v8 =	vbroadcast v4, $0x3  }
0x113: {  	v9 =	vmul.f32 v5, v0;
	v10 =	vmul.f32 v5, v1  }
0x114: {  	s9 =	sshra.s32 s19, $0x2;
	s19 =	smov.u32 s8;
	v11 =	vmul.f32 v5, v2;
	v5 =	vmul.f32 v5, v3  }
0x115: {  	v12 =	vmul.f32 v6, v1;
	[tilespmem:s9+$0x8800] =	vst.add.f32.msk $0xffff, v9;
	v9 =	vmul.f32 v6, v0  }
0x116: {  	[tilespmem:s9+$0x8810] =	vst.add.f32.msk $0xffff, v10;
	v10 =	vmul.f32 v6, v2;
	v6 =	vmul.f32 v6, v3  }
0x117: {  	v13 =	vmul.f32 v7, v1;
	[tilespmem:s9+$0x8820] =	vst.add.f32.msk $0xffff, v11;
	v11 =	vmul.f32 v7, v0  }
0x118: {  	[tilespmem:s9+$0x8830] =	vst.add.f32.msk $0xffff, v5;
	v5 =	vmul.f32 v7, v2;
	v7 =	vmul.f32 v7, v3  }
0x119: {  	v14 =	vmul.f32 v8, v1;
	[tilespmem:s9+$0x8840] =	vst.add.f32.msk $0xffff, v9;
	v9 =	vmul.f32 v8, v0  }
0x11a: {  	[tilespmem:s9+$0x8850] =	vst.add.f32.msk $0xffff, v12;
	v12 =	vmul.f32 v8, v2;
	v8 =	vmul.f32 v8, v3  }
0x11b: {  	v15 =	vbroadcast v4, $0x5;
	[tilespmem:s9+$0x8860] =	vst.add.f32.msk $0xffff, v10;
	v10 =	vbroadcast v4, $0x4  }
0x11c: {  	v16 =	vbroadcast v4, $0x7;
	[tilespmem:s9+$0x8870] =	vst.add.f32.msk $0xffff, v6;
	v6 =	vbroadcast v4, $0x6  }
0x11d: {  	[tilespmem:s9+$0x8880] =	vst.add.f32.msk $0xffff, v11;
	v11 =	vmul.f32 v10, v0;
	v17 =	vmul.f32 v10, v1  }
0x11e: {  	[tilespmem:s9+$0x8890] =	vst.add.f32.msk $0xffff, v13;
	v13 =	vmul.f32 v10, v2;
	v10 =	vmul.f32 v10, v3  }
0x11f: {  	v18 =	vmul.f32 v15, v1;
	[tilespmem:s9+$0x88A0] =	vst.add.f32.msk $0xffff, v5;
	v5 =	vmul.f32 v15, v0  }
0x120: {  	[tilespmem:s9+$0x88B0] =	vst.add.f32.msk $0xffff, v7;
	v7 =	vmul.f32 v15, v2;
	v15 =	vmul.f32 v15, v3  }
0x121: {  	v19 =	vmul.f32 v6, v1;
	[tilespmem:s9+$0x88C0] =	vst.add.f32.msk $0xffff, v9;
	v9 =	vmul.f32 v6, v0  }
0x122: {  	[tilespmem:s9+$0x88D0] =	vst.add.f32.msk $0xffff, v14;
	v14 =	vmul.f32 v6, v2;
	v6 =	vmul.f32 v6, v3  }
0x123: {  	v20 =	vmul.f32 v16, v1;
	[tilespmem:s9+$0x88E0] =	vst.add.f32.msk $0xffff, v12;
	v12 =	vmul.f32 v16, v0  }
0x124: {  	[tilespmem:s9+$0x88F0] =	vst.add.f32.msk $0xffff, v8;
	v8 =	vmul.f32 v16, v2;
	v16 =	vmul.f32 v16, v3  }
0x125: {  	v21 =	vbroadcast v4, $0x9;
	[tilespmem:s9+$0x8900] =	vst.add.f32.msk $0xffff, v11;
	v11 =	vbroadcast v4, $0x8  }
0x126: {  	v22 =	vbroadcast v4, $0xB;
	[tilespmem:s9+$0x8910] =	vst.add.f32.msk $0xffff, v17;
	v17 =	vbroadcast v4, $0xA  }
0x127: {  	[tilespmem:s9+$0x8920] =	vst.add.f32.msk $0xffff, v13;
	v13 =	vmul.f32 v11, v0;
	v23 =	vmul.f32 v11, v1  }
0x128: {  	[tilespmem:s9+$0x8930] =	vst.add.f32.msk $0xffff, v10;
	v10 =	vmul.f32 v11, v2;
	v11 =	vmul.f32 v11, v3  }
0x129: {  	v24 =	vmul.f32 v21, v1;
	[tilespmem:s9+$0x8940] =	vst.add.f32.msk $0xffff, v5;
	v5 =	vmul.f32 v21, v0  }
0x12a: {  	[tilespmem:s9+$0x8950] =	vst.add.f32.msk $0xffff, v18;
	v18 =	vmul.f32 v21, v2;
	v21 =	vmul.f32 v21, v3  }
0x12b: {  	v25 =	vmul.f32 v17, v1;
	[tilespmem:s9+$0x8960] =	vst.add.f32.msk $0xffff, v7;
	v7 =	vmul.f32 v17, v0  }
0x12c: {  	[tilespmem:s9+$0x8970] =	vst.add.f32.msk $0xffff, v15;
	v15 =	vmul.f32 v17, v2;
	v17 =	vmul.f32 v17, v3  }
0x12d: {  	v26 =	vmul.f32 v22, v1;
	[tilespmem:s9+$0x8980] =	vst.add.f32.msk $0xffff, v9;
	v9 =	vmul.f32 v22, v0  }
0x12e: {  	[tilespmem:s9+$0x8990] =	vst.add.f32.msk $0xffff, v19;
	v19 =	vmul.f32 v22, v2;
	v22 =	vmul.f32 v22, v3  }
0x12f: {  	v27 =	vbroadcast v4, $0xD;
	[tilespmem:s9+$0x89A0] =	vst.add.f32.msk $0xffff, v14;
	v14 =	vbroadcast v4, $0xC  }
0x130: {  	[tilespmem:s9+$0x89B0] =	vst.add.f32.msk $0xffff, v6;
	v6 =	vbroadcast v4, $0xE;
	v4 =	vbroadcast v4, $0xF  }
0x131: {  	[tilespmem:s9+$0x89C0] =	vst.add.f32.msk $0xffff, v12;
	v12 =	vmul.f32 v14, v0;
	v28 =	vmul.f32 v14, v1  }
0x132: {  	[tilespmem:s9+$0x89D0] =	vst.add.f32.msk $0xffff, v20;
	v20 =	vmul.f32 v14, v2;
	v14 =	vmul.f32 v14, v3  }
0x133: {  	v29 =	vmul.f32 v27, v1;
	[tilespmem:s9+$0x89E0] =	vst.add.f32.msk $0xffff, v8;
	v8 =	vmul.f32 v27, v0  }
0x134: {  	[tilespmem:s9+$0x89F0] =	vst.add.f32.msk $0xffff, v16;
	v16 =	vmul.f32 v27, v2;
	v27 =	vmul.f32 v27, v3  }
0x135: {  	v30 =	vmul.f32 v6, v1;
	[tilespmem:s9+$0x8A00] =	vst.add.f32.msk $0xffff, v13;
	v13 =	vmul.f32 v6, v0  }
0x136: {  	[tilespmem:s9+$0x8A10] =	vst.add.f32.msk $0xffff, v23;
	v23 =	vmul.f32 v6, v2;
	v6 =	vmul.f32 v6, v3  }
0x137: {  	v31 =	vmul.f32 v4, v1;
	[tilespmem:s9+$0x8A20] =	vst.add.f32.msk $0xffff, v10;
	v10 =	vmul.f32 v4, v0  }
0x138: {  	[tilespmem:s9+$0x8A30] =	vst.add.f32.msk $0xffff, v11;
	v11 =	vmul.f32 v4, v2;
	v4 =	vmul.f32 v4, v3  }
0x139: {  	[tilespmem:s9+$0x8A40] =	vst.add.f32.msk $0xffff, v5  }
0x13a: {  	[tilespmem:s9+$0x8A50] =	vst.add.f32.msk $0xffff, v24  }
0x13b: {  	[tilespmem:s9+$0x8A60] =	vst.add.f32.msk $0xffff, v18  }
0x13c: {  	[tilespmem:s9+$0x8A70] =	vst.add.f32.msk $0xffff, v21  }
0x13d: {  	[tilespmem:s9+$0x8A80] =	vst.add.f32.msk $0xffff, v7  }
0x13e: {  	[tilespmem:s9+$0x8A90] =	vst.add.f32.msk $0xffff, v25  }
0x13f: {  	[tilespmem:s9+$0x8AA0] =	vst.add.f32.msk $0xffff, v15  }
0x140: {  	[tilespmem:s9+$0x8AB0] =	vst.add.f32.msk $0xffff, v17  }
0x141: {  	[tilespmem:s9+$0x8AC0] =	vst.add.f32.msk $0xffff, v9  }
0x142: {  	[tilespmem:s9+$0x8AD0] =	vst.add.f32.msk $0xffff, v26  }
0x143: {  	[tilespmem:s9+$0x8AE0] =	vst.add.f32.msk $0xffff, v19  }
0x144: {  	[tilespmem:s9+$0x8AF0] =	vst.add.f32.msk $0xffff, v22  }
0x145: {  	[tilespmem:s9+$0x8B00] =	vst.add.f32.msk $0xffff, v12  }
0x146: {  	[tilespmem:s9+$0x8B10] =	vst.add.f32.msk $0xffff, v28  }
0x147: {  	[tilespmem:s9+$0x8B20] =	vst.add.f32.msk $0xffff, v20  }
0x148: {  	[tilespmem:s9+$0x8B30] =	vst.add.f32.msk $0xffff, v14  }
0x149: {  	[tilespmem:s9+$0x8B40] =	vst.add.f32.msk $0xffff, v8  }
0x14a: {  	[tilespmem:s9+$0x8B50] =	vst.add.f32.msk $0xffff, v29  }
0x14b: {  	[tilespmem:s9+$0x8B60] =	vst.add.f32.msk $0xffff, v16  }
0x14c: {  	[tilespmem:s9+$0x8B70] =	vst.add.f32.msk $0xffff, v27  }
0x14d: {  	[tilespmem:s9+$0x8B80] =	vst.add.f32.msk $0xffff, v13  }
0x14e: {  	[tilespmem:s9+$0x8B90] =	vst.add.f32.msk $0xffff, v30  }
0x14f: {  	[tilespmem:s9+$0x8BA0] =	vst.add.f32.msk $0xffff, v23  }
0x150: {  	[tilespmem:s9+$0x8BB0] =	vst.add.f32.msk $0xffff, v6  }
.Ltmp3:
0x151: {  	[tilespmem:s9+$0x8BC0] =	vst.add.f32.msk $0xffff, v10;
	(pc) =	sbr.rel @p2 .LBB2_5-.Ltmp3, $4  }
0x152: {  	[tilespmem:s9+$0x8BD0] =	vst.add.f32.msk $0xffff, v31  }
0x153: {  	[tilespmem:s9+$0x8BE0] =	vst.add.f32.msk $0xffff, v11  }
0x154: {  	s22 =	sadd.s32 $0x10, s22;
	[tilespmem:s9+$0x8BF0] =	vst.add.f32.msk $0xffff, v4  }
0x155: {  	s8 =	sadd.s32 $0x1000, s8;
	v4 =	vld [tilespmem:s22+$0x0]  }
0x156: {  	_ =	sdelay $0x3  }
0x157: {  	v5 =	vbroadcast v4, $0x0;
	_ =	sdelay $0x1  }
0x158: {  	v6 =	vmul.f32 v5, v0  }
0x159: {  	s8 =	sshra.s32 s19, $0x2;
	v7 =	vmul.f32 v5, v1  }
0x15a: {  	v8 =	vbroadcast v4, $0x1;
	v9 =	vmul.f32 v5, v2;
	[tilespmem:s8+$0x8800] =	vst.add.f32.msk $0xffff, v6  }
0x15b: {  	v5 =	vmul.f32 v5, v3;
	[tilespmem:s8+$0x8810] =	vst.add.f32.msk $0xffff, v7  }
0x15c: {  	v61 =	vmul.f32 v8, v0;
	[tilespmem:s8+$0x8820] =	vst.add.f32.msk $0xffff, v9  }
0x15d: {  	v62 =	vmul.f32 v8, v1;
	[tilespmem:s8+$0x8830] =	vst.add.f32.msk $0xffff, v5  }
0x15e: {  	v15 =	vbroadcast v4, $0x3;
	v63 =	vmul.f32 v8, v2;
	[tilespmem:s8+$0x8840] =	vst.add.f32.msk $0xffff, v61  }
0x15f: {  	v12 =	vmul.f32 v8, v3;
	[tilespmem:s8+$0x8850] =	vst.add.f32.msk $0xffff, v62  }
0x160: {  	v19 =	vbroadcast v4, $0x4;
	v17 =	vmul.f32 v15, v0;
	[tilespmem:s8+$0x8860] =	vst.add.f32.msk $0xffff, v63  }
0x161: {  	v18 =	vmul.f32 v15, v1;
	[tilespmem:s8+$0x8870] =	vst.add.f32.msk $0xffff, v12  }
0x162: {  	v20 =	vmul.f32 v19, v0;
	[tilespmem:s8+$0x88C0] =	vst.add.f32.msk $0xffff, v17  }
0x163: {  	v21 =	vbroadcast v4, $0x5;
	v22 =	vmul.f32 v19, v2;
	[tilespmem:s8+$0x88D0] =	vst.add.f32.msk $0xffff, v18  }
0x164: {  	v23 =	vmul.f32 v19, v3;
	[tilespmem:s8+$0x8900] =	vst.add.f32.msk $0xffff, v20  }
0x165: {  	v25 =	vbroadcast v4, $0x6;
	v24 =	vmul.f32 v21, v1;
	[tilespmem:s8+$0x8920] =	vst.add.f32.msk $0xffff, v22  }
0x166: {  	v26 =	vmul.f32 v21, v2;
	[tilespmem:s8+$0x8930] =	vst.add.f32.msk $0xffff, v23  }
0x167: {  	v27 =	vmul.f32 v25, v0;
	[tilespmem:s8+$0x8950] =	vst.add.f32.msk $0xffff, v24  }
0x168: {  	v28 =	vmul.f32 v25, v1;
	[tilespmem:s8+$0x8960] =	vst.add.f32.msk $0xffff, v26  }
0x169: {  	v34 =	vbroadcast v4, $0x8;
	v29 =	vmul.f32 v25, v2;
	[tilespmem:s8+$0x8980] =	vst.add.f32.msk $0xffff, v27  }
0x16a: {  	v30 =	vmul.f32 v25, v3;
	[tilespmem:s8+$0x8990] =	vst.add.f32.msk $0xffff, v28  }
0x16b: {  	v35 =	vmul.f32 v34, v0;
	[tilespmem:s8+$0x89A0] =	vst.add.f32.msk $0xffff, v29  }
0x16c: {  	v36 =	vmul.f32 v34, v1;
	[tilespmem:s8+$0x89B0] =	vst.add.f32.msk $0xffff, v30  }
0x16d: {  	v41 =	vbroadcast v4, $0xA;
	v37 =	vmul.f32 v34, v2;
	[tilespmem:s8+$0x8A00] =	vst.add.f32.msk $0xffff, v35  }
0x16e: {  	v38 =	vmul.f32 v34, v3;
	[tilespmem:s8+$0x8A10] =	vst.add.f32.msk $0xffff, v36  }
0x16f: {  	v43 =	vmul.f32 v41, v0;
	[tilespmem:s8+$0x8A20] =	vst.add.f32.msk $0xffff, v37  }
0x170: {  	v50 =	vbroadcast v4, $0xC;
	v44 =	vmul.f32 v41, v1;
	[tilespmem:s8+$0x8A30] =	vst.add.f32.msk $0xffff, v38  }
0x171: {  	v45 =	vmul.f32 v41, v2;
	v5 =	vbroadcast v4, $0x2;
	[tilespmem:s8+$0x8A80] =	vst.add.f32.msk $0xffff, v43  }
0x172: {  	v46 =	vmul.f32 v41, v3;
	v51 =	vmul.f32 v50, v0;
	[tilespmem:s8+$0x8A90] =	vst.add.f32.msk $0xffff, v44  }
0x173: {  	[tilespmem:s8+$0x8AA0] =	vst.add.f32.msk $0xffff, v45;
	v13 =	vmul.f32 v5, v0;
	v14 =	vmul.f32 v5, v1  }
0x174: {  	[tilespmem:s8+$0x8AB0] =	vst.add.f32.msk $0xffff, v46;
	v16 =	vmul.f32 v5, v2;
	v5 =	vmul.f32 v5, v3  }
0x175: {  	v52 =	vmul.f32 v50, v1;
	[tilespmem:s8+$0x8B00] =	vst.add.f32.msk $0xffff, v51  }
0x176: {  	[tilespmem:s8+$0x88B0] =	vst.add.f32.msk $0xffff, v5;
	v5 =	vmul.f32 v15, v2  }
0x177: {  	v53 =	vmul.f32 v50, v2;
	[tilespmem:s8+$0x8B10] =	vst.add.f32.msk $0xffff, v52  }
0x178: {  	[tilespmem:s8+$0x88E0] =	vst.add.f32.msk $0xffff, v5;
	v5 =	vmul.f32 v19, v1  }
0x179: {  	v57 =	vbroadcast v4, $0xE;
	v54 =	vmul.f32 v50, v3;
	[tilespmem:s8+$0x8B20] =	vst.add.f32.msk $0xffff, v53  }
0x17a: {  	[tilespmem:s8+$0x8910] =	vst.add.f32.msk $0xffff, v5;
	v5 =	vmul.f32 v21, v0  }
0x17b: {  	v59 =	vmul.f32 v57, v0;
	[tilespmem:s8+$0x8B30] =	vst.add.f32.msk $0xffff, v54  }
0x17c: {  	[tilespmem:s8+$0x8940] =	vst.add.f32.msk $0xffff, v5;
	v5 =	vmul.f32 v21, v3  }
0x17d: {  	v60 =	vmul.f32 v57, v1;
	[tilespmem:s8+$0x8B80] =	vst.add.f32.msk $0xffff, v59  }
0x17e: {  	v6 =	vmul.f32 v15, v3;
	[tilespmem:s8+$0x8970] =	vst.add.f32.msk $0xffff, v5;
	v5 =	vbroadcast v4, $0x7  }
0x17f: {  	v61 =	vmul.f32 v57, v3;
	[tilespmem:s8+$0x8B90] =	vst.add.f32.msk $0xffff, v60  }
0x180: {  	[tilespmem:s8+$0x88F0] =	vst.add.f32.msk $0xffff, v6;
	v31 =	vmul.f32 v5, v0;
	v32 =	vmul.f32 v5, v1  }
0x181: {  	[tilespmem:s8+$0x8BB0] =	vst.add.f32.msk $0xffff, v61;
	v33 =	vmul.f32 v5, v2;
	v5 =	vmul.f32 v5, v3  }
0x182: {  	[tilespmem:s8+$0x8880] =	vst.add.f32.msk $0xffff, v13  }
0x183: {  	[tilespmem:s8+$0x89F0] =	vst.add.f32.msk $0xffff, v5;
	v5 =	vbroadcast v4, $0x9  }
0x184: {  	[tilespmem:s8+$0x8890] =	vst.add.f32.msk $0xffff, v14  }
0x185: {  	[tilespmem:s8+$0x88A0] =	vst.add.f32.msk $0xffff, v16;
	v39 =	vmul.f32 v5, v0;
	v40 =	vmul.f32 v5, v1  }
0x186: {  	[tilespmem:s8+$0x89C0] =	vst.add.f32.msk $0xffff, v31;
	v42 =	vmul.f32 v5, v2;
	v5 =	vmul.f32 v5, v3  }
0x187: {  	[tilespmem:s8+$0x89D0] =	vst.add.f32.msk $0xffff, v32  }
0x188: {  	[tilespmem:s8+$0x8A70] =	vst.add.f32.msk $0xffff, v5;
	v5 =	vbroadcast v4, $0xB  }
0x189: {  	[tilespmem:s8+$0x89E0] =	vst.add.f32.msk $0xffff, v33  }
0x18a: {  	[tilespmem:s8+$0x8A40] =	vst.add.f32.msk $0xffff, v39;
	v47 =	vmul.f32 v5, v0;
	v48 =	vmul.f32 v5, v1  }
0x18b: {  	[tilespmem:s8+$0x8A50] =	vst.add.f32.msk $0xffff, v40;
	v49 =	vmul.f32 v5, v2;
	v5 =	vmul.f32 v5, v3  }
0x18c: {  	[tilespmem:s8+$0x8A60] =	vst.add.f32.msk $0xffff, v42  }
0x18d: {  	[tilespmem:s8+$0x8AF0] =	vst.add.f32.msk $0xffff, v5;
	v5 =	vbroadcast v4, $0xD  }
0x18e: {  	[tilespmem:s8+$0x8AC0] =	vst.add.f32.msk $0xffff, v47  }
0x18f: {  	[tilespmem:s8+$0x8AD0] =	vst.add.f32.msk $0xffff, v48;
	v55 =	vmul.f32 v5, v0  }
0x190: {  	[tilespmem:s8+$0x8AE0] =	vst.add.f32.msk $0xffff, v49;
	v56 =	vmul.f32 v5, v1  }
0x191: {  	v4 =	vbroadcast v4, $0xF;
	v58 =	vmul.f32 v5, v2;
	[tilespmem:s8+$0x8B40] =	vst.add.f32.msk $0xffff, v55  }
0x192: {  	v5 =	vmul.f32 v5, v3;
	[tilespmem:s8+$0x8B50] =	vst.add.f32.msk $0xffff, v56  }
0x193: {  	v62 =	vmul.f32 v4, v0;
	[tilespmem:s8+$0x8B60] =	vst.add.f32.msk $0xffff, v58  }
0x194: {  	[tilespmem:s8+$0x8B70] =	vst.add.f32.msk $0xffff, v5;
	v5 =	vmul.f32 v57, v2  }
0x195: {  	v63 =	vmul.f32 v4, v2;
	[tilespmem:s8+$0x8BC0] =	vst.add.f32.msk $0xffff, v62  }
.Ltmp4:
0x196: {  	[tilespmem:s8+$0x8BA0] =	vst.add.f32.msk $0xffff, v5;
	v5 =	vmul.f32 v4, v1;
	(pc) =	sbr.rel @p1 .LBB2_8-.Ltmp4, $4  }
0x197: {  	[tilespmem:s8+$0x8BE0] =	vst.add.f32.msk $0xffff, v63;
	v4 =	vmul.f32 v4, v3  }
0x198: {  	s9 =	sshll.u32 s18, $0xE;
	[tilespmem:s8+$0x8BD0] =	vst.add.f32.msk $0xffff, v5  }
0x199: {  	s22 =	sadd.s32 s16, s9;
	[tilespmem:s8+$0x8BF0] =	vst.add.f32.msk $0xffff, v4  }
0x19a: {  	[hbm4b:s22+s11] =	stream.strided.scatter [tilespmem:s26], [sflag:$0x8], $0x8000, s23, s11, $0x38;
	[tilespmem:$0x10B68] =	vst v63  }
0x19b: {  	s8 =	sadd.s32 s21, s14  }
.Ltmp5:
0x19c: {  	s8 =	sshrl.u32 s8, $0x3;
	(pc) =	sbr.rel .LBB2_2-.Ltmp5, $4  }
0x19d: {  	s9 =	sadd.s32 s1, s8  }
0x19e: {  	[tilespmem:s31], [sflag:$0x2] =	stream.linear.gather [hbm4b:s9+s3], $0x200, $0x38;
	[tilespmem:$0x10B68] =	vst v63  }
0x19f: {  	s18 =	sadd.s32 $0x1, s18;
	s8 =	sadd.s32 s6, s8  }
0x1a0: {  	[tilespmem:s0], [sflag:$0x4] =	stream.linear.gather [hbm4b:s8+s3], $0x200, $0x38;
	[tilespmem:$0x10B68] =	vst v63  }
.LBB2_9:
0x1a1: {  	_ =	sfence.sel $0x180000  }
0x1a2: {  	[bflag:$0x0] =	sbarrier.arrive $0xFFFF  }
0x1a3: {  	_ =	strace $0x90000047  }
0x1a4: {  	[bflag:$0x2] =	sbarrier.arrive $0xFFFF  }
0x1a5: {  	s0 =	rddreg [dreg:$0x3]  }
0x1a6: {  	s0 =	sadd.s32 @!p0 $0x100000, s0  }
0x1a7: {  	[sflag:s0] =	ssyncadd.tile.s32 @!p0 $0x1;
	_ =	shalt  }
.Lfunc_end2:
_tile_overlayer_lowered:
.L_overlay_start_2:
0x1a8: {  	(tag) =	ssettag $0x2  }
0x1a9: {  	s0 =	rddreg [dreg:$0x0];
	s2 =	stileid.u32  }
0x1aa: {  	s1 =	rddreg [dreg:$0x1];
	p0 =	sne.s32 s2, $0x0  }
0x1ab: {  	s3 =	rddreg [dreg:$0x2];
	[bflag:$0x3] =	sbarrier.arrive $0xFFFF;
	s2 =	simm.s32 @!p0 $0x1C09  }
0x1ac: {  	[timem:s3], [sflag:s2] =	dma.local @!p0 [hbm:s0], s1  }
0x1ad: {  	s0 =	simm.s32 @!p0 $0x9  }
0x1ae: {  	_ =	swait.ge @!p0 [sflag:s0], s1  }
0x1af: {  	s1 =	ssub.s32 @!p0 $0x0, s1;
	[sflag:s0] =	ssyncset.done @!p0 $0x0  }
0x1b0: {  	[sflag:s0] =	ssyncadd.s32 @!p0 s1  }
0x1b1: {  	[bflag:$0x3] =	sbarrier.arrive $0xFFFF  }
0x1b2: {  	_ =	shalt  }

// kernel: sparse-core-data-format-call.cloned.1.call-start
scs
called_computation_lowered:
.L_overlay_start_0:
0x0: {  	s2 =	sld [smem:$0x3FD9]  }
0x1: {  	s3 =	sld [smem:$0x3FFE];
	_ =	sdelay $0x1  }
0x2: {  	s1 =	srdreg.scid  }
0x3: {  	s0 =	sand.u32 $0x1, s1  }
0x4: {  	s18 =	sshll.u32 s0, $0xA;
	s2 =	sadd.s32 s3, s2  }
0x5: {  	s2 =	sadd.s32 s2, s18  }
0x6: {  	[smem:$0x3FC1] =	sst s2  }
0x7: {  	_ = 	snop  }
0x8: {  	s2 =	sld [smem:$0x3FD0];
	(tm) =	ssettm $0x1  }
0x9: {  	s19 =	sld [smem:$0x3FFB];
	_ =	sdelay $0x3  }
0xa: {  	_ =	strace s19  }
0xb: {  	s3 =	sld [smem:$0x3FFC];
	_ =	sdelay $0x3  }
0xc: {  	_ =	strace s3  }
0xd: {  	s3 =	sld [smem:$0x3FFD];
	_ =	sdelay $0x3  }
0xe: {  	_ =	strace s3  }
0xf: {  	_ =	strace $0x8FFFFFFF  }
0x10: {  	s20 =	sld [smem:$0x3FDB];
	_ =	sdelay $0x1  }
0x11: {  	s4 =	simm.s32 $_scs_section_size  }
0x12: {  	s5 =	simm.s32 $_size__tile_overlayer_lowered;
	s6 =	simm.s32 $_tile_overlayer_lowered  }
0x13: {  	s23 =	simm.s32 $0x1BFF;
	s22 =	sshll.u32 s6, $0x1;
	s3 =	sadd.s32 s4, s20  }
0x14: {  	s7 =	simm.s32 $0x0;
	s21 =	sshll.u32 s5, $0x1;
	s5 =	sadd.s32 s22, s3  }
0x15: {  	[timem:s7], [sflag:s23] =	dma.local [hbm:s5], s21  }
0x16: {  	_ =	swait.ge [sflag:s23], s21  }
0x17: {  	s4 =	ssub.s32 $0x0, s21;
	[sflag:s23] =	ssyncset.done $0x0  }
0x18: {  	[sflag:s23] =	ssyncadd.s32 s4;
	_ =	sdelay $0x1  }
0x19: {  	s24 =	simm.s32 $0x1B8B  }
0x1a: {  	_ =	swait.ge [sflag:s24], $0x1  }
0x1b: {  	[sflag:s24] =	ssyncset.done $0x0  }
0x1c: {  	s26 =	simm.s32 $0x1B8E;
	s25 =	sld [smem:$0x3FFE];
	[sflag:s24] =	ssyncadd.s32 $0xFFFFFFFF  }
0x1d: {  	s27 =	simm.s32 $execute0_lowered;
	[smem:$0x3FD2] =	sst s26  }
0x1e: {  	s5 =	sshll.u32 s27, $0x1;
	_ =	strace $0x80000049;
	[dreg:$0x1] =	wrdreg $0xFFFFFFFF  }
0x1f: {  	s28 =	simm.s32 $_size_execute0_lowered;
	s3 =	sadd.s32 s3, s5;
	[dreg:$0x0] =	wrdreg $0x0  }
0x20: {  	s5 =	sshll.u32 s28, $0x1;
	[dreg:$0x2] =	wrdreg s3  }
0x21: {  	[dreg:$0x3] =	wrdreg s5  }
0x22: {  	[dreg:$0x4] =	wrdreg $0xC0  }
0x23: {  	_ =	task [dreg:s7], $0x5FFFF  }
0x24: {  	[dreg:$0x1] =	wrdreg $0xFFFFFFFF  }
0x25: {  	[dreg:$0x0] =	wrdreg $0x60  }
0x26: {  	[dreg:$0x2] =	wrdreg s25  }
0x27: {  	[dreg:$0x3] =	wrdreg s2  }
0x28: {  	[dreg:$0x4] =	wrdreg $0x9  }
0x29: {  	_ =	task.clear_ibuf [dreg:s7], $0x5FFFF;
	_ =	strace $0x90000049  }
0x2a: {  	s29 =	simm.s32 $0x9;
	_ =	strace $0x8000004B  }
0x2b: {  	_ =	swait.ge [sflag:s29], $0x1  }
0x2c: {  	[sflag:s29] =	ssyncadd.s32 $0xFFFFFFFF  }
0x2d: {  	_ =	strace $0x9000004B  }
0x2e: {  	_ =	sfence  }
0x2f: {  	s30 =	sld [smem:$0x0];
	_ =	sdelay $0x2  }
0x30: {  	s31 =	sshll.u32 s1, $0xD;
	s1 =	sshrl.u32 s1, $0x2  }
0x31: {  	s3 =	sand.u32 $0x4000, s31;
	s1 =	sadd.s32 s1, s30  }
0x32: {  	s0 =	sor.u32 s3, s0;
	s1 =	sshll.u32 s1, $0x11  }
0x33: {  	s0 =	sor.u32 s1, s0  }
0x34: {  	s0 =	sadd.s32 $0x8F2B, s0  }
0x35: {  	[sflag:s0] =	ssyncadd.remote.s32 $0x1  }
0x36: {  	_ =	sfence.sel $0xFFFF  }
0x37: {  	[dreg:$0x0] =	wrdreg $0xFFFFFFFF;
	(pc) =	sbr.abs _section_cstart, $3  }
0x38: {  	[dreg:$0x1] =	wrdreg $0xFFFFFFFF  }
0x39: {  	_ =	task.clear_ibuf [dreg:s7], $0x2FFFF;
	_ =	strace $0x9FFFFFFF  }
0x3a: {  	(tm) =	ssettm $0x7FFFFFFF  }
0x3b: {  	_ =	shalt  }
tec
execute0_lowered:
.L_overlay_start_1:
0x0: {  	(tag) =	ssettag $0x1  }
0x1: {  	s0 =	srdreg.scid  }
0x2: {  	s1 =	sshll.u32 s0, $0x4  }
0x3: {  	s0 =	stileid.u32;
	s1 =	sand.u32 $0x10, s1  }
0x4: {  	s1 =	sor.u32 s0, s1  }
0x5: {  	s6 =	rddreg [dreg:$0x0];
	s4 =	simm.s32 $0x1;
	s2 =	sshll.u32 s1, $0x7  }
0x6: {  	s7 =	simm.s32 $0x2;
	s12 =	simm.s32 $0x0;
	s1 =	ssub.s32 $0x1000, s2  }
0x7: {  	s8 =	simm.s32 $0x8000;
	s13 =	simm.s32 $0x0;
	s3 =	sand.u32 $0xF80, s1  }
0x8: {  	s9 =	simm.s32 $0x0;
	s5 =	sshrl.u32 s1, $0xC;
	p0 =	sne.s32 s3, $0x0  }
.Ltmp0:
0x9: {  	s1 =	rddreg [dreg:$0x2];
	s4 =	simm.s32 @!p0 $0x0;
	(pc) =	sbr.rel .LBB1_1-.Ltmp0, $4  }
0xa: {  	s11 =	simm.s32 $0x0;
	s3 =	rddreg [dreg:$0x1];
	s5 =	sadd.s32 s4, s5  }
0xb: {  	_ =	strace $0x8000004A;
	s4 =	simm.s32 $0x1;
	s5 =	smul.u32 $0xC8, s5  }
0xc: {  	s6 =	sadd.s32 $0x1AE00, s6;
	s10 =	smov.u32 s2;
	[sflag:s4] =	ssyncpa.u1 $0x0  }
0xd: {  	p0 =	por $0x0, $0x0;
	[sflag:s7] =	ssyncpa.u1 $0x0;
	s7 =	sor.u32 $0x1, s5  }
.LBB1_4:
0xe: {  	s16 =	sshll.u32 s13, $0x3;
	s17 =	sand.u32 $0x78, s13  }
0xf: {  	s30 =	sand.u32 $0x7E00, s13;
	s12 =	sshll.u32 s12, $0xF;
	s16 =	sand.u32 $0xC00, s16  }
0x10: {  	[tilespmem:s15+$0x810 ss:$0x81] =	vst.msk $0xffff, v2;
	s31 =	sand.u32 $0x7, s13;
	s16 =	sor.u32 s17, s16;
	s17 =	sadd.s32 s3, s30  }
0x11: {  	[tilespmem:s15+$0x1020 ss:$0x81] =	vst.msk $0xffff, v0;
	s13 =	sshll.u32 s31, $0x12;
	s12 =	sadd.s32 s12, s17;
	s16 =	sshrl.u32 s16, $0x3  }
0x12: {  	[tilespmem:s15+$0x0 ss:$0x81] =	vst.msk $0xffff, v1;
	s13 =	sor.u32 $0x400, s13;
	s12 =	sadd.s32 s16, s12  }
0x13: {  	[hbm4b:s12+s13] =	stream.strided.scatter [tilespmem:s14], [sflag:$0x2], $0x2000, s8, s13, $0x20;
	[tilespmem:$0x8080] =	vst v63  }
.LBB1_5:
0x14: {  	s14 =	sadd.s32 $0x1, s9  }
0x15: {  	s12 =	sadd.s32 $0x1000, s10;
	s16 =	smov.u32 s10;
	p2 =	sgt.s32 s14, $0xC7  }
0x16: {  	s16 =	smov.u32 @p2 s12  }
0x17: {  	s14 =	simm.s32 @p2 $0x0;
	p2 =	sgt.s32 s16, $0xFFF  }
0x18: {  	s16 =	smov.u32 @p2 s2;
	p2 =	sne.s32 s11, s7  }
.Ltmp1:
0x19: {  	p1 =	slt.u32 s11, $0x2;
	(pc) =	sbr.rel @!p2 .LBB1_6-.Ltmp1, $4  }
0x1a: {  	s15 =	simm.s32 @!p1 $0x2  }
0x1b: {  	s13 =	smov.u32 s10;
	p0 =	por !p0, !p0;
	_ =	swait.ge @!p1 [sflag:s15], $0x2000  }
0x1c: {  	s12 =	smov.u32 s9;
	[sflag:s15] =	ssyncset.done @!p1 $0x0;
	s9 =	smov.u32 s14  }
0x1d: {  	s11 =	sadd.s32 $0x1, s11;
	[sflag:s15] =	ssyncadd.s32 @!p1 $0xFFFFE000;
	s10 =	smov.u32 s16  }
.LBB1_1:
0x1e: {  	p1 =	sge.u32 s11, s5  }
0x1f: {  	s14 =	sand.u32 @!p1 $0x1FFFFFF, s9  }
0x20: {  	s15 =	smulhi.u32 @!p1 $0x147AE15, s14;
	_ =	sdelay $0x1  }
0x21: {  	s15 =	smul.u32 @!p1 $0xC8, s15  }
0x22: {  	s16 =	sxor.u32 @!p1 $0xFFFFFFFF, s11;
	s17 =	smul.u32 @!p1 $0xC80, s10  }
0x23: {  	s31 =	sadd.s32 $0xFFFFFFFF, s11;
	s16 =	sshll.u32 @!p1 s16, $0xD;
	s14 =	ssub.s32 @!p1 s14, s15  }
0x24: {  	s15 =	sand.u32 @!p1 $0x2000, s16;
	s16 =	sadd.s32 @!p1 s6, s17;
	s14 =	sshll.u32 @!p1 s14, $0x4  }
0x25: {  	s17 =	simm.s32 @!p1 $0x6400;
	s14 =	sadd.s32 @!p1 s14, s16;
	s16 =	simm.s32 @!p1 $0x40  }
0x26: {  	[tilespmem:s15], [sflag:$0x1] =	stream.strided.gather @!p1 [hbm4b:s14+s16], $0x2000, s17, s16, $0x38;
	[tilespmem:$0x8080] =	vst v63  }
0x27: {  	p1 =	sge.u32 s31, s5  }
.Ltmp2:
0x28: {  	_ = 	snop;
	(pc) =	sbr.rel @p1 .LBB1_5-.Ltmp2, $1  }
0x29: {  	_ =	sdelay $0x3  }
0x2a: {  	s14 =	simm.s32 $0x1  }
0x2b: {  	_ =	swait.ge [sflag:s4], $0x2000;
	s14 =	simm.s32 @!p0 $0x0  }
0x2c: {  	[sflag:s4] =	ssyncset.done $0x0;
	s15 =	sshll.u32 s14, $0xD  }
0x2d: {  	[sflag:s4] =	ssyncadd.s32 $0xFFFFE000;
	s18 =	sor.u32 $0x20, s15  }
0x2e: {  	s14 =	smul.u32 $0x8100, s14;
	v3 =	vld [tilespmem:s18+$0x10]  }
0x2f: {  	s30 =	sand.u32 $0x1, s11;
	v2 =	vld [tilespmem:s18+$0xFFFFFFF0]  }
0x30: {  	s15 =	smul.u32 $0x8100, s30;
	s14 =	sshrl.u32 s14, $0x2;
	v0 =	vld [tilespmem:s18+$0x0]  }
0x31: {  	v1 =	vld [tilespmem:s18+$0xFFFFFFE0];
	s16 =	sor.u32 $0x4000, s14  }
0x32: {  	s31 =	sshrl.u32 s15, $0x2;
	s15 =	sadd.s32 $0x0, s16  }
0x33: {  	s17 =	simm.s32 $0x4;
	s18 =	sadd.s32 $0x40, s18;
	s14 =	sor.u32 $0x4000, s31;
	[tilespmem:s15+$0x1830 ss:$0x81] =	vst.msk $0xffff, v3  }
.LBB1_3:
0x34: {  	v3 =	vld [tilespmem:s18+$0x10];
	p1 =	sne.s32 s17, $0x1FC;
	[tilespmem:s15+$0x810 ss:$0x81] =	vst.msk $0xffff, v2;
	s19 =	smov.u32 s17;
	s17 =	sadd.s32 $0x4, s17  }
.Ltmp3:
0x35: {  	v2 =	vld [tilespmem:s18+$0xFFFFFFF0];
	[tilespmem:s15+$0x1020 ss:$0x81] =	vst.msk $0xffff, v0;
	(pc) =	sbr.rel @p1 .LBB1_3-.Ltmp3, $4  }
0x36: {  	v0 =	vld [tilespmem:s18+$0x0];
	[tilespmem:s15+$0x0 ss:$0x81] =	vst.msk $0xffff, v1  }
0x37: {  	s15 =	sshra.s32 s19, $0x2;
	v1 =	vld [tilespmem:s18+$0xFFFFFFE0]  }
0x38: {  	s15 =	sadd.s32 s15, s16  }
0x39: {  	s18 =	sadd.s32 $0x40, s18;
	[tilespmem:s15+$0x1830 ss:$0x81] =	vst.msk $0xffff, v3  }
.Ltmp4:
0x3a: {  	_ = 	snop;
	(pc) =	sbr.rel .LBB1_4-.Ltmp4, $1  }
0x3b: {  	_ =	sdelay $0x3  }
.LBB1_6:
0x3c: {  	_ =	sfence.sel $0x180000  }
0x3d: {  	s2 =	simm.s32 $0x1;
	[bflag:$0x0] =	sbarrier.arrive $0xFFFF  }
0x3e: {  	s31 =	simm.s32 $0x2;
	[sflag:s2] =	ssyncpa.u1 $0x1  }
0x3f: {  	[sflag:s31] =	ssyncpa.u1 $0x1  }
0x40: {  	p0 =	sne.s32 s0, $0x0;
	_ =	strace $0x9000004A  }
0x41: {  	s0 =	sadd.s32 @!p0 $0x100000, s1;
	[bflag:$0x2] =	sbarrier.arrive $0xFFFF  }
0x42: {  	[sflag:s0] =	ssyncadd.tile.s32 @!p0 $0x1;
	_ =	shalt  }
.Lfunc_end1:
_tile_overlayer_lowered:
.L_overlay_start_2:
0x43: {  	(tag) =	ssettag $0x2  }
0x44: {  	s0 =	rddreg [dreg:$0x0];
	s2 =	stileid.u32  }
0x45: {  	s1 =	rddreg [dreg:$0x1];
	p0 =	sne.s32 s2, $0x0  }
0x46: {  	s3 =	rddreg [dreg:$0x2];
	[bflag:$0x3] =	sbarrier.arrive $0xFFFF;
	s2 =	simm.s32 @!p0 $0x1C01  }
0x47: {  	[timem:s3], [sflag:s2] =	dma.local @!p0 [hbm:s0], s1  }
0x48: {  	s0 =	simm.s32 @!p0 $0x1  }
0x49: {  	_ =	swait.ge @!p0 [sflag:s0], s1  }
0x4a: {  	s1 =	ssub.s32 @!p0 $0x0, s1;
	[sflag:s0] =	ssyncset.done @!p0 $0x0  }
0x4b: {  	[sflag:s0] =	ssyncadd.s32 @!p0 s1  }
0x4c: {  	[bflag:$0x3] =	sbarrier.arrive $0xFFFF  }
0x4d: {  	_ =	shalt  }

</sc_bundles>
